<compile_context>
chip_gen: v7x
topology: tpu7x:2x2x1
jax: 0.10.2.dev20260603
libtpu: 0.0.44.dev20260713+nightly
codegen_flags: <defaults>
</compile_context>

<pallas_src>
import functools

import jax
import jax.numpy as jnp
from jax import lax
from jax.experimental import pallas as pl
from jax.experimental.pallas import tpu as pltpu
from jax.experimental.pallas import tpu_sc as plsc

B = 4
N = 50000
K = 16
KN = K * N
CHV = 400
NCHT = 125
CW = CHV * K
RCH = 16
GCH = 8


def _sc_gather_kernel(inter, idx, wbits, g1o, g2o, wto,
                      t1v, t2v, iv0, iv1, oa, obuf, tsem, is0, is1, osa, osb):
    ivb = (iv0, iv1)
    isem = (is0, is1)
    wid = lax.axis_index("c") * 16 + lax.axis_index("s")
    rowsC = lax.iota(jnp.int32, 16) * CHV

    def _in_copy(src, base, ci, p):
        return pltpu.make_async_copy(
            src.at[pl.ds(base + ci * CW, CW)], ivb[p], isem[p])

    def _drain_a():
        pltpu.make_async_copy(g1o.at[pl.ds(0, CW)], oa, osa).wait()

    def _drain_b():
        pltpu.make_async_copy(g1o.at[pl.ds(0, CW)], obuf, osb).wait()

    pa0 = (wid * 3) // 8
    th1 = pltpu.async_copy(inter.at[pl.ds(pa0 * 2 * N, N)], t1v, tsem)
    th2 = pltpu.async_copy(inter.at[pl.ds((pa0 * 2 + 1) * N, N)], t2v, tsem)

    wb = wid // 8
    wc0 = (wid % 8) * RCH
    wnch = jnp.minimum(NCHT - wc0, RCH)
    wbase = wb * KN + wc0 * CW

    _in_copy(wbits, wbase, 0, 0).start()
    _in_copy(wbits, wbase, 1, 1).start()

    def w_pair(g, _):
        for p in (0, 1):
            ci = g * 2 + p

            @pl.when(ci < wnch)
            def _do():
                _in_copy(wbits, wbase, ci, p).wait()

                @pl.when(ci >= 1)
                def _dr():
                    _drain_a()

                def body(v, __):
                    vw = ivb[p][pl.ds(v * 16, 16)]
                    plsc.store_scatter(oa, [rowsC + v],
                                       plsc.bitcast(vw, jnp.float32))
                    return 0
                lax.fori_loop(0, CHV, body, 0, unroll=8)
                pltpu.make_async_copy(
                    oa, wto.at[pl.ds(wbase + ci * CW, CW)], osa).start()

                @pl.when(ci + 2 < wnch)
                def _nx():
                    _in_copy(wbits, wbase, ci + 2, p).start()
        return 0

    lax.fori_loop(0, (RCH + 1) // 2, w_pair, 0)
    _drain_a()

    th1.wait()
    th2.wait()

    for rep in range(3):
        task = wid * 3 + rep
        pa = task // 8
        c0 = (task % 8) * RCH
        nch = jnp.minimum(NCHT - c0, RCH)
        b = pa // 3
        ibase = b * KN + c0 * CW
        obase = pa * KN + c0 * CW

        if rep > 0:
            prev_pa = (task - 1) // 8
            @pl.when(pa != prev_pa)
            def _reload():
                pltpu.sync_copy(inter.at[pl.ds(pa * 2 * N, N)], t1v)
                pltpu.sync_copy(inter.at[pl.ds((pa * 2 + 1) * N, N)], t2v)

        _in_copy(idx, ibase, 0, 0).start()
        _in_copy(idx, ibase, 1, 1).start()

        def g_pair(g, _):
            for p in (0, 1):
                ci = g * 2 + p

                @pl.when(ci < nch)
                def _do():
                    _in_copy(idx, ibase, ci, p).wait()

                    @pl.when(ci >= 1)
                    def _dra():
                        _drain_a()

                    def g1_body(v, __):
                        iv = ivb[p][pl.ds(v * 16, 16)]
                        plsc.store_scatter(oa, [rowsC + v],
                                           plsc.load_gather(t1v, [iv]))
                        return 0
                    lax.fori_loop(0, CHV, g1_body, 0, unroll=8)
                    pltpu.make_async_copy(
                        oa, g1o.at[pl.ds(obase + ci * CW, CW)], osa).start()

                    @pl.when(ci >= 1)
                    def _drb():
                        _drain_b()

                    def g2_body(v, __):
                        iv = ivb[p][pl.ds(v * 16, 16)]
                        plsc.store_scatter(obuf, [rowsC + v],
                                           plsc.load_gather(t2v, [iv]))
                        return 0
                    lax.fori_loop(0, CHV, g2_body, 0, unroll=8)
                    pltpu.make_async_copy(
                        obuf, g2o.at[pl.ds(obase + ci * CW, CW)], osb).start()

                    @pl.when(ci + 2 < nch)
                    def _nx():
                        _in_copy(idx, ibase, ci + 2, p).start()
            return 0

        lax.fori_loop(0, (RCH + 1) // 2, g_pair, 0)
        _drain_a()
        _drain_b()


@jax.jit
def _sc_gather(inter, idx, wbits):
    f32 = jnp.float32
    kern = functools.partial(
        pl.kernel,
        out_type=(
            jax.ShapeDtypeStruct((12 * KN,), f32),
            jax.ShapeDtypeStruct((12 * KN,), f32),
            jax.ShapeDtypeStruct((B * KN,), f32),
        ),
        mesh=plsc.VectorSubcoreMesh(core_axis_name="c", subcore_axis_name="s"),
        compiler_params=pltpu.CompilerParams(needs_layout_passes=False),
        scratch_types=[
            pltpu.VMEM((N,), f32),
            pltpu.VMEM((N,), f32),
            pltpu.VMEM((CW,), jnp.int32),
            pltpu.VMEM((CW,), jnp.int32),
            pltpu.VMEM((CW,), f32),
            pltpu.VMEM((CW,), f32),
            pltpu.SemaphoreType.DMA,
            pltpu.SemaphoreType.DMA,
            pltpu.SemaphoreType.DMA,
            pltpu.SemaphoreType.DMA,
            pltpu.SemaphoreType.DMA,
        ],
    )(_sc_gather_kernel)
    return kern(inter, idx, wbits)


def _tc_rot_kernel(g1_ref, g2_ref, w_ref, x1_ref, x2_ref, o_ref):
    g1 = g1_ref[0]
    g2 = g2_ref[0]
    w = w_ref[0]
    x1 = x1_ref[0]
    x2 = x2_ref[0]

    d1 = [x1[a][:, None, :] - g1[a] for a in range(3)]
    wd1 = [w * d1[a] for a in range(3)]
    d2 = [x2[c][:, None, :] - g2[c] for c in range(3)]
    X = [[jnp.sum(wd1[c] * d2[a], axis=1) for c in range(3)] for a in range(3)]

    fro = X[0][0] * X[0][0]
    for a in range(3):
        for c in range(3):
            if a or c:
                fro = fro + X[a][c] * X[a][c]
    inv_f = lax.rsqrt(jnp.maximum(fro * (1.0 / 3.0), 1e-30))
    X = [[X[a][c] * inv_f for c in range(3)] for a in range(3)]

    for it in range(8):
        C00 = X[1][1] * X[2][2] - X[1][2] * X[2][1]
        C01 = X[1][2] * X[2][0] - X[1][0] * X[2][2]
        C02 = X[1][0] * X[2][1] - X[1][1] * X[2][0]
        C10 = X[0][2] * X[2][1] - X[0][1] * X[2][2]
        C11 = X[0][0] * X[2][2] - X[0][2] * X[2][0]
        C12 = X[0][1] * X[2][0] - X[0][0] * X[2][1]
        C20 = X[0][1] * X[1][2] - X[0][2] * X[1][1]
        C21 = X[0][2] * X[1][0] - X[0][0] * X[1][2]
        C22 = X[0][0] * X[1][1] - X[0][1] * X[1][0]
        C = [[C00, C01, C02], [C10, C11, C12], [C20, C21, C22]]
        det = X[0][0] * C00 + X[0][1] * C01 + X[0][2] * C02
        det = jnp.where(jnp.abs(det) < 1e-30, 1e-30, det)
        if it < 5:
            g = jnp.exp(jnp.log(jnp.abs(det)) * (-1.0 / 3.0))
            inv_gd = 0.5 / (g * det)
            X = [[X[a][c] * (0.5 * g) + C[a][c] * inv_gd for c in range(3)]
                 for a in range(3)]
        else:
            inv_d = 0.5 / det
            X = [[X[a][c] * 0.5 + C[a][c] * inv_d for c in range(3)]
                 for a in range(3)]

    o_ref[0] = jnp.stack([X[a][c] for a in range(3) for c in range(3)],
                         axis=1)


@jax.jit
def _tc_rot(G1, G2, WT, x1c, x2c):
    nblk = (NCHT + GCH - 1) // GCH
    return pl.pallas_call(
        _tc_rot_kernel,
        grid=(B, nblk),
        in_specs=[
            pl.BlockSpec((1, 3, GCH, K, CHV), lambda b, n: (b, 0, n, 0, 0)),
            pl.BlockSpec((1, 3, GCH, K, CHV), lambda b, n: (b, 0, n, 0, 0)),
            pl.BlockSpec((1, GCH, K, CHV), lambda b, n: (b, n, 0, 0)),
            pl.BlockSpec((1, 3, GCH, CHV), lambda b, n: (b, 0, n, 0)),
            pl.BlockSpec((1, 3, GCH, CHV), lambda b, n: (b, 0, n, 0)),
        ],
        out_specs=pl.BlockSpec((1, GCH, 9, CHV), lambda b, n: (b, n, 0, 0)),
        out_shape=jax.ShapeDtypeStruct((B, NCHT, 9, CHV), jnp.float32),
    )(G1, G2, WT, x1c, x2c)


def kernel(xyz1, xyz2, neighborList, numNeighbors, accnumNeighbors,
           weightMatrix, rotations, arapWeight):
    x1T = xyz1.transpose(0, 2, 1)
    x2T = xyz2.transpose(0, 2, 1)
    inter = jnp.stack([x1T.reshape(B * 3, N), x2T.reshape(B * 3, N)],
                      axis=1).reshape(2 * B * 3 * N)
    idx = neighborList.reshape(B * KN)
    wbits = lax.bitcast_convert_type(weightMatrix, jnp.int32).reshape(B * KN)

    G1f, G2f, WTf = _sc_gather(inter, idx, wbits)
    G1 = G1f.reshape(B, 3, NCHT, K, CHV)
    G2 = G2f.reshape(B, 3, NCHT, K, CHV)
    WT = WTf.reshape(B, NCHT, K, CHV)

    out = _tc_rot(G1, G2, WT,
                  x1T.reshape(B, 3, NCHT, CHV), x2T.reshape(B, 3, NCHT, CHV))
    return out.transpose(0, 1, 3, 2).reshape(B, N, 9)

# --- scband reference (transcript-rebuilt; emitter-appended) ---
"""Pipeline reference for scband-bending-42880953484261 (READ-ONLY COPY).

The authoritative reference and input builder live on the scoring server;
editing this copy changes nothing except your own understanding.
"""

import jax, jax.numpy as jnp
import numpy as np

B, N, K = 4, 50000, 16


def setup_inputs(seed: int = 0) -> dict:
    key = jax.random.key(seed)
    ks = jax.random.split(key, 6)
    xyz1 = jax.random.normal(ks[0], (B, N, 3), dtype=jnp.float32)
    xyz2 = xyz1 + 0.05 * jax.random.normal(ks[1], (B, N, 3), dtype=jnp.float32)
    # fixed-degree ragged layout: every vertex has exactly K neighbors,
    # neighborList flattened to [B, N*K], accnumNeighbors are prefix offsets i*K
    neighborList = jax.random.randint(ks[2], (B, N * K), 0, N, dtype=jnp.int32)
    numNeighbors = jnp.full((B, N), K, dtype=jnp.int32)
    accnumNeighbors = jnp.tile((jnp.arange(N, dtype=jnp.int32) * K)[None, :], (B, 1))
    weightMatrix = jax.random.uniform(ks[3], (B, N * K), dtype=jnp.float32, minval=0.1, maxval=1.0)
    rotations = jnp.tile(jnp.eye(3, dtype=jnp.float32).reshape(1, 1, 9), (B, N, 1))
    arapWeight = jnp.ones((1,), dtype=jnp.float32)
    return {"xyz1": xyz1, "xyz2": xyz2, "neighborList": neighborList,
            "numNeighbors": numNeighbors, "accnumNeighbors": accnumNeighbors,
            "weightMatrix": weightMatrix, "rotations": rotations, "arapWeight": arapWeight}


def reference(xyz1, xyz2, neighborList, numNeighbors, accnumNeighbors, weightMatrix, rotations, arapWeight):
    # ARAP local rotation update: for each vertex i,
    #   S_i = sum_j w_ij (x1_i - x1_j)(x2_i - x2_j)^T,  R_i = V diag(1,1,det) U^T from SVD(S_i)
    b, n, _ = xyz1.shape
    k = neighborList.shape[1] // n
    idx = neighborList.reshape(b, n, k)
    gather = jax.vmap(lambda pts, i: jnp.take(pts, i, axis=0))
    nb1 = gather(xyz1, idx)  # [B, N, K, 3]
    nb2 = gather(xyz2, idx)
    d1 = xyz1[:, :, None, :] - nb1
    d2 = xyz2[:, :, None, :] - nb2
    w = weightMatrix.reshape(b, n, k)
    S = jnp.einsum('bnka,bnkc,bnk->bnac', d1, d2, w)  # [B, N, 3, 3]
    U, s, Vt = jnp.linalg.svd(S, full_matrices=False)
    V = jnp.swapaxes(Vt, -1, -2)
    Ut = jnp.swapaxes(U, -1, -2)
    R0 = V @ Ut
    det = jnp.linalg.det(R0)
    sgn = jnp.where(det < 0.0, -1.0, 1.0)
    Vfix = V.at[..., :, 2].multiply(sgn[..., None])
    R = Vfix @ Ut
    return R.reshape(b, n, 9)

if __name__ == "__main__":
    import jax
    _d = setup_inputs()
    print(jax.jit(kernel)(*tuple(_d.values())))

</pallas_src>

<mosaic_0001>
#map = affine_map<(d0, d1) -> (0)>
module attributes {stable_mosaic.version = 14 : i64} {
  func.func @_sc_gather_kernel(%arg0: i32, %arg1: i32, %arg2: memref<1200000xf32, #tpu.memory_space<hbm>>, %arg3: memref<3200000xi32, #tpu.memory_space<hbm>>, %arg4: memref<3200000xi32, #tpu.memory_space<hbm>>, %arg5: memref<9600000xf32, #tpu.memory_space<hbm>>, %arg6: memref<9600000xf32, #tpu.memory_space<hbm>>, %arg7: memref<3200000xf32, #tpu.memory_space<hbm>>, %arg8: memref<50000xf32, #tpu.memory_space<vmem>>, %arg9: memref<50000xf32, #tpu.memory_space<vmem>>, %arg10: memref<6400xi32, #tpu.memory_space<vmem>>, %arg11: memref<6400xi32, #tpu.memory_space<vmem>>, %arg12: memref<6400xf32, #tpu.memory_space<vmem>>, %arg13: memref<6400xf32, #tpu.memory_space<vmem>>, %arg14: memref<!tpu.dma_semaphore, #tpu.memory_space<semaphore_mem>>, %arg15: memref<!tpu.dma_semaphore, #tpu.memory_space<semaphore_mem>>, %arg16: memref<!tpu.dma_semaphore, #tpu.memory_space<semaphore_mem>>, %arg17: memref<!tpu.dma_semaphore, #tpu.memory_space<semaphore_mem>>, %arg18: memref<!tpu.dma_semaphore, #tpu.memory_space<semaphore_mem>>) attributes {dimension_semantics = [#tpu.dimension_semantics<core_parallel>, #tpu.dimension_semantics<subcore_parallel>], iteration_bounds = array<i64: 2, 16>, scalar_prefetch = 0 : i64, scratch_operands = 11 : i64, tpu.core_type = #tpu.core_type<sc_vector_subcore>, window_params = [{transform_indices = #map}, {transform_indices = #map}, {transform_indices = #map}, {transform_indices = #map}, {transform_indices = #map}, {transform_indices = #map}]} {
    %mul3A = arith.constant 16 : i32
    %mul3A_0 = arith.muli %arg0, %mul3A : i32
    %add3A = arith.addi %mul3A_0, %arg1 : i32
    %iota3A = tpu.iota {dimensions = array<i32: 0>} : vector<16xi32>
    %mul3A_1 = arith.constant 400 : i32
    %mul3A_2 = vector.broadcast %mul3A_1 : i32 to vector<16xi32>
    %mul3A_3 = arith.muli %iota3A, %mul3A_2 : vector<16xi32>
    %mul3A_4 = arith.constant 3 : i32
    %mul3A_5 = arith.muli %add3A, %mul3A_4 : i32
    %jit3A = arith.constant 8 : i32
    %div3A = arith.divsi %mul3A_5, %jit3A : i32
    %sign3A = arith.constant 0 : i32
    %sign3A_6 = arith.cmpi sgt, %mul3A_5, %sign3A : i32
    %sign3A_7 = arith.extui %sign3A_6 : i1 to i32
    %sign3A_8 = arith.constant 0 : i32
    %sign3A_9 = arith.cmpi slt, %mul3A_5, %sign3A_8 : i32
    %sign3A_10 = arith.extui %sign3A_9 : i1 to i32
    %sign3A_11 = arith.subi %sign3A_7, %sign3A_10 : i32
    %sign3A_12 = arith.constant 0 : i32
    %sign3A_13 = arith.cmpi sgt, %jit3A, %sign3A_12 : i32
    %sign3A_14 = arith.extui %sign3A_13 : i1 to i32
    %sign3A_15 = arith.constant 0 : i32
    %sign3A_16 = arith.cmpi slt, %jit3A, %sign3A_15 : i32
    %sign3A_17 = arith.extui %sign3A_16 : i1 to i32
    %sign3A_18 = arith.subi %sign3A_14, %sign3A_17 : i32
    %ne3A = arith.cmpi ne, %sign3A_11, %sign3A_18 : i32
    %rem3A = arith.remsi %mul3A_5, %jit3A : i32
    %ne3A_19 = arith.constant 0 : i32
    %ne3A_20 = arith.cmpi ne, %rem3A, %ne3A_19 : i32
    %and3A = arith.andi %ne3A, %ne3A_20 : i1
    %sub3A = arith.constant 1 : i32
    %sub3A_21 = arith.subi %div3A, %sub3A : i32
    %select_n3A = arith.select %and3A, %sub3A_21, %div3A : i32
    %mul3A_22 = arith.constant 2 : i32
    %mul3A_23 = arith.muli %select_n3A, %mul3A_22 : i32
    %mul3A_24 = arith.constant 50000 : i32
    %mul3A_25 = arith.muli %mul3A_23, %mul3A_24 : i32
    %dma_start3A = tpu.memref_slice %arg2[%mul3A_25] : memref<1200000xf32, #tpu.memory_space<hbm>> -> memref<50000xf32, #tpu.memory_space<hbm>>
    %dma_start3A_26 = tpu.memref_slice %arg2[%mul3A_25] : memref<1200000xf32, #tpu.memory_space<hbm>> -> memref<50000xf32, #tpu.memory_space<hbm>>
    tpu.enqueue_dma source(%dma_start3A_26 : memref<50000xf32, #tpu.memory_space<hbm>>) target(%arg8 : memref<50000xf32, #tpu.memory_space<vmem>>) target_semaphore(%arg14 : memref<!tpu.dma_semaphore, #tpu.memory_space<semaphore_mem>>)
    %mul3A_27 = arith.constant 2 : i32
    %mul3A_28 = arith.muli %select_n3A, %mul3A_27 : i32
    %add3A_29 = arith.constant 1 : i32
    %add3A_30 = arith.addi %mul3A_28, %add3A_29 : i32
    %mul3A_31 = arith.constant 50000 : i32
    %mul3A_32 = arith.muli %add3A_30, %mul3A_31 : i32
    %dma_start3A_33 = tpu.memref_slice %arg2[%mul3A_32] : memref<1200000xf32, #tpu.memory_space<hbm>> -> memref<50000xf32, #tpu.memory_space<hbm>>
    %dma_start3A_34 = tpu.memref_slice %arg2[%mul3A_32] : memref<1200000xf32, #tpu.memory_space<hbm>> -> memref<50000xf32, #tpu.memory_space<hbm>>
    tpu.enqueue_dma source(%dma_start3A_34 : memref<50000xf32, #tpu.memory_space<hbm>>) target(%arg9 : memref<50000xf32, #tpu.memory_space<vmem>>) target_semaphore(%arg14 : memref<!tpu.dma_semaphore, #tpu.memory_space<semaphore_mem>>)
    %jit3A_35 = arith.constant 8 : i32
    %div3A_36 = arith.divsi %add3A, %jit3A_35 : i32
    %sign3A_37 = arith.constant 0 : i32
    %sign3A_38 = arith.cmpi sgt, %add3A, %sign3A_37 : i32
    %sign3A_39 = arith.extui %sign3A_38 : i1 to i32
    %sign3A_40 = arith.constant 0 : i32
    %sign3A_41 = arith.cmpi slt, %add3A, %sign3A_40 : i32
    %sign3A_42 = arith.extui %sign3A_41 : i1 to i32
    %sign3A_43 = arith.subi %sign3A_39, %sign3A_42 : i32
    %sign3A_44 = arith.constant 0 : i32
    %sign3A_45 = arith.cmpi sgt, %jit3A_35, %sign3A_44 : i32
    %sign3A_46 = arith.extui %sign3A_45 : i1 to i32
    %sign3A_47 = arith.constant 0 : i32
    %sign3A_48 = arith.cmpi slt, %jit3A_35, %sign3A_47 : i32
    %sign3A_49 = arith.extui %sign3A_48 : i1 to i32
    %sign3A_50 = arith.subi %sign3A_46, %sign3A_49 : i32
    %ne3A_51 = arith.cmpi ne, %sign3A_43, %sign3A_50 : i32
    %rem3A_52 = arith.remsi %add3A, %jit3A_35 : i32
    %ne3A_53 = arith.constant 0 : i32
    %ne3A_54 = arith.cmpi ne, %rem3A_52, %ne3A_53 : i32
    %and3A_55 = arith.andi %ne3A_51, %ne3A_54 : i1
    %sub3A_56 = arith.constant 1 : i32
    %sub3A_57 = arith.subi %div3A_36, %sub3A_56 : i32
    %select_n3A_58 = arith.select %and3A_55, %sub3A_57, %div3A_36 : i32
    %jit3A_59 = arith.constant 8 : i32
    %eq3A = arith.constant 0 : i32
    %eq3A_60 = arith.cmpi eq, %jit3A_59, %eq3A : i32
    %jit3A_61 = arith.constant 1 : i32
    %select_n3A_62 = arith.select %eq3A_60, %jit3A_61, %jit3A_59 : i32
    %rem3A_63 = arith.remsi %add3A, %select_n3A_62 : i32
    %ne3A_64 = arith.constant 0 : i32
    %ne3A_65 = arith.cmpi ne, %rem3A_63, %ne3A_64 : i32
    %lt3A = arith.constant 0 : i32
    %lt3A_66 = arith.cmpi slt, %rem3A_63, %lt3A : i32
    %lt3A_67 = arith.constant 0 : i32
    %lt3A_68 = arith.cmpi slt, %select_n3A_62, %lt3A_67 : i32
    %ne3A_69 = arith.xori %lt3A_66, %lt3A_68 : i1
    %and3A_70 = arith.andi %ne3A_69, %ne3A_65 : i1
    %add3A_71 = arith.addi %rem3A_63, %select_n3A_62 : i32
    %select_n3A_72 = arith.select %and3A_70, %add3A_71, %rem3A_63 : i32
    %mul3A_73 = arith.constant 16 : i32
    %mul3A_74 = arith.muli %select_n3A_72, %mul3A_73 : i32
    %sub3A_75 = arith.constant 125 : i32
    %sub3A_76 = arith.subi %sub3A_75, %mul3A_74 : i32
    %min3A = arith.constant 16 : i32
    %min3A_77 = arith.minsi %sub3A_76, %min3A : i32
    %mul3A_78 = arith.constant 800000 : i32
    %mul3A_79 = arith.muli %select_n3A_58, %mul3A_78 : i32
    %mul3A_80 = arith.constant 6400 : i32
    %mul3A_81 = arith.muli %mul3A_74, %mul3A_80 : i32
    %add3A_82 = arith.addi %mul3A_79, %mul3A_81 : i32
    %add3A_83 = arith.constant 0 : i32
    %add3A_84 = arith.addi %add3A_82, %add3A_83 : i32
    %dma_start3A_85 = tpu.memref_slice %arg4[%add3A_84] : memref<3200000xi32, #tpu.memory_space<hbm>> -> memref<6400xi32, #tpu.memory_space<hbm>>
    %dma_start3A_86 = tpu.memref_slice %arg4[%add3A_84] : memref<3200000xi32, #tpu.memory_space<hbm>> -> memref<6400xi32, #tpu.memory_space<hbm>>
    tpu.enqueue_dma source(%dma_start3A_86 : memref<6400xi32, #tpu.memory_space<hbm>>) target(%arg10 : memref<6400xi32, #tpu.memory_space<vmem>>) target_semaphore(%arg15 : memref<!tpu.dma_semaphore, #tpu.memory_space<semaphore_mem>>)
    %add3A_87 = arith.constant 6400 : i32
    %add3A_88 = arith.addi %add3A_82, %add3A_87 : i32
    %dma_start3A_89 = tpu.memref_slice %arg4[%add3A_88] : memref<3200000xi32, #tpu.memory_space<hbm>> -> memref<6400xi32, #tpu.memory_space<hbm>>
    %dma_start3A_90 = tpu.memref_slice %arg4[%add3A_88] : memref<3200000xi32, #tpu.memory_space<hbm>> -> memref<6400xi32, #tpu.memory_space<hbm>>
    tpu.enqueue_dma source(%dma_start3A_90 : memref<6400xi32, #tpu.memory_space<hbm>>) target(%arg11 : memref<6400xi32, #tpu.memory_space<vmem>>) target_semaphore(%arg16 : memref<!tpu.dma_semaphore, #tpu.memory_space<semaphore_mem>>)
    %scan3A = arith.constant 0 : i32
    %scan3A_91 = arith.constant 0 : i32
    %scan3A_92 = arith.constant 8 : i32
    %scan3A_93 = arith.addi %scan3A_91, %scan3A_92 : i32
    %scan3A_94 = arith.constant 1 : i32
    %scan3A_95 = scf.for %scan3A_483 = %scan3A_91 to %scan3A_93 step %scan3A_94 iter_args(%scan3A_484 = %scan3A) -> (i32)  : i32 {
      %mul3A_485 = arith.constant 2 : i32
      %mul3A_486 = arith.muli %scan3A_483, %mul3A_485 : i32
      %add3A_487 = arith.constant 0 : i32
      %add3A_488 = arith.addi %mul3A_486, %add3A_487 : i32
      %lt3A_489 = arith.cmpi slt, %add3A_488, %min3A_77 : i32
      %convert_element_type3A_490 = arith.extui %lt3A_489 : i1 to i32
      %cond3A_491 = arith.constant 0 : i32
      %cond3A_492 = arith.cmpi ne, %convert_element_type3A_490, %cond3A_491 : i32
      scf.if %cond3A_492 {
        %mul3A_502 = arith.constant 6400 : i32
        %mul3A_503 = arith.muli %add3A_488, %mul3A_502 : i32
        %add3A_504 = arith.addi %add3A_82, %mul3A_503 : i32
        %dma_wait3A_505 = tpu.memref_slice %arg4[%add3A_504] : memref<3200000xi32, #tpu.memory_space<hbm>> -> memref<6400xi32, #tpu.memory_space<hbm>>
        %dma_wait3A_506 = tpu.memref_slice %arg4[%add3A_504] : memref<3200000xi32, #tpu.memory_space<hbm>> -> memref<6400xi32, #tpu.memory_space<hbm>>
        tpu.wait_dma2 semaphore(%arg15 : memref<!tpu.dma_semaphore, #tpu.memory_space<semaphore_mem>>) src(%dma_wait3A_506 : memref<6400xi32, #tpu.memory_space<hbm>>) dst(%arg10 : memref<6400xi32, #tpu.memory_space<vmem>>)
        %ge3A = arith.constant 1 : i32
        %ge3A_507 = arith.cmpi sge, %add3A_488, %ge3A : i32
        %convert_element_type3A_508 = arith.extui %ge3A_507 : i1 to i32
        %cond3A_509 = arith.constant 0 : i32
        %cond3A_510 = arith.cmpi ne, %convert_element_type3A_508, %cond3A_509 : i32
        scf.if %cond3A_510 {
          %dma_wait3A_529 = arith.constant 0 : i32
          %dma_wait3A_530 = tpu.memref_slice %arg5[%dma_wait3A_529] : memref<9600000xf32, #tpu.memory_space<hbm>> -> memref<6400xf32, #tpu.memory_space<hbm>>
          %dma_wait3A_531 = arith.constant 0 : i32
          %dma_wait3A_532 = tpu.memref_slice %arg5[%dma_wait3A_531] : memref<9600000xf32, #tpu.memory_space<hbm>> -> memref<6400xf32, #tpu.memory_space<hbm>>
          tpu.wait_dma2 semaphore(%arg17 : memref<!tpu.dma_semaphore, #tpu.memory_space<semaphore_mem>>) src(%dma_wait3A_532 : memref<6400xf32, #tpu.memory_space<hbm>>) dst(%arg12 : memref<6400xf32, #tpu.memory_space<vmem>>)
        } else {
        }
        %scan3A_511 = arith.constant 0 : i32
        %scan3A_512 = arith.constant 0 : i32
        %scan3A_513 = arith.constant 400 : i32
        %scan3A_514 = arith.addi %scan3A_512, %scan3A_513 : i32
        %scan3A_515 = arith.constant 8 : i32
        %scan3A_516 = scf.for %scan3A_529 = %scan3A_512 to %scan3A_514 step %scan3A_515 iter_args(%scan3A_530 = %scan3A_511) -> (i32)  : i32 {
          %mul3A_531 = arith.constant 16 : i32
          %mul3A_532 = arith.muli %scan3A_529, %mul3A_531 : i32
          %get3A = arith.index_cast %mul3A_532 : i32 to index
          %get3A_533 = tpu.vector_load %arg10[%get3A] {strides = array<i32>} : memref<6400xi32, #tpu.memory_space<vmem>>, vector<16xi32>,
          %add3A_534 = vector.broadcast %scan3A_529 : i32 to vector<16xi32>
          %add3A_535 = arith.addi %mul3A_3, %add3A_534 : vector<16xi32>
          %bitcast3A = vector.bitcast %get3A_533 : vector<16xi32> to vector<16xf32>
          tpu.vector_store_idx %arg12[%add3A_535], %bitcast3A : memref<6400xf32, #tpu.memory_space<vmem>>[vector<16xi32>], vector<16xf32>,
          %scan3A_536 = arith.constant 0 : i32
          %scan3A_537 = arith.constant 1 : i32
          %scan3A_538 = arith.addi %scan3A_529, %scan3A_537 : i32
          %mul3A_539 = arith.constant 16 : i32
          %mul3A_540 = arith.muli %scan3A_538, %mul3A_539 : i32
          %get3A_541 = arith.index_cast %mul3A_540 : i32 to index
          %get3A_542 = tpu.vector_load %arg10[%get3A_541] {strides = array<i32>} : memref<6400xi32, #tpu.memory_space<vmem>>, vector<16xi32>,
          %add3A_543 = vector.broadcast %scan3A_538 : i32 to vector<16xi32>
          %add3A_544 = arith.addi %mul3A_3, %add3A_543 : vector<16xi32>
          %bitcast3A_545 = vector.bitcast %get3A_542 : vector<16xi32> to vector<16xf32>
          tpu.vector_store_idx %arg12[%add3A_544], %bitcast3A_545 : memref<6400xf32, #tpu.memory_space<vmem>>[vector<16xi32>], vector<16xf32>,
          %scan3A_546 = arith.constant 0 : i32
          %scan3A_547 = arith.constant 2 : i32
          %scan3A_548 = arith.addi %scan3A_529, %scan3A_547 : i32
          %mul3A_549 = arith.constant 16 : i32
          %mul3A_550 = arith.muli %scan3A_548, %mul3A_549 : i32
          %get3A_551 = arith.index_cast %mul3A_550 : i32 to index
          %get3A_552 = tpu.vector_load %arg10[%get3A_551] {strides = array<i32>} : memref<6400xi32, #tpu.memory_space<vmem>>, vector<16xi32>,
          %add3A_553 = vector.broadcast %scan3A_548 : i32 to vector<16xi32>
          %add3A_554 = arith.addi %mul3A_3, %add3A_553 : vector<16xi32>
          %bitcast3A_555 = vector.bitcast %get3A_552 : vector<16xi32> to vector<16xf32>
          tpu.vector_store_idx %arg12[%add3A_554], %bitcast3A_555 : memref<6400xf32, #tpu.memory_space<vmem>>[vector<16xi32>], vector<16xf32>,
          %scan3A_556 = arith.constant 0 : i32
          %scan3A_557 = arith.constant 3 : i32
          %scan3A_558 = arith.addi %scan3A_529, %scan3A_557 : i32
          %mul3A_559 = arith.constant 16 : i32
          %mul3A_560 = arith.muli %scan3A_558, %mul3A_559 : i32
          %get3A_561 = arith.index_cast %mul3A_560 : i32 to index
          %get3A_562 = tpu.vector_load %arg10[%get3A_561] {strides = array<i32>} : memref<6400xi32, #tpu.memory_space<vmem>>, vector<16xi32>,
          %add3A_563 = vector.broadcast %scan3A_558 : i32 to vector<16xi32>
          %add3A_564 = arith.addi %mul3A_3, %add3A_563 : vector<16xi32>
          %bitcast3A_565 = vector.bitcast %get3A_562 : vector<16xi32> to vector<16xf32>
          tpu.vector_store_idx %arg12[%add3A_564], %bitcast3A_565 : memref<6400xf32, #tpu.memory_space<vmem>>[vector<16xi32>], vector<16xf32>,
          %scan3A_566 = arith.constant 0 : i32
          %scan3A_567 = arith.constant 4 : i32
          %scan3A_568 = arith.addi %scan3A_529, %scan3A_567 : i32
          %mul3A_569 = arith.constant 16 : i32
          %mul3A_570 = arith.muli %scan3A_568, %mul3A_569 : i32
          %get3A_571 = arith.index_cast %mul3A_570 : i32 to index
          %get3A_572 = tpu.vector_load %arg10[%get3A_571] {strides = array<i32>} : memref<6400xi32, #tpu.memory_space<vmem>>, vector<16xi32>,
          %add3A_573 = vector.broadcast %scan3A_568 : i32 to vector<16xi32>
          %add3A_574 = arith.addi %mul3A_3, %add3A_573 : vector<16xi32>
          %bitcast3A_575 = vector.bitcast %get3A_572 : vector<16xi32> to vector<16xf32>
          tpu.vector_store_idx %arg12[%add3A_574], %bitcast3A_575 : memref<6400xf32, #tpu.memory_space<vmem>>[vector<16xi32>], vector<16xf32>,
          %scan3A_576 = arith.constant 0 : i32
          %scan3A_577 = arith.constant 5 : i32
          %scan3A_578 = arith.addi %scan3A_529, %scan3A_577 : i32
          %mul3A_579 = arith.constant 16 : i32
          %mul3A_580 = arith.muli %scan3A_578, %mul3A_579 : i32
          %get3A_581 = arith.index_cast %mul3A_580 : i32 to index
          %get3A_582 = tpu.vector_load %arg10[%get3A_581] {strides = array<i32>} : memref<6400xi32, #tpu.memory_space<vmem>>, vector<16xi32>,
          %add3A_583 = vector.broadcast %scan3A_578 : i32 to vector<16xi32>
          %add3A_584 = arith.addi %mul3A_3, %add3A_583 : vector<16xi32>
          %bitcast3A_585 = vector.bitcast %get3A_582 : vector<16xi32> to vector<16xf32>
          tpu.vector_store_idx %arg12[%add3A_584], %bitcast3A_585 : memref<6400xf32, #tpu.memory_space<vmem>>[vector<16xi32>], vector<16xf32>,
          %scan3A_586 = arith.constant 0 : i32
          %scan3A_587 = arith.constant 6 : i32
          %scan3A_588 = arith.addi %scan3A_529, %scan3A_587 : i32
          %mul3A_589 = arith.constant 16 : i32
          %mul3A_590 = arith.muli %scan3A_588, %mul3A_589 : i32
          %get3A_591 = arith.index_cast %mul3A_590 : i32 to index
          %get3A_592 = tpu.vector_load %arg10[%get3A_591] {strides = array<i32>} : memref<6400xi32, #tpu.memory_space<vmem>>, vector<16xi32>,
          %add3A_593 = vector.broadcast %scan3A_588 : i32 to vector<16xi32>
          %add3A_594 = arith.addi %mul3A_3, %add3A_593 : vector<16xi32>
          %bitcast3A_595 = vector.bitcast %get3A_592 : vector<16xi32> to vector<16xf32>
          tpu.vector_store_idx %arg12[%add3A_594], %bitcast3A_595 : memref<6400xf32, #tpu.memory_space<vmem>>[vector<16xi32>], vector<16xf32>,
          %scan3A_596 = arith.constant 0 : i32
          %scan3A_597 = arith.constant 7 : i32
          %scan3A_598 = arith.addi %scan3A_529, %scan3A_597 : i32
          %mul3A_599 = arith.constant 16 : i32
          %mul3A_600 = arith.muli %scan3A_598, %mul3A_599 : i32
          %get3A_601 = arith.index_cast %mul3A_600 : i32 to index
          %get3A_602 = tpu.vector_load %arg10[%get3A_601] {strides = array<i32>} : memref<6400xi32, #tpu.memory_space<vmem>>, vector<16xi32>,
          %add3A_603 = vector.broadcast %scan3A_598 : i32 to vector<16xi32>
          %add3A_604 = arith.addi %mul3A_3, %add3A_603 : vector<16xi32>
          %bitcast3A_605 = vector.bitcast %get3A_602 : vector<16xi32> to vector<16xf32>
          tpu.vector_store_idx %arg12[%add3A_604], %bitcast3A_605 : memref<6400xf32, #tpu.memory_space<vmem>>[vector<16xi32>], vector<16xf32>,
          %scan3A_606 = arith.constant 0 : i32
          scf.yield %scan3A_606 : i32
        }
        %scan3A_517 = arith.constant 400 : i32
        %mul3A_518 = arith.constant 6400 : i32
        %mul3A_519 = arith.muli %add3A_488, %mul3A_518 : i32
        %add3A_520 = arith.addi %add3A_82, %mul3A_519 : i32
        %dma_start3A_521 = tpu.memref_slice %arg7[%add3A_520] : memref<3200000xf32, #tpu.memory_space<hbm>> -> memref<6400xf32, #tpu.memory_space<hbm>>
        %dma_start3A_522 = tpu.memref_slice %arg7[%add3A_520] : memref<3200000xf32, #tpu.memory_space<hbm>> -> memref<6400xf32, #tpu.memory_space<hbm>>
        tpu.enqueue_dma source(%arg12 : memref<6400xf32, #tpu.memory_space<vmem>>) target(%dma_start3A_522 : memref<6400xf32, #tpu.memory_space<hbm>>) target_semaphore(%arg17 : memref<!tpu.dma_semaphore, #tpu.memory_space<semaphore_mem>>)
        %add3A_523 = arith.constant 2 : i32
        %add3A_524 = arith.addi %add3A_488, %add3A_523 : i32
        %lt3A_525 = arith.cmpi slt, %add3A_524, %min3A_77 : i32
        %convert_element_type3A_526 = arith.extui %lt3A_525 : i1 to i32
        %cond3A_527 = arith.constant 0 : i32
        %cond3A_528 = arith.cmpi ne, %convert_element_type3A_526, %cond3A_527 : i32
        scf.if %cond3A_528 {
          %add3A_529 = arith.constant 2 : i32
          %add3A_530 = arith.addi %add3A_488, %add3A_529 : i32
          %mul3A_531 = arith.constant 6400 : i32
          %mul3A_532 = arith.muli %add3A_530, %mul3A_531 : i32
          %add3A_533 = arith.addi %add3A_82, %mul3A_532 : i32
          %dma_start3A_534 = tpu.memref_slice %arg4[%add3A_533] : memref<3200000xi32, #tpu.memory_space<hbm>> -> memref<6400xi32, #tpu.memory_space<hbm>>
          %dma_start3A_535 = tpu.memref_slice %arg4[%add3A_533] : memref<3200000xi32, #tpu.memory_space<hbm>> -> memref<6400xi32, #tpu.memory_space<hbm>>
          tpu.enqueue_dma source(%dma_start3A_535 : memref<6400xi32, #tpu.memory_space<hbm>>) target(%arg10 : memref<6400xi32, #tpu.memory_space<vmem>>) target_semaphore(%arg15 : memref<!tpu.dma_semaphore, #tpu.memory_space<semaphore_mem>>)
        } else {
        }
      } else {
      }
      %mul3A_493 = arith.constant 2 : i32
      %mul3A_494 = arith.muli %scan3A_483, %mul3A_493 : i32
      %add3A_495 = arith.constant 1 : i32
      %add3A_496 = arith.addi %mul3A_494, %add3A_495 : i32
      %lt3A_497 = arith.cmpi slt, %add3A_496, %min3A_77 : i32
      %convert_element_type3A_498 = arith.extui %lt3A_497 : i1 to i32
      %cond3A_499 = arith.constant 0 : i32
      %cond3A_500 = arith.cmpi ne, %convert_element_type3A_498, %cond3A_499 : i32
      scf.if %cond3A_500 {
        %mul3A_502 = arith.constant 6400 : i32
        %mul3A_503 = arith.muli %add3A_496, %mul3A_502 : i32
        %add3A_504 = arith.addi %add3A_82, %mul3A_503 : i32
        %dma_wait3A_505 = tpu.memref_slice %arg4[%add3A_504] : memref<3200000xi32, #tpu.memory_space<hbm>> -> memref<6400xi32, #tpu.memory_space<hbm>>
        %dma_wait3A_506 = tpu.memref_slice %arg4[%add3A_504] : memref<3200000xi32, #tpu.memory_space<hbm>> -> memref<6400xi32, #tpu.memory_space<hbm>>
        tpu.wait_dma2 semaphore(%arg16 : memref<!tpu.dma_semaphore, #tpu.memory_space<semaphore_mem>>) src(%dma_wait3A_506 : memref<6400xi32, #tpu.memory_space<hbm>>) dst(%arg11 : memref<6400xi32, #tpu.memory_space<vmem>>)
        %ge3A = arith.constant 1 : i32
        %ge3A_507 = arith.cmpi sge, %add3A_496, %ge3A : i32
        %convert_element_type3A_508 = arith.extui %ge3A_507 : i1 to i32
        %cond3A_509 = arith.constant 0 : i32
        %cond3A_510 = arith.cmpi ne, %convert_element_type3A_508, %cond3A_509 : i32
        scf.if %cond3A_510 {
          %dma_wait3A_529 = arith.constant 0 : i32
          %dma_wait3A_530 = tpu.memref_slice %arg5[%dma_wait3A_529] : memref<9600000xf32, #tpu.memory_space<hbm>> -> memref<6400xf32, #tpu.memory_space<hbm>>
          %dma_wait3A_531 = arith.constant 0 : i32
          %dma_wait3A_532 = tpu.memref_slice %arg5[%dma_wait3A_531] : memref<9600000xf32, #tpu.memory_space<hbm>> -> memref<6400xf32, #tpu.memory_space<hbm>>
          tpu.wait_dma2 semaphore(%arg17 : memref<!tpu.dma_semaphore, #tpu.memory_space<semaphore_mem>>) src(%dma_wait3A_532 : memref<6400xf32, #tpu.memory_space<hbm>>) dst(%arg12 : memref<6400xf32, #tpu.memory_space<vmem>>)
        } else {
        }
        %scan3A_511 = arith.constant 0 : i32
        %scan3A_512 = arith.constant 0 : i32
        %scan3A_513 = arith.constant 400 : i32
        %scan3A_514 = arith.addi %scan3A_512, %scan3A_513 : i32
        %scan3A_515 = arith.constant 8 : i32
        %scan3A_516 = scf.for %scan3A_529 = %scan3A_512 to %scan3A_514 step %scan3A_515 iter_args(%scan3A_530 = %scan3A_511) -> (i32)  : i32 {
          %mul3A_531 = arith.constant 16 : i32
          %mul3A_532 = arith.muli %scan3A_529, %mul3A_531 : i32
          %get3A = arith.index_cast %mul3A_532 : i32 to index
          %get3A_533 = tpu.vector_load %arg11[%get3A] {strides = array<i32>} : memref<6400xi32, #tpu.memory_space<vmem>>, vector<16xi32>,
          %add3A_534 = vector.broadcast %scan3A_529 : i32 to vector<16xi32>
          %add3A_535 = arith.addi %mul3A_3, %add3A_534 : vector<16xi32>
          %bitcast3A = vector.bitcast %get3A_533 : vector<16xi32> to vector<16xf32>
          tpu.vector_store_idx %arg12[%add3A_535], %bitcast3A : memref<6400xf32, #tpu.memory_space<vmem>>[vector<16xi32>], vector<16xf32>,
          %scan3A_536 = arith.constant 0 : i32
          %scan3A_537 = arith.constant 1 : i32
          %scan3A_538 = arith.addi %scan3A_529, %scan3A_537 : i32
          %mul3A_539 = arith.constant 16 : i32
          %mul3A_540 = arith.muli %scan3A_538, %mul3A_539 : i32
          %get3A_541 = arith.index_cast %mul3A_540 : i32 to index
          %get3A_542 = tpu.vector_load %arg11[%get3A_541] {strides = array<i32>} : memref<6400xi32, #tpu.memory_space<vmem>>, vector<16xi32>,
          %add3A_543 = vector.broadcast %scan3A_538 : i32 to vector<16xi32>
          %add3A_544 = arith.addi %mul3A_3, %add3A_543 : vector<16xi32>
          %bitcast3A_545 = vector.bitcast %get3A_542 : vector<16xi32> to vector<16xf32>
          tpu.vector_store_idx %arg12[%add3A_544], %bitcast3A_545 : memref<6400xf32, #tpu.memory_space<vmem>>[vector<16xi32>], vector<16xf32>,
          %scan3A_546 = arith.constant 0 : i32
          %scan3A_547 = arith.constant 2 : i32
          %scan3A_548 = arith.addi %scan3A_529, %scan3A_547 : i32
          %mul3A_549 = arith.constant 16 : i32
          %mul3A_550 = arith.muli %scan3A_548, %mul3A_549 : i32
          %get3A_551 = arith.index_cast %mul3A_550 : i32 to index
          %get3A_552 = tpu.vector_load %arg11[%get3A_551] {strides = array<i32>} : memref<6400xi32, #tpu.memory_space<vmem>>, vector<16xi32>,
          %add3A_553 = vector.broadcast %scan3A_548 : i32 to vector<16xi32>
          %add3A_554 = arith.addi %mul3A_3, %add3A_553 : vector<16xi32>
          %bitcast3A_555 = vector.bitcast %get3A_552 : vector<16xi32> to vector<16xf32>
          tpu.vector_store_idx %arg12[%add3A_554], %bitcast3A_555 : memref<6400xf32, #tpu.memory_space<vmem>>[vector<16xi32>], vector<16xf32>,
          %scan3A_556 = arith.constant 0 : i32
          %scan3A_557 = arith.constant 3 : i32
          %scan3A_558 = arith.addi %scan3A_529, %scan3A_557 : i32
          %mul3A_559 = arith.constant 16 : i32
          %mul3A_560 = arith.muli %scan3A_558, %mul3A_559 : i32
          %get3A_561 = arith.index_cast %mul3A_560 : i32 to index
          %get3A_562 = tpu.vector_load %arg11[%get3A_561] {strides = array<i32>} : memref<6400xi32, #tpu.memory_space<vmem>>, vector<16xi32>,
          %add3A_563 = vector.broadcast %scan3A_558 : i32 to vector<16xi32>
          %add3A_564 = arith.addi %mul3A_3, %add3A_563 : vector<16xi32>
          %bitcast3A_565 = vector.bitcast %get3A_562 : vector<16xi32> to vector<16xf32>
          tpu.vector_store_idx %arg12[%add3A_564], %bitcast3A_565 : memref<6400xf32, #tpu.memory_space<vmem>>[vector<16xi32>], vector<16xf32>,
          %scan3A_566 = arith.constant 0 : i32
          %scan3A_567 = arith.constant 4 : i32
          %scan3A_568 = arith.addi %scan3A_529, %scan3A_567 : i32
          %mul3A_569 = arith.constant 16 : i32
          %mul3A_570 = arith.muli %scan3A_568, %mul3A_569 : i32
          %get3A_571 = arith.index_cast %mul3A_570 : i32 to index
          %get3A_572 = tpu.vector_load %arg11[%get3A_571] {strides = array<i32>} : memref<6400xi32, #tpu.memory_space<vmem>>, vector<16xi32>,
          %add3A_573 = vector.broadcast %scan3A_568 : i32 to vector<16xi32>
          %add3A_574 = arith.addi %mul3A_3, %add3A_573 : vector<16xi32>
          %bitcast3A_575 = vector.bitcast %get3A_572 : vector<16xi32> to vector<16xf32>
          tpu.vector_store_idx %arg12[%add3A_574], %bitcast3A_575 : memref<6400xf32, #tpu.memory_space<vmem>>[vector<16xi32>], vector<16xf32>,
          %scan3A_576 = arith.constant 0 : i32
          %scan3A_577 = arith.constant 5 : i32
          %scan3A_578 = arith.addi %scan3A_529, %scan3A_577 : i32
          %mul3A_579 = arith.constant 16 : i32
          %mul3A_580 = arith.muli %scan3A_578, %mul3A_579 : i32
          %get3A_581 = arith.index_cast %mul3A_580 : i32 to index
          %get3A_582 = tpu.vector_load %arg11[%get3A_581] {strides = array<i32>} : memref<6400xi32, #tpu.memory_space<vmem>>, vector<16xi32>,
          %add3A_583 = vector.broadcast %scan3A_578 : i32 to vector<16xi32>
          %add3A_584 = arith.addi %mul3A_3, %add3A_583 : vector<16xi32>
          %bitcast3A_585 = vector.bitcast %get3A_582 : vector<16xi32> to vector<16xf32>
          tpu.vector_store_idx %arg12[%add3A_584], %bitcast3A_585 : memref<6400xf32, #tpu.memory_space<vmem>>[vector<16xi32>], vector<16xf32>,
          %scan3A_586 = arith.constant 0 : i32
          %scan3A_587 = arith.constant 6 : i32
          %scan3A_588 = arith.addi %scan3A_529, %scan3A_587 : i32
          %mul3A_589 = arith.constant 16 : i32
          %mul3A_590 = arith.muli %scan3A_588, %mul3A_589 : i32
          %get3A_591 = arith.index_cast %mul3A_590 : i32 to index
          %get3A_592 = tpu.vector_load %arg11[%get3A_591] {strides = array<i32>} : memref<6400xi32, #tpu.memory_space<vmem>>, vector<16xi32>,
          %add3A_593 = vector.broadcast %scan3A_588 : i32 to vector<16xi32>
          %add3A_594 = arith.addi %mul3A_3, %add3A_593 : vector<16xi32>
          %bitcast3A_595 = vector.bitcast %get3A_592 : vector<16xi32> to vector<16xf32>
          tpu.vector_store_idx %arg12[%add3A_594], %bitcast3A_595 : memref<6400xf32, #tpu.memory_space<vmem>>[vector<16xi32>], vector<16xf32>,
          %scan3A_596 = arith.constant 0 : i32
          %scan3A_597 = arith.constant 7 : i32
          %scan3A_598 = arith.addi %scan3A_529, %scan3A_597 : i32
          %mul3A_599 = arith.constant 16 : i32
          %mul3A_600 = arith.muli %scan3A_598, %mul3A_599 : i32
          %get3A_601 = arith.index_cast %mul3A_600 : i32 to index
          %get3A_602 = tpu.vector_load %arg11[%get3A_601] {strides = array<i32>} : memref<6400xi32, #tpu.memory_space<vmem>>, vector<16xi32>,
          %add3A_603 = vector.broadcast %scan3A_598 : i32 to vector<16xi32>
          %add3A_604 = arith.addi %mul3A_3, %add3A_603 : vector<16xi32>
          %bitcast3A_605 = vector.bitcast %get3A_602 : vector<16xi32> to vector<16xf32>
          tpu.vector_store_idx %arg12[%add3A_604], %bitcast3A_605 : memref<6400xf32, #tpu.memory_space<vmem>>[vector<16xi32>], vector<16xf32>,
          %scan3A_606 = arith.constant 0 : i32
          scf.yield %scan3A_606 : i32
        }
        %scan3A_517 = arith.constant 400 : i32
        %mul3A_518 = arith.constant 6400 : i32
        %mul3A_519 = arith.muli %add3A_496, %mul3A_518 : i32
        %add3A_520 = arith.addi %add3A_82, %mul3A_519 : i32
        %dma_start3A_521 = tpu.memref_slice %arg7[%add3A_520] : memref<3200000xf32, #tpu.memory_space<hbm>> -> memref<6400xf32, #tpu.memory_space<hbm>>
        %dma_start3A_522 = tpu.memref_slice %arg7[%add3A_520] : memref<3200000xf32, #tpu.memory_space<hbm>> -> memref<6400xf32, #tpu.memory_space<hbm>>
        tpu.enqueue_dma source(%arg12 : memref<6400xf32, #tpu.memory_space<vmem>>) target(%dma_start3A_522 : memref<6400xf32, #tpu.memory_space<hbm>>) target_semaphore(%arg17 : memref<!tpu.dma_semaphore, #tpu.memory_space<semaphore_mem>>)
        %add3A_523 = arith.constant 2 : i32
        %add3A_524 = arith.addi %add3A_496, %add3A_523 : i32
        %lt3A_525 = arith.cmpi slt, %add3A_524, %min3A_77 : i32
        %convert_element_type3A_526 = arith.extui %lt3A_525 : i1 to i32
        %cond3A_527 = arith.constant 0 : i32
        %cond3A_528 = arith.cmpi ne, %convert_element_type3A_526, %cond3A_527 : i32
        scf.if %cond3A_528 {
          %add3A_529 = arith.constant 2 : i32
          %add3A_530 = arith.addi %add3A_496, %add3A_529 : i32
          %mul3A_531 = arith.constant 6400 : i32
          %mul3A_532 = arith.muli %add3A_530, %mul3A_531 : i32
          %add3A_533 = arith.addi %add3A_82, %mul3A_532 : i32
          %dma_start3A_534 = tpu.memref_slice %arg4[%add3A_533] : memref<3200000xi32, #tpu.memory_space<hbm>> -> memref<6400xi32, #tpu.memory_space<hbm>>
          %dma_start3A_535 = tpu.memref_slice %arg4[%add3A_533] : memref<3200000xi32, #tpu.memory_space<hbm>> -> memref<6400xi32, #tpu.memory_space<hbm>>
          tpu.enqueue_dma source(%dma_start3A_535 : memref<6400xi32, #tpu.memory_space<hbm>>) target(%arg11 : memref<6400xi32, #tpu.memory_space<vmem>>) target_semaphore(%arg16 : memref<!tpu.dma_semaphore, #tpu.memory_space<semaphore_mem>>)
        } else {
        }
      } else {
      }
      %scan3A_501 = arith.constant 0 : i32
      scf.yield %scan3A_501 : i32
    }
    %scan3A_96 = arith.constant 8 : i32
    %dma_wait3A = arith.constant 0 : i32
    %dma_wait3A_97 = tpu.memref_slice %arg5[%dma_wait3A] : memref<9600000xf32, #tpu.memory_space<hbm>> -> memref<6400xf32, #tpu.memory_space<hbm>>
    %dma_wait3A_98 = arith.constant 0 : i32
    %dma_wait3A_99 = tpu.memref_slice %arg5[%dma_wait3A_98] : memref<9600000xf32, #tpu.memory_space<hbm>> -> memref<6400xf32, #tpu.memory_space<hbm>>
    tpu.wait_dma2 semaphore(%arg17 : memref<!tpu.dma_semaphore, #tpu.memory_space<semaphore_mem>>) src(%dma_wait3A_99 : memref<6400xf32, #tpu.memory_space<hbm>>) dst(%arg12 : memref<6400xf32, #tpu.memory_space<vmem>>)
    %dma_wait3A_100 = tpu.memref_slice %arg2[%mul3A_25] : memref<1200000xf32, #tpu.memory_space<hbm>> -> memref<50000xf32, #tpu.memory_space<hbm>>
    %dma_wait3A_101 = tpu.memref_slice %arg2[%mul3A_25] : memref<1200000xf32, #tpu.memory_space<hbm>> -> memref<50000xf32, #tpu.memory_space<hbm>>
    tpu.wait_dma2 semaphore(%arg14 : memref<!tpu.dma_semaphore, #tpu.memory_space<semaphore_mem>>) src(%dma_wait3A_101 : memref<50000xf32, #tpu.memory_space<hbm>>) dst(%arg8 : memref<50000xf32, #tpu.memory_space<vmem>>)
    %dma_wait3A_102 = tpu.memref_slice %arg2[%mul3A_32] : memref<1200000xf32, #tpu.memory_space<hbm>> -> memref<50000xf32, #tpu.memory_space<hbm>>
    %dma_wait3A_103 = tpu.memref_slice %arg2[%mul3A_32] : memref<1200000xf32, #tpu.memory_space<hbm>> -> memref<50000xf32, #tpu.memory_space<hbm>>
    tpu.wait_dma2 semaphore(%arg14 : memref<!tpu.dma_semaphore, #tpu.memory_space<semaphore_mem>>) src(%dma_wait3A_103 : memref<50000xf32, #tpu.memory_space<hbm>>) dst(%arg9 : memref<50000xf32, #tpu.memory_space<vmem>>)
    %mul3A_104 = arith.constant 3 : i32
    %mul3A_105 = arith.muli %add3A, %mul3A_104 : i32
    %add3A_106 = arith.constant 0 : i32
    %add3A_107 = arith.addi %mul3A_105, %add3A_106 : i32
    %jit3A_108 = arith.constant 8 : i32
    %div3A_109 = arith.divsi %add3A_107, %jit3A_108 : i32
    %sign3A_110 = arith.constant 0 : i32
    %sign3A_111 = arith.cmpi sgt, %add3A_107, %sign3A_110 : i32
    %sign3A_112 = arith.extui %sign3A_111 : i1 to i32
    %sign3A_113 = arith.constant 0 : i32
    %sign3A_114 = arith.cmpi slt, %add3A_107, %sign3A_113 : i32
    %sign3A_115 = arith.extui %sign3A_114 : i1 to i32
    %sign3A_116 = arith.subi %sign3A_112, %sign3A_115 : i32
    %sign3A_117 = arith.constant 0 : i32
    %sign3A_118 = arith.cmpi sgt, %jit3A_108, %sign3A_117 : i32
    %sign3A_119 = arith.extui %sign3A_118 : i1 to i32
    %sign3A_120 = arith.constant 0 : i32
    %sign3A_121 = arith.cmpi slt, %jit3A_108, %sign3A_120 : i32
    %sign3A_122 = arith.extui %sign3A_121 : i1 to i32
    %sign3A_123 = arith.subi %sign3A_119, %sign3A_122 : i32
    %ne3A_124 = arith.cmpi ne, %sign3A_116, %sign3A_123 : i32
    %rem3A_125 = arith.remsi %add3A_107, %jit3A_108 : i32
    %ne3A_126 = arith.constant 0 : i32
    %ne3A_127 = arith.cmpi ne, %rem3A_125, %ne3A_126 : i32
    %and3A_128 = arith.andi %ne3A_124, %ne3A_127 : i1
    %sub3A_129 = arith.constant 1 : i32
    %sub3A_130 = arith.subi %div3A_109, %sub3A_129 : i32
    %select_n3A_131 = arith.select %and3A_128, %sub3A_130, %div3A_109 : i32
    %jit3A_132 = arith.constant 8 : i32
    %eq3A_133 = arith.constant 0 : i32
    %eq3A_134 = arith.cmpi eq, %jit3A_132, %eq3A_133 : i32
    %jit3A_135 = arith.constant 1 : i32
    %select_n3A_136 = arith.select %eq3A_134, %jit3A_135, %jit3A_132 : i32
    %rem3A_137 = arith.remsi %add3A_107, %select_n3A_136 : i32
    %ne3A_138 = arith.constant 0 : i32
    %ne3A_139 = arith.cmpi ne, %rem3A_137, %ne3A_138 : i32
    %lt3A_140 = arith.constant 0 : i32
    %lt3A_141 = arith.cmpi slt, %rem3A_137, %lt3A_140 : i32
    %lt3A_142 = arith.constant 0 : i32
    %lt3A_143 = arith.cmpi slt, %select_n3A_136, %lt3A_142 : i32
    %ne3A_144 = arith.xori %lt3A_141, %lt3A_143 : i1
    %and3A_145 = arith.andi %ne3A_144, %ne3A_139 : i1
    %add3A_146 = arith.addi %rem3A_137, %select_n3A_136 : i32
    %select_n3A_147 = arith.select %and3A_145, %add3A_146, %rem3A_137 : i32
    %mul3A_148 = arith.constant 16 : i32
    %mul3A_149 = arith.muli %select_n3A_147, %mul3A_148 : i32
    %sub3A_150 = arith.constant 125 : i32
    %sub3A_151 = arith.subi %sub3A_150, %mul3A_149 : i32
    %min3A_152 = arith.constant 16 : i32
    %min3A_153 = arith.minsi %sub3A_151, %min3A_152 : i32
    %jit3A_154 = arith.constant 3 : i32
    %div3A_155 = arith.divsi %select_n3A_131, %jit3A_154 : i32
    %sign3A_156 = arith.constant 0 : i32
    %sign3A_157 = arith.cmpi sgt, %select_n3A_131, %sign3A_156 : i32
    %sign3A_158 = arith.extui %sign3A_157 : i1 to i32
    %sign3A_159 = arith.constant 0 : i32
    %sign3A_160 = arith.cmpi slt, %select_n3A_131, %sign3A_159 : i32
    %sign3A_161 = arith.extui %sign3A_160 : i1 to i32
    %sign3A_162 = arith.subi %sign3A_158, %sign3A_161 : i32
    %sign3A_163 = arith.constant 0 : i32
    %sign3A_164 = arith.cmpi sgt, %jit3A_154, %sign3A_163 : i32
    %sign3A_165 = arith.extui %sign3A_164 : i1 to i32
    %sign3A_166 = arith.constant 0 : i32
    %sign3A_167 = arith.cmpi slt, %jit3A_154, %sign3A_166 : i32
    %sign3A_168 = arith.extui %sign3A_167 : i1 to i32
    %sign3A_169 = arith.subi %sign3A_165, %sign3A_168 : i32
    %ne3A_170 = arith.cmpi ne, %sign3A_162, %sign3A_169 : i32
    %rem3A_171 = arith.remsi %select_n3A_131, %jit3A_154 : i32
    %ne3A_172 = arith.constant 0 : i32
    %ne3A_173 = arith.cmpi ne, %rem3A_171, %ne3A_172 : i32
    %and3A_174 = arith.andi %ne3A_170, %ne3A_173 : i1
    %sub3A_175 = arith.constant 1 : i32
    %sub3A_176 = arith.subi %div3A_155, %sub3A_175 : i32
    %select_n3A_177 = arith.select %and3A_174, %sub3A_176, %div3A_155 : i32
    %mul3A_178 = arith.constant 800000 : i32
    %mul3A_179 = arith.muli %select_n3A_177, %mul3A_178 : i32
    %mul3A_180 = arith.constant 6400 : i32
    %mul3A_181 = arith.muli %mul3A_149, %mul3A_180 : i32
    %add3A_182 = arith.addi %mul3A_179, %mul3A_181 : i32
    %mul3A_183 = arith.constant 800000 : i32
    %mul3A_184 = arith.muli %select_n3A_131, %mul3A_183 : i32
    %mul3A_185 = arith.constant 6400 : i32
    %mul3A_186 = arith.muli %mul3A_149, %mul3A_185 : i32
    %add3A_187 = arith.addi %mul3A_184, %mul3A_186 : i32
    %add3A_188 = arith.constant 0 : i32
    %add3A_189 = arith.addi %add3A_182, %add3A_188 : i32
    %dma_start3A_190 = tpu.memref_slice %arg3[%add3A_189] : memref<3200000xi32, #tpu.memory_space<hbm>> -> memref<6400xi32, #tpu.memory_space<hbm>>
    %dma_start3A_191 = tpu.memref_slice %arg3[%add3A_189] : memref<3200000xi32, #tpu.memory_space<hbm>> -> memref<6400xi32, #tpu.memory_space<hbm>>
    tpu.enqueue_dma source(%dma_start3A_191 : memref<6400xi32, #tpu.memory_space<hbm>>) target(%arg10 : memref<6400xi32, #tpu.memory_space<vmem>>) target_semaphore(%arg15 : memref<!tpu.dma_semaphore, #tpu.memory_space<semaphore_mem>>)
    %add3A_192 = arith.constant 6400 : i32
    %add3A_193 = arith.addi %add3A_182, %add3A_192 : i32
    %dma_start3A_194 = tpu.memref_slice %arg3[%add3A_193] : memref<3200000xi32, #tpu.memory_space<hbm>> -> memref<6400xi32, #tpu.memory_space<hbm>>
    %dma_start3A_195 = tpu.memref_slice %arg3[%add3A_193] : memref<3200000xi32, #tpu.memory_space<hbm>> -> memref<6400xi32, #tpu.memory_space<hbm>>
    tpu.enqueue_dma source(%dma_start3A_195 : memref<6400xi32, #tpu.memory_space<hbm>>) target(%arg11 : memref<6400xi32, #tpu.memory_space<vmem>>) target_semaphore(%arg16 : memref<!tpu.dma_semaphore, #tpu.memory_space<semaphore_mem>>)
    %scan3A_196 = arith.constant 0 : i32
    %scan3A_197 = arith.constant 0 : i32
    %scan3A_198 = arith.constant 8 : i32
    %scan3A_199 = arith.addi %scan3A_197, %scan3A_198 : i32
    %scan3A_200 = arith.constant 1 : i32
    %scan3A_201 = scf.for %scan3A_483 = %scan3A_197 to %scan3A_199 step %scan3A_200 iter_args(%scan3A_484 = %scan3A_196) -> (i32)  : i32 {
      %mul3A_485 = arith.constant 2 : i32
      %mul3A_486 = arith.muli %scan3A_483, %mul3A_485 : i32
      %add3A_487 = arith.constant 0 : i32
      %add3A_488 = arith.addi %mul3A_486, %add3A_487 : i32
      %lt3A_489 = arith.cmpi slt, %add3A_488, %min3A_153 : i32
      %convert_element_type3A_490 = arith.extui %lt3A_489 : i1 to i32
      %cond3A_491 = arith.constant 0 : i32
      %cond3A_492 = arith.cmpi ne, %convert_element_type3A_490, %cond3A_491 : i32
      scf.if %cond3A_492 {
        %mul3A_502 = arith.constant 6400 : i32
        %mul3A_503 = arith.muli %add3A_488, %mul3A_502 : i32
        %add3A_504 = arith.addi %add3A_182, %mul3A_503 : i32
        %dma_wait3A_505 = tpu.memref_slice %arg3[%add3A_504] : memref<3200000xi32, #tpu.memory_space<hbm>> -> memref<6400xi32, #tpu.memory_space<hbm>>
        %dma_wait3A_506 = tpu.memref_slice %arg3[%add3A_504] : memref<3200000xi32, #tpu.memory_space<hbm>> -> memref<6400xi32, #tpu.memory_space<hbm>>
        tpu.wait_dma2 semaphore(%arg15 : memref<!tpu.dma_semaphore, #tpu.memory_space<semaphore_mem>>) src(%dma_wait3A_506 : memref<6400xi32, #tpu.memory_space<hbm>>) dst(%arg10 : memref<6400xi32, #tpu.memory_space<vmem>>)
        %ge3A = arith.constant 1 : i32
        %ge3A_507 = arith.cmpi sge, %add3A_488, %ge3A : i32
        %convert_element_type3A_508 = arith.extui %ge3A_507 : i1 to i32
        %cond3A_509 = arith.constant 0 : i32
        %cond3A_510 = arith.cmpi ne, %convert_element_type3A_508, %cond3A_509 : i32
        scf.if %cond3A_510 {
          %dma_wait3A_546 = arith.constant 0 : i32
          %dma_wait3A_547 = tpu.memref_slice %arg5[%dma_wait3A_546] : memref<9600000xf32, #tpu.memory_space<hbm>> -> memref<6400xf32, #tpu.memory_space<hbm>>
          %dma_wait3A_548 = arith.constant 0 : i32
          %dma_wait3A_549 = tpu.memref_slice %arg5[%dma_wait3A_548] : memref<9600000xf32, #tpu.memory_space<hbm>> -> memref<6400xf32, #tpu.memory_space<hbm>>
          tpu.wait_dma2 semaphore(%arg17 : memref<!tpu.dma_semaphore, #tpu.memory_space<semaphore_mem>>) src(%dma_wait3A_549 : memref<6400xf32, #tpu.memory_space<hbm>>) dst(%arg12 : memref<6400xf32, #tpu.memory_space<vmem>>)
        } else {
        }
        %scan3A_511 = arith.constant 0 : i32
        %scan3A_512 = arith.constant 0 : i32
        %scan3A_513 = arith.constant 400 : i32
        %scan3A_514 = arith.addi %scan3A_512, %scan3A_513 : i32
        %scan3A_515 = arith.constant 8 : i32
        %scan3A_516 = scf.for %scan3A_546 = %scan3A_512 to %scan3A_514 step %scan3A_515 iter_args(%scan3A_547 = %scan3A_511) -> (i32)  : i32 {
          %mul3A_548 = arith.constant 16 : i32
          %mul3A_549 = arith.muli %scan3A_546, %mul3A_548 : i32
          %get3A = arith.index_cast %mul3A_549 : i32 to index
          %get3A_550 = tpu.vector_load %arg10[%get3A] {strides = array<i32>} : memref<6400xi32, #tpu.memory_space<vmem>>, vector<16xi32>,
          %add3A_551 = vector.broadcast %scan3A_546 : i32 to vector<16xi32>
          %add3A_552 = arith.addi %mul3A_3, %add3A_551 : vector<16xi32>
          %gather3A = tpu.vector_load_idx %arg8[%get3A_550] : memref<50000xf32, #tpu.memory_space<vmem>>[vector<16xi32>], vector<16xf32>,
          tpu.vector_store_idx %arg12[%add3A_552], %gather3A : memref<6400xf32, #tpu.memory_space<vmem>>[vector<16xi32>], vector<16xf32>,
          %scan3A_553 = arith.constant 0 : i32
          %scan3A_554 = arith.constant 1 : i32
          %scan3A_555 = arith.addi %scan3A_546, %scan3A_554 : i32
          %mul3A_556 = arith.constant 16 : i32
          %mul3A_557 = arith.muli %scan3A_555, %mul3A_556 : i32
          %get3A_558 = arith.index_cast %mul3A_557 : i32 to index
          %get3A_559 = tpu.vector_load %arg10[%get3A_558] {strides = array<i32>} : memref<6400xi32, #tpu.memory_space<vmem>>, vector<16xi32>,
          %add3A_560 = vector.broadcast %scan3A_555 : i32 to vector<16xi32>
          %add3A_561 = arith.addi %mul3A_3, %add3A_560 : vector<16xi32>
          %gather3A_562 = tpu.vector_load_idx %arg8[%get3A_559] : memref<50000xf32, #tpu.memory_space<vmem>>[vector<16xi32>], vector<16xf32>,
          tpu.vector_store_idx %arg12[%add3A_561], %gather3A_562 : memref<6400xf32, #tpu.memory_space<vmem>>[vector<16xi32>], vector<16xf32>,
          %scan3A_563 = arith.constant 0 : i32
          %scan3A_564 = arith.constant 2 : i32
          %scan3A_565 = arith.addi %scan3A_546, %scan3A_564 : i32
          %mul3A_566 = arith.constant 16 : i32
          %mul3A_567 = arith.muli %scan3A_565, %mul3A_566 : i32
          %get3A_568 = arith.index_cast %mul3A_567 : i32 to index
          %get3A_569 = tpu.vector_load %arg10[%get3A_568] {strides = array<i32>} : memref<6400xi32, #tpu.memory_space<vmem>>, vector<16xi32>,
          %add3A_570 = vector.broadcast %scan3A_565 : i32 to vector<16xi32>
          %add3A_571 = arith.addi %mul3A_3, %add3A_570 : vector<16xi32>
          %gather3A_572 = tpu.vector_load_idx %arg8[%get3A_569] : memref<50000xf32, #tpu.memory_space<vmem>>[vector<16xi32>], vector<16xf32>,
          tpu.vector_store_idx %arg12[%add3A_571], %gather3A_572 : memref<6400xf32, #tpu.memory_space<vmem>>[vector<16xi32>], vector<16xf32>,
          %scan3A_573 = arith.constant 0 : i32
          %scan3A_574 = arith.constant 3 : i32
          %scan3A_575 = arith.addi %scan3A_546, %scan3A_574 : i32
          %mul3A_576 = arith.constant 16 : i32
          %mul3A_577 = arith.muli %scan3A_575, %mul3A_576 : i32
          %get3A_578 = arith.index_cast %mul3A_577 : i32 to index
          %get3A_579 = tpu.vector_load %arg10[%get3A_578] {strides = array<i32>} : memref<6400xi32, #tpu.memory_space<vmem>>, vector<16xi32>,
          %add3A_580 = vector.broadcast %scan3A_575 : i32 to vector<16xi32>
          %add3A_581 = arith.addi %mul3A_3, %add3A_580 : vector<16xi32>
          %gather3A_582 = tpu.vector_load_idx %arg8[%get3A_579] : memref<50000xf32, #tpu.memory_space<vmem>>[vector<16xi32>], vector<16xf32>,
          tpu.vector_store_idx %arg12[%add3A_581], %gather3A_582 : memref<6400xf32, #tpu.memory_space<vmem>>[vector<16xi32>], vector<16xf32>,
          %scan3A_583 = arith.constant 0 : i32
          %scan3A_584 = arith.constant 4 : i32
          %scan3A_585 = arith.addi %scan3A_546, %scan3A_584 : i32
          %mul3A_586 = arith.constant 16 : i32
          %mul3A_587 = arith.muli %scan3A_585, %mul3A_586 : i32
          %get3A_588 = arith.index_cast %mul3A_587 : i32 to index
          %get3A_589 = tpu.vector_load %arg10[%get3A_588] {strides = array<i32>} : memref<6400xi32, #tpu.memory_space<vmem>>, vector<16xi32>,
          %add3A_590 = vector.broadcast %scan3A_585 : i32 to vector<16xi32>
          %add3A_591 = arith.addi %mul3A_3, %add3A_590 : vector<16xi32>
          %gather3A_592 = tpu.vector_load_idx %arg8[%get3A_589] : memref<50000xf32, #tpu.memory_space<vmem>>[vector<16xi32>], vector<16xf32>,
          tpu.vector_store_idx %arg12[%add3A_591], %gather3A_592 : memref<6400xf32, #tpu.memory_space<vmem>>[vector<16xi32>], vector<16xf32>,
          %scan3A_593 = arith.constant 0 : i32
          %scan3A_594 = arith.constant 5 : i32
          %scan3A_595 = arith.addi %scan3A_546, %scan3A_594 : i32
          %mul3A_596 = arith.constant 16 : i32
          %mul3A_597 = arith.muli %scan3A_595, %mul3A_596 : i32
          %get3A_598 = arith.index_cast %mul3A_597 : i32 to index
          %get3A_599 = tpu.vector_load %arg10[%get3A_598] {strides = array<i32>} : memref<6400xi32, #tpu.memory_space<vmem>>, vector<16xi32>,
          %add3A_600 = vector.broadcast %scan3A_595 : i32 to vector<16xi32>
          %add3A_601 = arith.addi %mul3A_3, %add3A_600 : vector<16xi32>
          %gather3A_602 = tpu.vector_load_idx %arg8[%get3A_599] : memref<50000xf32, #tpu.memory_space<vmem>>[vector<16xi32>], vector<16xf32>,
          tpu.vector_store_idx %arg12[%add3A_601], %gather3A_602 : memref<6400xf32, #tpu.memory_space<vmem>>[vector<16xi32>], vector<16xf32>,
          %scan3A_603 = arith.constant 0 : i32
          %scan3A_604 = arith.constant 6 : i32
          %scan3A_605 = arith.addi %scan3A_546, %scan3A_604 : i32
          %mul3A_606 = arith.constant 16 : i32
          %mul3A_607 = arith.muli %scan3A_605, %mul3A_606 : i32
          %get3A_608 = arith.index_cast %mul3A_607 : i32 to index
          %get3A_609 = tpu.vector_load %arg10[%get3A_608] {strides = array<i32>} : memref<6400xi32, #tpu.memory_space<vmem>>, vector<16xi32>,
          %add3A_610 = vector.broadcast %scan3A_605 : i32 to vector<16xi32>
          %add3A_611 = arith.addi %mul3A_3, %add3A_610 : vector<16xi32>
          %gather3A_612 = tpu.vector_load_idx %arg8[%get3A_609] : memref<50000xf32, #tpu.memory_space<vmem>>[vector<16xi32>], vector<16xf32>,
          tpu.vector_store_idx %arg12[%add3A_611], %gather3A_612 : memref<6400xf32, #tpu.memory_space<vmem>>[vector<16xi32>], vector<16xf32>,
          %scan3A_613 = arith.constant 0 : i32
          %scan3A_614 = arith.constant 7 : i32
          %scan3A_615 = arith.addi %scan3A_546, %scan3A_614 : i32
          %mul3A_616 = arith.constant 16 : i32
          %mul3A_617 = arith.muli %scan3A_615, %mul3A_616 : i32
          %get3A_618 = arith.index_cast %mul3A_617 : i32 to index
          %get3A_619 = tpu.vector_load %arg10[%get3A_618] {strides = array<i32>} : memref<6400xi32, #tpu.memory_space<vmem>>, vector<16xi32>,
          %add3A_620 = vector.broadcast %scan3A_615 : i32 to vector<16xi32>
          %add3A_621 = arith.addi %mul3A_3, %add3A_620 : vector<16xi32>
          %gather3A_622 = tpu.vector_load_idx %arg8[%get3A_619] : memref<50000xf32, #tpu.memory_space<vmem>>[vector<16xi32>], vector<16xf32>,
          tpu.vector_store_idx %arg12[%add3A_621], %gather3A_622 : memref<6400xf32, #tpu.memory_space<vmem>>[vector<16xi32>], vector<16xf32>,
          %scan3A_623 = arith.constant 0 : i32
          scf.yield %scan3A_623 : i32
        }
        %scan3A_517 = arith.constant 400 : i32
        %mul3A_518 = arith.constant 6400 : i32
        %mul3A_519 = arith.muli %add3A_488, %mul3A_518 : i32
        %add3A_520 = arith.addi %add3A_187, %mul3A_519 : i32
        %dma_start3A_521 = tpu.memref_slice %arg5[%add3A_520] : memref<9600000xf32, #tpu.memory_space<hbm>> -> memref<6400xf32, #tpu.memory_space<hbm>>
        %dma_start3A_522 = tpu.memref_slice %arg5[%add3A_520] : memref<9600000xf32, #tpu.memory_space<hbm>> -> memref<6400xf32, #tpu.memory_space<hbm>>
        tpu.enqueue_dma source(%arg12 : memref<6400xf32, #tpu.memory_space<vmem>>) target(%dma_start3A_522 : memref<6400xf32, #tpu.memory_space<hbm>>) target_semaphore(%arg17 : memref<!tpu.dma_semaphore, #tpu.memory_space<semaphore_mem>>)
        %ge3A_523 = arith.constant 1 : i32
        %ge3A_524 = arith.cmpi sge, %add3A_488, %ge3A_523 : i32
        %convert_element_type3A_525 = arith.extui %ge3A_524 : i1 to i32
        %cond3A_526 = arith.constant 0 : i32
        %cond3A_527 = arith.cmpi ne, %convert_element_type3A_525, %cond3A_526 : i32
        scf.if %cond3A_527 {
          %dma_wait3A_546 = arith.constant 0 : i32
          %dma_wait3A_547 = tpu.memref_slice %arg5[%dma_wait3A_546] : memref<9600000xf32, #tpu.memory_space<hbm>> -> memref<6400xf32, #tpu.memory_space<hbm>>
          %dma_wait3A_548 = arith.constant 0 : i32
          %dma_wait3A_549 = tpu.memref_slice %arg5[%dma_wait3A_548] : memref<9600000xf32, #tpu.memory_space<hbm>> -> memref<6400xf32, #tpu.memory_space<hbm>>
          tpu.wait_dma2 semaphore(%arg18 : memref<!tpu.dma_semaphore, #tpu.memory_space<semaphore_mem>>) src(%dma_wait3A_549 : memref<6400xf32, #tpu.memory_space<hbm>>) dst(%arg13 : memref<6400xf32, #tpu.memory_space<vmem>>)
        } else {
        }
        %scan3A_528 = arith.constant 0 : i32
        %scan3A_529 = arith.constant 0 : i32
        %scan3A_530 = arith.constant 400 : i32
        %scan3A_531 = arith.addi %scan3A_529, %scan3A_530 : i32
        %scan3A_532 = arith.constant 8 : i32
        %scan3A_533 = scf.for %scan3A_546 = %scan3A_529 to %scan3A_531 step %scan3A_532 iter_args(%scan3A_547 = %scan3A_528) -> (i32)  : i32 {
          %mul3A_548 = arith.constant 16 : i32
          %mul3A_549 = arith.muli %scan3A_546, %mul3A_548 : i32
          %get3A = arith.index_cast %mul3A_549 : i32 to index
          %get3A_550 = tpu.vector_load %arg10[%get3A] {strides = array<i32>} : memref<6400xi32, #tpu.memory_space<vmem>>, vector<16xi32>,
          %add3A_551 = vector.broadcast %scan3A_546 : i32 to vector<16xi32>
          %add3A_552 = arith.addi %mul3A_3, %add3A_551 : vector<16xi32>
          %gather3A = tpu.vector_load_idx %arg9[%get3A_550] : memref<50000xf32, #tpu.memory_space<vmem>>[vector<16xi32>], vector<16xf32>,
          tpu.vector_store_idx %arg13[%add3A_552], %gather3A : memref<6400xf32, #tpu.memory_space<vmem>>[vector<16xi32>], vector<16xf32>,
          %scan3A_553 = arith.constant 0 : i32
          %scan3A_554 = arith.constant 1 : i32
          %scan3A_555 = arith.addi %scan3A_546, %scan3A_554 : i32
          %mul3A_556 = arith.constant 16 : i32
          %mul3A_557 = arith.muli %scan3A_555, %mul3A_556 : i32
          %get3A_558 = arith.index_cast %mul3A_557 : i32 to index
          %get3A_559 = tpu.vector_load %arg10[%get3A_558] {strides = array<i32>} : memref<6400xi32, #tpu.memory_space<vmem>>, vector<16xi32>,
          %add3A_560 = vector.broadcast %scan3A_555 : i32 to vector<16xi32>
          %add3A_561 = arith.addi %mul3A_3, %add3A_560 : vector<16xi32>
          %gather3A_562 = tpu.vector_load_idx %arg9[%get3A_559] : memref<50000xf32, #tpu.memory_space<vmem>>[vector<16xi32>], vector<16xf32>,
          tpu.vector_store_idx %arg13[%add3A_561], %gather3A_562 : memref<6400xf32, #tpu.memory_space<vmem>>[vector<16xi32>], vector<16xf32>,
          %scan3A_563 = arith.constant 0 : i32
          %scan3A_564 = arith.constant 2 : i32
          %scan3A_565 = arith.addi %scan3A_546, %scan3A_564 : i32
          %mul3A_566 = arith.constant 16 : i32
          %mul3A_567 = arith.muli %scan3A_565, %mul3A_566 : i32
          %get3A_568 = arith.index_cast %mul3A_567 : i32 to index
          %get3A_569 = tpu.vector_load %arg10[%get3A_568] {strides = array<i32>} : memref<6400xi32, #tpu.memory_space<vmem>>, vector<16xi32>,
          %add3A_570 = vector.broadcast %scan3A_565 : i32 to vector<16xi32>
          %add3A_571 = arith.addi %mul3A_3, %add3A_570 : vector<16xi32>
          %gather3A_572 = tpu.vector_load_idx %arg9[%get3A_569] : memref<50000xf32, #tpu.memory_space<vmem>>[vector<16xi32>], vector<16xf32>,
          tpu.vector_store_idx %arg13[%add3A_571], %gather3A_572 : memref<6400xf32, #tpu.memory_space<vmem>>[vector<16xi32>], vector<16xf32>,
          %scan3A_573 = arith.constant 0 : i32
          %scan3A_574 = arith.constant 3 : i32
          %scan3A_575 = arith.addi %scan3A_546, %scan3A_574 : i32
          %mul3A_576 = arith.constant 16 : i32
          %mul3A_577 = arith.muli %scan3A_575, %mul3A_576 : i32
          %get3A_578 = arith.index_cast %mul3A_577 : i32 to index
          %get3A_579 = tpu.vector_load %arg10[%get3A_578] {strides = array<i32>} : memref<6400xi32, #tpu.memory_space<vmem>>, vector<16xi32>,
          %add3A_580 = vector.broadcast %scan3A_575 : i32 to vector<16xi32>
          %add3A_581 = arith.addi %mul3A_3, %add3A_580 : vector<16xi32>
          %gather3A_582 = tpu.vector_load_idx %arg9[%get3A_579] : memref<50000xf32, #tpu.memory_space<vmem>>[vector<16xi32>], vector<16xf32>,
          tpu.vector_store_idx %arg13[%add3A_581], %gather3A_582 : memref<6400xf32, #tpu.memory_space<vmem>>[vector<16xi32>], vector<16xf32>,
          %scan3A_583 = arith.constant 0 : i32
          %scan3A_584 = arith.constant 4 : i32
          %scan3A_585 = arith.addi %scan3A_546, %scan3A_584 : i32
          %mul3A_586 = arith.constant 16 : i32
          %mul3A_587 = arith.muli %scan3A_585, %mul3A_586 : i32
          %get3A_588 = arith.index_cast %mul3A_587 : i32 to index
          %get3A_589 = tpu.vector_load %arg10[%get3A_588] {strides = array<i32>} : memref<6400xi32, #tpu.memory_space<vmem>>, vector<16xi32>,
          %add3A_590 = vector.broadcast %scan3A_585 : i32 to vector<16xi32>
          %add3A_591 = arith.addi %mul3A_3, %add3A_590 : vector<16xi32>
          %gather3A_592 = tpu.vector_load_idx %arg9[%get3A_589] : memref<50000xf32, #tpu.memory_space<vmem>>[vector<16xi32>], vector<16xf32>,
          tpu.vector_store_idx %arg13[%add3A_591], %gather3A_592 : memref<6400xf32, #tpu.memory_space<vmem>>[vector<16xi32>], vector<16xf32>,
          %scan3A_593 = arith.constant 0 : i32
          %scan3A_594 = arith.constant 5 : i32
          %scan3A_595 = arith.addi %scan3A_546, %scan3A_594 : i32
          %mul3A_596 = arith.constant 16 : i32
          %mul3A_597 = arith.muli %scan3A_595, %mul3A_596 : i32
          %get3A_598 = arith.index_cast %mul3A_597 : i32 to index
          %get3A_599 = tpu.vector_load %arg10[%get3A_598] {strides = array<i32>} : memref<6400xi32, #tpu.memory_space<vmem>>, vector<16xi32>,
          %add3A_600 = vector.broadcast %scan3A_595 : i32 to vector<16xi32>
          %add3A_601 = arith.addi %mul3A_3, %add3A_600 : vector<16xi32>
          %gather3A_602 = tpu.vector_load_idx %arg9[%get3A_599] : memref<50000xf32, #tpu.memory_space<vmem>>[vector<16xi32>], vector<16xf32>,
          tpu.vector_store_idx %arg13[%add3A_601], %gather3A_602 : memref<6400xf32, #tpu.memory_space<vmem>>[vector<16xi32>], vector<16xf32>,
          %scan3A_603 = arith.constant 0 : i32
          %scan3A_604 = arith.constant 6 : i32
          %scan3A_605 = arith.addi %scan3A_546, %scan3A_604 : i32
          %mul3A_606 = arith.constant 16 : i32
          %mul3A_607 = arith.muli %scan3A_605, %mul3A_606 : i32
          %get3A_608 = arith.index_cast %mul3A_607 : i32 to index
          %get3A_609 = tpu.vector_load %arg10[%get3A_608] {strides = array<i32>} : memref<6400xi32, #tpu.memory_space<vmem>>, vector<16xi32>,
          %add3A_610 = vector.broadcast %scan3A_605 : i32 to vector<16xi32>
          %add3A_611 = arith.addi %mul3A_3, %add3A_610 : vector<16xi32>
          %gather3A_612 = tpu.vector_load_idx %arg9[%get3A_609] : memref<50000xf32, #tpu.memory_space<vmem>>[vector<16xi32>], vector<16xf32>,
          tpu.vector_store_idx %arg13[%add3A_611], %gather3A_612 : memref<6400xf32, #tpu.memory_space<vmem>>[vector<16xi32>], vector<16xf32>,
          %scan3A_613 = arith.constant 0 : i32
          %scan3A_614 = arith.constant 7 : i32
          %scan3A_615 = arith.addi %scan3A_546, %scan3A_614 : i32
          %mul3A_616 = arith.constant 16 : i32
          %mul3A_617 = arith.muli %scan3A_615, %mul3A_616 : i32
          %get3A_618 = arith.index_cast %mul3A_617 : i32 to index
          %get3A_619 = tpu.vector_load %arg10[%get3A_618] {strides = array<i32>} : memref<6400xi32, #tpu.memory_space<vmem>>, vector<16xi32>,
          %add3A_620 = vector.broadcast %scan3A_615 : i32 to vector<16xi32>
          %add3A_621 = arith.addi %mul3A_3, %add3A_620 : vector<16xi32>
          %gather3A_622 = tpu.vector_load_idx %arg9[%get3A_619] : memref<50000xf32, #tpu.memory_space<vmem>>[vector<16xi32>], vector<16xf32>,
          tpu.vector_store_idx %arg13[%add3A_621], %gather3A_622 : memref<6400xf32, #tpu.memory_space<vmem>>[vector<16xi32>], vector<16xf32>,
          %scan3A_623 = arith.constant 0 : i32
          scf.yield %scan3A_623 : i32
        }
        %scan3A_534 = arith.constant 400 : i32
        %mul3A_535 = arith.constant 6400 : i32
        %mul3A_536 = arith.muli %add3A_488, %mul3A_535 : i32
        %add3A_537 = arith.addi %add3A_187, %mul3A_536 : i32
        %dma_start3A_538 = tpu.memref_slice %arg6[%add3A_537] : memref<9600000xf32, #tpu.memory_space<hbm>> -> memref<6400xf32, #tpu.memory_space<hbm>>
        %dma_start3A_539 = tpu.memref_slice %arg6[%add3A_537] : memref<9600000xf32, #tpu.memory_space<hbm>> -> memref<6400xf32, #tpu.memory_space<hbm>>
        tpu.enqueue_dma source(%arg13 : memref<6400xf32, #tpu.memory_space<vmem>>) target(%dma_start3A_539 : memref<6400xf32, #tpu.memory_space<hbm>>) target_semaphore(%arg18 : memref<!tpu.dma_semaphore, #tpu.memory_space<semaphore_mem>>)
        %add3A_540 = arith.constant 2 : i32
        %add3A_541 = arith.addi %add3A_488, %add3A_540 : i32
        %lt3A_542 = arith.cmpi slt, %add3A_541, %min3A_153 : i32
        %convert_element_type3A_543 = arith.extui %lt3A_542 : i1 to i32
        %cond3A_544 = arith.constant 0 : i32
        %cond3A_545 = arith.cmpi ne, %convert_element_type3A_543, %cond3A_544 : i32
        scf.if %cond3A_545 {
          %add3A_546 = arith.constant 2 : i32
          %add3A_547 = arith.addi %add3A_488, %add3A_546 : i32
          %mul3A_548 = arith.constant 6400 : i32
          %mul3A_549 = arith.muli %add3A_547, %mul3A_548 : i32
          %add3A_550 = arith.addi %add3A_182, %mul3A_549 : i32
          %dma_start3A_551 = tpu.memref_slice %arg3[%add3A_550] : memref<3200000xi32, #tpu.memory_space<hbm>> -> memref<6400xi32, #tpu.memory_space<hbm>>
          %dma_start3A_552 = tpu.memref_slice %arg3[%add3A_550] : memref<3200000xi32, #tpu.memory_space<hbm>> -> memref<6400xi32, #tpu.memory_space<hbm>>
          tpu.enqueue_dma source(%dma_start3A_552 : memref<6400xi32, #tpu.memory_space<hbm>>) target(%arg10 : memref<6400xi32, #tpu.memory_space<vmem>>) target_semaphore(%arg15 : memref<!tpu.dma_semaphore, #tpu.memory_space<semaphore_mem>>)
        } else {
        }
      } else {
      }
      %mul3A_493 = arith.constant 2 : i32
      %mul3A_494 = arith.muli %scan3A_483, %mul3A_493 : i32
      %add3A_495 = arith.constant 1 : i32
      %add3A_496 = arith.addi %mul3A_494, %add3A_495 : i32
      %lt3A_497 = arith.cmpi slt, %add3A_496, %min3A_153 : i32
      %convert_element_type3A_498 = arith.extui %lt3A_497 : i1 to i32
      %cond3A_499 = arith.constant 0 : i32
      %cond3A_500 = arith.cmpi ne, %convert_element_type3A_498, %cond3A_499 : i32
      scf.if %cond3A_500 {
        %mul3A_502 = arith.constant 6400 : i32
        %mul3A_503 = arith.muli %add3A_496, %mul3A_502 : i32
        %add3A_504 = arith.addi %add3A_182, %mul3A_503 : i32
        %dma_wait3A_505 = tpu.memref_slice %arg3[%add3A_504] : memref<3200000xi32, #tpu.memory_space<hbm>> -> memref<6400xi32, #tpu.memory_space<hbm>>
        %dma_wait3A_506 = tpu.memref_slice %arg3[%add3A_504] : memref<3200000xi32, #tpu.memory_space<hbm>> -> memref<6400xi32, #tpu.memory_space<hbm>>
        tpu.wait_dma2 semaphore(%arg16 : memref<!tpu.dma_semaphore, #tpu.memory_space<semaphore_mem>>) src(%dma_wait3A_506 : memref<6400xi32, #tpu.memory_space<hbm>>) dst(%arg11 : memref<6400xi32, #tpu.memory_space<vmem>>)
        %ge3A = arith.constant 1 : i32
        %ge3A_507 = arith.cmpi sge, %add3A_496, %ge3A : i32
        %convert_element_type3A_508 = arith.extui %ge3A_507 : i1 to i32
        %cond3A_509 = arith.constant 0 : i32
        %cond3A_510 = arith.cmpi ne, %convert_element_type3A_508, %cond3A_509 : i32
        scf.if %cond3A_510 {
          %dma_wait3A_546 = arith.constant 0 : i32
          %dma_wait3A_547 = tpu.memref_slice %arg5[%dma_wait3A_546] : memref<9600000xf32, #tpu.memory_space<hbm>> -> memref<6400xf32, #tpu.memory_space<hbm>>
          %dma_wait3A_548 = arith.constant 0 : i32
          %dma_wait3A_549 = tpu.memref_slice %arg5[%dma_wait3A_548] : memref<9600000xf32, #tpu.memory_space<hbm>> -> memref<6400xf32, #tpu.memory_space<hbm>>
          tpu.wait_dma2 semaphore(%arg17 : memref<!tpu.dma_semaphore, #tpu.memory_space<semaphore_mem>>) src(%dma_wait3A_549 : memref<6400xf32, #tpu.memory_space<hbm>>) dst(%arg12 : memref<6400xf32, #tpu.memory_space<vmem>>)
        } else {
        }
        %scan3A_511 = arith.constant 0 : i32
        %scan3A_512 = arith.constant 0 : i32
        %scan3A_513 = arith.constant 400 : i32
        %scan3A_514 = arith.addi %scan3A_512, %scan3A_513 : i32
        %scan3A_515 = arith.constant 8 : i32
        %scan3A_516 = scf.for %scan3A_546 = %scan3A_512 to %scan3A_514 step %scan3A_515 iter_args(%scan3A_547 = %scan3A_511) -> (i32)  : i32 {
          %mul3A_548 = arith.constant 16 : i32
          %mul3A_549 = arith.muli %scan3A_546, %mul3A_548 : i32
          %get3A = arith.index_cast %mul3A_549 : i32 to index
          %get3A_550 = tpu.vector_load %arg11[%get3A] {strides = array<i32>} : memref<6400xi32, #tpu.memory_space<vmem>>, vector<16xi32>,
          %add3A_551 = vector.broadcast %scan3A_546 : i32 to vector<16xi32>
          %add3A_552 = arith.addi %mul3A_3, %add3A_551 : vector<16xi32>
          %gather3A = tpu.vector_load_idx %arg8[%get3A_550] : memref<50000xf32, #tpu.memory_space<vmem>>[vector<16xi32>], vector<16xf32>,
          tpu.vector_store_idx %arg12[%add3A_552], %gather3A : memref<6400xf32, #tpu.memory_space<vmem>>[vector<16xi32>], vector<16xf32>,
          %scan3A_553 = arith.constant 0 : i32
          %scan3A_554 = arith.constant 1 : i32
          %scan3A_555 = arith.addi %scan3A_546, %scan3A_554 : i32
          %mul3A_556 = arith.constant 16 : i32
          %mul3A_557 = arith.muli %scan3A_555, %mul3A_556 : i32
          %get3A_558 = arith.index_cast %mul3A_557 : i32 to index
          %get3A_559 = tpu.vector_load %arg11[%get3A_558] {strides = array<i32>} : memref<6400xi32, #tpu.memory_space<vmem>>, vector<16xi32>,
          %add3A_560 = vector.broadcast %scan3A_555 : i32 to vector<16xi32>
          %add3A_561 = arith.addi %mul3A_3, %add3A_560 : vector<16xi32>
          %gather3A_562 = tpu.vector_load_idx %arg8[%get3A_559] : memref<50000xf32, #tpu.memory_space<vmem>>[vector<16xi32>], vector<16xf32>,
          tpu.vector_store_idx %arg12[%add3A_561], %gather3A_562 : memref<6400xf32, #tpu.memory_space<vmem>>[vector<16xi32>], vector<16xf32>,
          %scan3A_563 = arith.constant 0 : i32
          %scan3A_564 = arith.constant 2 : i32
          %scan3A_565 = arith.addi %scan3A_546, %scan3A_564 : i32
          %mul3A_566 = arith.constant 16 : i32
          %mul3A_567 = arith.muli %scan3A_565, %mul3A_566 : i32
          %get3A_568 = arith.index_cast %mul3A_567 : i32 to index
          %get3A_569 = tpu.vector_load %arg11[%get3A_568] {strides = array<i32>} : memref<6400xi32, #tpu.memory_space<vmem>>, vector<16xi32>,
          %add3A_570 = vector.broadcast %scan3A_565 : i32 to vector<16xi32>
          %add3A_571 = arith.addi %mul3A_3, %add3A_570 : vector<16xi32>
          %gather3A_572 = tpu.vector_load_idx %arg8[%get3A_569] : memref<50000xf32, #tpu.memory_space<vmem>>[vector<16xi32>], vector<16xf32>,
          tpu.vector_store_idx %arg12[%add3A_571], %gather3A_572 : memref<6400xf32, #tpu.memory_space<vmem>>[vector<16xi32>], vector<16xf32>,
          %scan3A_573 = arith.constant 0 : i32
          %scan3A_574 = arith.constant 3 : i32
          %scan3A_575 = arith.addi %scan3A_546, %scan3A_574 : i32
          %mul3A_576 = arith.constant 16 : i32
          %mul3A_577 = arith.muli %scan3A_575, %mul3A_576 : i32
          %get3A_578 = arith.index_cast %mul3A_577 : i32 to index
          %get3A_579 = tpu.vector_load %arg11[%get3A_578] {strides = array<i32>} : memref<6400xi32, #tpu.memory_space<vmem>>, vector<16xi32>,
          %add3A_580 = vector.broadcast %scan3A_575 : i32 to vector<16xi32>
          %add3A_581 = arith.addi %mul3A_3, %add3A_580 : vector<16xi32>
          %gather3A_582 = tpu.vector_load_idx %arg8[%get3A_579] : memref<50000xf32, #tpu.memory_space<vmem>>[vector<16xi32>], vector<16xf32>,
          tpu.vector_store_idx %arg12[%add3A_581], %gather3A_582 : memref<6400xf32, #tpu.memory_space<vmem>>[vector<16xi32>], vector<16xf32>,
          %scan3A_583 = arith.constant 0 : i32
          %scan3A_584 = arith.constant 4 : i32
          %scan3A_585 = arith.addi %scan3A_546, %scan3A_584 : i32
          %mul3A_586 = arith.constant 16 : i32
          %mul3A_587 = arith.muli %scan3A_585, %mul3A_586 : i32
          %get3A_588 = arith.index_cast %mul3A_587 : i32 to index
          %get3A_589 = tpu.vector_load %arg11[%get3A_588] {strides = array<i32>} : memref<6400xi32, #tpu.memory_space<vmem>>, vector<16xi32>,
          %add3A_590 = vector.broadcast %scan3A_585 : i32 to vector<16xi32>
          %add3A_591 = arith.addi %mul3A_3, %add3A_590 : vector<16xi32>
          %gather3A_592 = tpu.vector_load_idx %arg8[%get3A_589] : memref<50000xf32, #tpu.memory_space<vmem>>[vector<16xi32>], vector<16xf32>,
          tpu.vector_store_idx %arg12[%add3A_591], %gather3A_592 : memref<6400xf32, #tpu.memory_space<vmem>>[vector<16xi32>], vector<16xf32>,
          %scan3A_593 = arith.constant 0 : i32
          %scan3A_594 = arith.constant 5 : i32
          %scan3A_595 = arith.addi %scan3A_546, %scan3A_594 : i32
          %mul3A_596 = arith.constant 16 : i32
          %mul3A_597 = arith.muli %scan3A_595, %mul3A_596 : i32
          %get3A_598 = arith.index_cast %mul3A_597 : i32 to index
          %get3A_599 = tpu.vector_load %arg11[%get3A_598] {strides = array<i32>} : memref<6400xi32, #tpu.memory_space<vmem>>, vector<16xi32>,
          %add3A_600 = vector.broadcast %scan3A_595 : i32 to vector<16xi32>
          %add3A_601 = arith.addi %mul3A_3, %add3A_600 : vector<16xi32>
          %gather3A_602 = tpu.vector_load_idx %arg8[%get3A_599] : memref<50000xf32, #tpu.memory_space<vmem>>[vector<16xi32>], vector<16xf32>,
          tpu.vector_store_idx %arg12[%add3A_601], %gather3A_602 : memref<6400xf32, #tpu.memory_space<vmem>>[vector<16xi32>], vector<16xf32>,
          %scan3A_603 = arith.constant 0 : i32
          %scan3A_604 = arith.constant 6 : i32
          %scan3A_605 = arith.addi %scan3A_546, %scan3A_604 : i32
          %mul3A_606 = arith.constant 16 : i32
          %mul3A_607 = arith.muli %scan3A_605, %mul3A_606 : i32
          %get3A_608 = arith.index_cast %mul3A_607 : i32 to index
          %get3A_609 = tpu.vector_load %arg11[%get3A_608] {strides = array<i32>} : memref<6400xi32, #tpu.memory_space<vmem>>, vector<16xi32>,
          %add3A_610 = vector.broadcast %scan3A_605 : i32 to vector<16xi32>
          %add3A_611 = arith.addi %mul3A_3, %add3A_610 : vector<16xi32>
          %gather3A_612 = tpu.vector_load_idx %arg8[%get3A_609] : memref<50000xf32, #tpu.memory_space<vmem>>[vector<16xi32>], vector<16xf32>,
          tpu.vector_store_idx %arg12[%add3A_611], %gather3A_612 : memref<6400xf32, #tpu.memory_space<vmem>>[vector<16xi32>], vector<16xf32>,
          %scan3A_613 = arith.constant 0 : i32
          %scan3A_614 = arith.constant 7 : i32
          %scan3A_615 = arith.addi %scan3A_546, %scan3A_614 : i32
          %mul3A_616 = arith.constant 16 : i32
          %mul3A_617 = arith.muli %scan3A_615, %mul3A_616 : i32
          %get3A_618 = arith.index_cast %mul3A_617 : i32 to index
          %get3A_619 = tpu.vector_load %arg11[%get3A_618] {strides = array<i32>} : memref<6400xi32, #tpu.memory_space<vmem>>, vector<16xi32>,
          %add3A_620 = vector.broadcast %scan3A_615 : i32 to vector<16xi32>
          %add3A_621 = arith.addi %mul3A_3, %add3A_620 : vector<16xi32>
          %gather3A_622 = tpu.vector_load_idx %arg8[%get3A_619] : memref<50000xf32, #tpu.memory_space<vmem>>[vector<16xi32>], vector<16xf32>,
          tpu.vector_store_idx %arg12[%add3A_621], %gather3A_622 : memref<6400xf32, #tpu.memory_space<vmem>>[vector<16xi32>], vector<16xf32>,
          %scan3A_623 = arith.constant 0 : i32
          scf.yield %scan3A_623 : i32
        }
        %scan3A_517 = arith.constant 400 : i32
        %mul3A_518 = arith.constant 6400 : i32
        %mul3A_519 = arith.muli %add3A_496, %mul3A_518 : i32
        %add3A_520 = arith.addi %add3A_187, %mul3A_519 : i32
        %dma_start3A_521 = tpu.memref_slice %arg5[%add3A_520] : memref<9600000xf32, #tpu.memory_space<hbm>> -> memref<6400xf32, #tpu.memory_space<hbm>>
        %dma_start3A_522 = tpu.memref_slice %arg5[%add3A_520] : memref<9600000xf32, #tpu.memory_space<hbm>> -> memref<6400xf32, #tpu.memory_space<hbm>>
        tpu.enqueue_dma source(%arg12 : memref<6400xf32, #tpu.memory_space<vmem>>) target(%dma_start3A_522 : memref<6400xf32, #tpu.memory_space<hbm>>) target_semaphore(%arg17 : memref<!tpu.dma_semaphore, #tpu.memory_space<semaphore_mem>>)
        %ge3A_523 = arith.constant 1 : i32
        %ge3A_524 = arith.cmpi sge, %add3A_496, %ge3A_523 : i32
        %convert_element_type3A_525 = arith.extui %ge3A_524 : i1 to i32
        %cond3A_526 = arith.constant 0 : i32
        %cond3A_527 = arith.cmpi ne, %convert_element_type3A_525, %cond3A_526 : i32
        scf.if %cond3A_527 {
          %dma_wait3A_546 = arith.constant 0 : i32
          %dma_wait3A_547 = tpu.memref_slice %arg5[%dma_wait3A_546] : memref<9600000xf32, #tpu.memory_space<hbm>> -> memref<6400xf32, #tpu.memory_space<hbm>>
          %dma_wait3A_548 = arith.constant 0 : i32
          %dma_wait3A_549 = tpu.memref_slice %arg5[%dma_wait3A_548] : memref<9600000xf32, #tpu.memory_space<hbm>> -> memref<6400xf32, #tpu.memory_space<hbm>>
          tpu.wait_dma2 semaphore(%arg18 : memref<!tpu.dma_semaphore, #tpu.memory_space<semaphore_mem>>) src(%dma_wait3A_549 : memref<6400xf32, #tpu.memory_space<hbm>>) dst(%arg13 : memref<6400xf32, #tpu.memory_space<vmem>>)
        } else {
        }
        %scan3A_528 = arith.constant 0 : i32
        %scan3A_529 = arith.constant 0 : i32
        %scan3A_530 = arith.constant 400 : i32
        %scan3A_531 = arith.addi %scan3A_529, %scan3A_530 : i32
        %scan3A_532 = arith.constant 8 : i32
        %scan3A_533 = scf.for %scan3A_546 = %scan3A_529 to %scan3A_531 step %scan3A_532 iter_args(%scan3A_547 = %scan3A_528) -> (i32)  : i32 {
          %mul3A_548 = arith.constant 16 : i32
          %mul3A_549 = arith.muli %scan3A_546, %mul3A_548 : i32
          %get3A = arith.index_cast %mul3A_549 : i32 to index
          %get3A_550 = tpu.vector_load %arg11[%get3A] {strides = array<i32>} : memref<6400xi32, #tpu.memory_space<vmem>>, vector<16xi32>,
          %add3A_551 = vector.broadcast %scan3A_546 : i32 to vector<16xi32>
          %add3A_552 = arith.addi %mul3A_3, %add3A_551 : vector<16xi32>
          %gather3A = tpu.vector_load_idx %arg9[%get3A_550] : memref<50000xf32, #tpu.memory_space<vmem>>[vector<16xi32>], vector<16xf32>,
          tpu.vector_store_idx %arg13[%add3A_552], %gather3A : memref<6400xf32, #tpu.memory_space<vmem>>[vector<16xi32>], vector<16xf32>,
          %scan3A_553 = arith.constant 0 : i32
          %scan3A_554 = arith.constant 1 : i32
          %scan3A_555 = arith.addi %scan3A_546, %scan3A_554 : i32
          %mul3A_556 = arith.constant 16 : i32
          %mul3A_557 = arith.muli %scan3A_555, %mul3A_556 : i32
          %get3A_558 = arith.index_cast %mul3A_557 : i32 to index
          %get3A_559 = tpu.vector_load %arg11[%get3A_558] {strides = array<i32>} : memref<6400xi32, #tpu.memory_space<vmem>>, vector<16xi32>,
          %add3A_560 = vector.broadcast %scan3A_555 : i32 to vector<16xi32>
          %add3A_561 = arith.addi %mul3A_3, %add3A_560 : vector<16xi32>
          %gather3A_562 = tpu.vector_load_idx %arg9[%get3A_559] : memref<50000xf32, #tpu.memory_space<vmem>>[vector<16xi32>], vector<16xf32>,
          tpu.vector_store_idx %arg13[%add3A_561], %gather3A_562 : memref<6400xf32, #tpu.memory_space<vmem>>[vector<16xi32>], vector<16xf32>,
          %scan3A_563 = arith.constant 0 : i32
          %scan3A_564 = arith.constant 2 : i32
          %scan3A_565 = arith.addi %scan3A_546, %scan3A_564 : i32
          %mul3A_566 = arith.constant 16 : i32
          %mul3A_567 = arith.muli %scan3A_565, %mul3A_566 : i32
          %get3A_568 = arith.index_cast %mul3A_567 : i32 to index
          %get3A_569 = tpu.vector_load %arg11[%get3A_568] {strides = array<i32>} : memref<6400xi32, #tpu.memory_space<vmem>>, vector<16xi32>,
          %add3A_570 = vector.broadcast %scan3A_565 : i32 to vector<16xi32>
          %add3A_571 = arith.addi %mul3A_3, %add3A_570 : vector<16xi32>
          %gather3A_572 = tpu.vector_load_idx %arg9[%get3A_569] : memref<50000xf32, #tpu.memory_space<vmem>>[vector<16xi32>], vector<16xf32>,
          tpu.vector_store_idx %arg13[%add3A_571], %gather3A_572 : memref<6400xf32, #tpu.memory_space<vmem>>[vector<16xi32>], vector<16xf32>,
          %scan3A_573 = arith.constant 0 : i32
          %scan3A_574 = arith.constant 3 : i32
          %scan3A_575 = arith.addi %scan3A_546, %scan3A_574 : i32
          %mul3A_576 = arith.constant 16 : i32
          %mul3A_577 = arith.muli %scan3A_575, %mul3A_576 : i32
          %get3A_578 = arith.index_cast %mul3A_577 : i32 to index
          %get3A_579 = tpu.vector_load %arg11[%get3A_578] {strides = array<i32>} : memref<6400xi32, #tpu.memory_space<vmem>>, vector<16xi32>,
          %add3A_580 = vector.broadcast %scan3A_575 : i32 to vector<16xi32>
          %add3A_581 = arith.addi %mul3A_3, %add3A_580 : vector<16xi32>
          %gather3A_582 = tpu.vector_load_idx %arg9[%get3A_579] : memref<50000xf32, #tpu.memory_space<vmem>>[vector<16xi32>], vector<16xf32>,
          tpu.vector_store_idx %arg13[%add3A_581], %gather3A_582 : memref<6400xf32, #tpu.memory_space<vmem>>[vector<16xi32>], vector<16xf32>,
          %scan3A_583 = arith.constant 0 : i32
          %scan3A_584 = arith.constant 4 : i32
          %scan3A_585 = arith.addi %scan3A_546, %scan3A_584 : i32
          %mul3A_586 = arith.constant 16 : i32
          %mul3A_587 = arith.muli %scan3A_585, %mul3A_586 : i32
          %get3A_588 = arith.index_cast %mul3A_587 : i32 to index
          %get3A_589 = tpu.vector_load %arg11[%get3A_588] {strides = array<i32>} : memref<6400xi32, #tpu.memory_space<vmem>>, vector<16xi32>,
          %add3A_590 = vector.broadcast %scan3A_585 : i32 to vector<16xi32>
          %add3A_591 = arith.addi %mul3A_3, %add3A_590 : vector<16xi32>
          %gather3A_592 = tpu.vector_load_idx %arg9[%get3A_589] : memref<50000xf32, #tpu.memory_space<vmem>>[vector<16xi32>], vector<16xf32>,
          tpu.vector_store_idx %arg13[%add3A_591], %gather3A_592 : memref<6400xf32, #tpu.memory_space<vmem>>[vector<16xi32>], vector<16xf32>,
          %scan3A_593 = arith.constant 0 : i32
          %scan3A_594 = arith.constant 5 : i32
          %scan3A_595 = arith.addi %scan3A_546, %scan3A_594 : i32
          %mul3A_596 = arith.constant 16 : i32
          %mul3A_597 = arith.muli %scan3A_595, %mul3A_596 : i32
          %get3A_598 = arith.index_cast %mul3A_597 : i32 to index
          %get3A_599 = tpu.vector_load %arg11[%get3A_598] {strides = array<i32>} : memref<6400xi32, #tpu.memory_space<vmem>>, vector<16xi32>,
          %add3A_600 = vector.broadcast %scan3A_595 : i32 to vector<16xi32>
          %add3A_601 = arith.addi %mul3A_3, %add3A_600 : vector<16xi32>
          %gather3A_602 = tpu.vector_load_idx %arg9[%get3A_599] : memref<50000xf32, #tpu.memory_space<vmem>>[vector<16xi32>], vector<16xf32>,
          tpu.vector_store_idx %arg13[%add3A_601], %gather3A_602 : memref<6400xf32, #tpu.memory_space<vmem>>[vector<16xi32>], vector<16xf32>,
          %scan3A_603 = arith.constant 0 : i32
          %scan3A_604 = arith.constant 6 : i32
          %scan3A_605 = arith.addi %scan3A_546, %scan3A_604 : i32
          %mul3A_606 = arith.constant 16 : i32
          %mul3A_607 = arith.muli %scan3A_605, %mul3A_606 : i32
          %get3A_608 = arith.index_cast %mul3A_607 : i32 to index
          %get3A_609 = tpu.vector_load %arg11[%get3A_608] {strides = array<i32>} : memref<6400xi32, #tpu.memory_space<vmem>>, vector<16xi32>,
          %add3A_610 = vector.broadcast %scan3A_605 : i32 to vector<16xi32>
          %add3A_611 = arith.addi %mul3A_3, %add3A_610 : vector<16xi32>
          %gather3A_612 = tpu.vector_load_idx %arg9[%get3A_609] : memref<50000xf32, #tpu.memory_space<vmem>>[vector<16xi32>], vector<16xf32>,
          tpu.vector_store_idx %arg13[%add3A_611], %gather3A_612 : memref<6400xf32, #tpu.memory_space<vmem>>[vector<16xi32>], vector<16xf32>,
          %scan3A_613 = arith.constant 0 : i32
          %scan3A_614 = arith.constant 7 : i32
          %scan3A_615 = arith.addi %scan3A_546, %scan3A_614 : i32
          %mul3A_616 = arith.constant 16 : i32
          %mul3A_617 = arith.muli %scan3A_615, %mul3A_616 : i32
          %get3A_618 = arith.index_cast %mul3A_617 : i32 to index
          %get3A_619 = tpu.vector_load %arg11[%get3A_618] {strides = array<i32>} : memref<6400xi32, #tpu.memory_space<vmem>>, vector<16xi32>,
          %add3A_620 = vector.broadcast %scan3A_615 : i32 to vector<16xi32>
          %add3A_621 = arith.addi %mul3A_3, %add3A_620 : vector<16xi32>
          %gather3A_622 = tpu.vector_load_idx %arg9[%get3A_619] : memref<50000xf32, #tpu.memory_space<vmem>>[vector<16xi32>], vector<16xf32>,
          tpu.vector_store_idx %arg13[%add3A_621], %gather3A_622 : memref<6400xf32, #tpu.memory_space<vmem>>[vector<16xi32>], vector<16xf32>,
          %scan3A_623 = arith.constant 0 : i32
          scf.yield %scan3A_623 : i32
        }
        %scan3A_534 = arith.constant 400 : i32
        %mul3A_535 = arith.constant 6400 : i32
        %mul3A_536 = arith.muli %add3A_496, %mul3A_535 : i32
        %add3A_537 = arith.addi %add3A_187, %mul3A_536 : i32
        %dma_start3A_538 = tpu.memref_slice %arg6[%add3A_537] : memref<9600000xf32, #tpu.memory_space<hbm>> -> memref<6400xf32, #tpu.memory_space<hbm>>
        %dma_start3A_539 = tpu.memref_slice %arg6[%add3A_537] : memref<9600000xf32, #tpu.memory_space<hbm>> -> memref<6400xf32, #tpu.memory_space<hbm>>
        tpu.enqueue_dma source(%arg13 : memref<6400xf32, #tpu.memory_space<vmem>>) target(%dma_start3A_539 : memref<6400xf32, #tpu.memory_space<hbm>>) target_semaphore(%arg18 : memref<!tpu.dma_semaphore, #tpu.memory_space<semaphore_mem>>)
        %add3A_540 = arith.constant 2 : i32
        %add3A_541 = arith.addi %add3A_496, %add3A_540 : i32
        %lt3A_542 = arith.cmpi slt, %add3A_541, %min3A_153 : i32
        %convert_element_type3A_543 = arith.extui %lt3A_542 : i1 to i32
        %cond3A_544 = arith.constant 0 : i32
        %cond3A_545 = arith.cmpi ne, %convert_element_type3A_543, %cond3A_544 : i32
        scf.if %cond3A_545 {
          %add3A_546 = arith.constant 2 : i32
          %add3A_547 = arith.addi %add3A_496, %add3A_546 : i32
          %mul3A_548 = arith.constant 6400 : i32
          %mul3A_549 = arith.muli %add3A_547, %mul3A_548 : i32
          %add3A_550 = arith.addi %add3A_182, %mul3A_549 : i32
          %dma_start3A_551 = tpu.memref_slice %arg3[%add3A_550] : memref<3200000xi32, #tpu.memory_space<hbm>> -> memref<6400xi32, #tpu.memory_space<hbm>>
          %dma_start3A_552 = tpu.memref_slice %arg3[%add3A_550] : memref<3200000xi32, #tpu.memory_space<hbm>> -> memref<6400xi32, #tpu.memory_space<hbm>>
          tpu.enqueue_dma source(%dma_start3A_552 : memref<6400xi32, #tpu.memory_space<hbm>>) target(%arg11 : memref<6400xi32, #tpu.memory_space<vmem>>) target_semaphore(%arg16 : memref<!tpu.dma_semaphore, #tpu.memory_space<semaphore_mem>>)
        } else {
        }
      } else {
      }
      %scan3A_501 = arith.constant 0 : i32
      scf.yield %scan3A_501 : i32
    }
    %scan3A_202 = arith.constant 8 : i32
    %dma_wait3A_203 = arith.constant 0 : i32
    %dma_wait3A_204 = tpu.memref_slice %arg5[%dma_wait3A_203] : memref<9600000xf32, #tpu.memory_space<hbm>> -> memref<6400xf32, #tpu.memory_space<hbm>>
    %dma_wait3A_205 = arith.constant 0 : i32
    %dma_wait3A_206 = tpu.memref_slice %arg5[%dma_wait3A_205] : memref<9600000xf32, #tpu.memory_space<hbm>> -> memref<6400xf32, #tpu.memory_space<hbm>>
    tpu.wait_dma2 semaphore(%arg17 : memref<!tpu.dma_semaphore, #tpu.memory_space<semaphore_mem>>) src(%dma_wait3A_206 : memref<6400xf32, #tpu.memory_space<hbm>>) dst(%arg12 : memref<6400xf32, #tpu.memory_space<vmem>>)
    %dma_wait3A_207 = arith.constant 0 : i32
    %dma_wait3A_208 = tpu.memref_slice %arg5[%dma_wait3A_207] : memref<9600000xf32, #tpu.memory_space<hbm>> -> memref<6400xf32, #tpu.memory_space<hbm>>
    %dma_wait3A_209 = arith.constant 0 : i32
    %dma_wait3A_210 = tpu.memref_slice %arg5[%dma_wait3A_209] : memref<9600000xf32, #tpu.memory_space<hbm>> -> memref<6400xf32, #tpu.memory_space<hbm>>
    tpu.wait_dma2 semaphore(%arg18 : memref<!tpu.dma_semaphore, #tpu.memory_space<semaphore_mem>>) src(%dma_wait3A_210 : memref<6400xf32, #tpu.memory_space<hbm>>) dst(%arg13 : memref<6400xf32, #tpu.memory_space<vmem>>)
    %mul3A_211 = arith.constant 3 : i32
    %mul3A_212 = arith.muli %add3A, %mul3A_211 : i32
    %add3A_213 = arith.constant 1 : i32
    %add3A_214 = arith.addi %mul3A_212, %add3A_213 : i32
    %jit3A_215 = arith.constant 8 : i32
    %div3A_216 = arith.divsi %add3A_214, %jit3A_215 : i32
    %sign3A_217 = arith.constant 0 : i32
    %sign3A_218 = arith.cmpi sgt, %add3A_214, %sign3A_217 : i32
    %sign3A_219 = arith.extui %sign3A_218 : i1 to i32
    %sign3A_220 = arith.constant 0 : i32
    %sign3A_221 = arith.cmpi slt, %add3A_214, %sign3A_220 : i32
    %sign3A_222 = arith.extui %sign3A_221 : i1 to i32
    %sign3A_223 = arith.subi %sign3A_219, %sign3A_222 : i32
    %sign3A_224 = arith.constant 0 : i32
    %sign3A_225 = arith.cmpi sgt, %jit3A_215, %sign3A_224 : i32
    %sign3A_226 = arith.extui %sign3A_225 : i1 to i32
    %sign3A_227 = arith.constant 0 : i32
    %sign3A_228 = arith.cmpi slt, %jit3A_215, %sign3A_227 : i32
    %sign3A_229 = arith.extui %sign3A_228 : i1 to i32
    %sign3A_230 = arith.subi %sign3A_226, %sign3A_229 : i32
    %ne3A_231 = arith.cmpi ne, %sign3A_223, %sign3A_230 : i32
    %rem3A_232 = arith.remsi %add3A_214, %jit3A_215 : i32
    %ne3A_233 = arith.constant 0 : i32
    %ne3A_234 = arith.cmpi ne, %rem3A_232, %ne3A_233 : i32
    %and3A_235 = arith.andi %ne3A_231, %ne3A_234 : i1
    %sub3A_236 = arith.constant 1 : i32
    %sub3A_237 = arith.subi %div3A_216, %sub3A_236 : i32
    %select_n3A_238 = arith.select %and3A_235, %sub3A_237, %div3A_216 : i32
    %jit3A_239 = arith.constant 8 : i32
    %eq3A_240 = arith.constant 0 : i32
    %eq3A_241 = arith.cmpi eq, %jit3A_239, %eq3A_240 : i32
    %jit3A_242 = arith.constant 1 : i32
    %select_n3A_243 = arith.select %eq3A_241, %jit3A_242, %jit3A_239 : i32
    %rem3A_244 = arith.remsi %add3A_214, %select_n3A_243 : i32
    %ne3A_245 = arith.constant 0 : i32
    %ne3A_246 = arith.cmpi ne, %rem3A_244, %ne3A_245 : i32
    %lt3A_247 = arith.constant 0 : i32
    %lt3A_248 = arith.cmpi slt, %rem3A_244, %lt3A_247 : i32
    %lt3A_249 = arith.constant 0 : i32
    %lt3A_250 = arith.cmpi slt, %select_n3A_243, %lt3A_249 : i32
    %ne3A_251 = arith.xori %lt3A_248, %lt3A_250 : i1
    %and3A_252 = arith.andi %ne3A_251, %ne3A_246 : i1
    %add3A_253 = arith.addi %rem3A_244, %select_n3A_243 : i32
    %select_n3A_254 = arith.select %and3A_252, %add3A_253, %rem3A_244 : i32
    %mul3A_255 = arith.constant 16 : i32
    %mul3A_256 = arith.muli %select_n3A_254, %mul3A_255 : i32
    %sub3A_257 = arith.constant 125 : i32
    %sub3A_258 = arith.subi %sub3A_257, %mul3A_256 : i32
    %min3A_259 = arith.constant 16 : i32
    %min3A_260 = arith.minsi %sub3A_258, %min3A_259 : i32
    %jit3A_261 = arith.constant 3 : i32
    %div3A_262 = arith.divsi %select_n3A_238, %jit3A_261 : i32
    %sign3A_263 = arith.constant 0 : i32
    %sign3A_264 = arith.cmpi sgt, %select_n3A_238, %sign3A_263 : i32
    %sign3A_265 = arith.extui %sign3A_264 : i1 to i32
    %sign3A_266 = arith.constant 0 : i32
    %sign3A_267 = arith.cmpi slt, %select_n3A_238, %sign3A_266 : i32
    %sign3A_268 = arith.extui %sign3A_267 : i1 to i32
    %sign3A_269 = arith.subi %sign3A_265, %sign3A_268 : i32
    %sign3A_270 = arith.constant 0 : i32
    %sign3A_271 = arith.cmpi sgt, %jit3A_261, %sign3A_270 : i32
    %sign3A_272 = arith.extui %sign3A_271 : i1 to i32
    %sign3A_273 = arith.constant 0 : i32
    %sign3A_274 = arith.cmpi slt, %jit3A_261, %sign3A_273 : i32
    %sign3A_275 = arith.extui %sign3A_274 : i1 to i32
    %sign3A_276 = arith.subi %sign3A_272, %sign3A_275 : i32
    %ne3A_277 = arith.cmpi ne, %sign3A_269, %sign3A_276 : i32
    %rem3A_278 = arith.remsi %select_n3A_238, %jit3A_261 : i32
    %ne3A_279 = arith.constant 0 : i32
    %ne3A_280 = arith.cmpi ne, %rem3A_278, %ne3A_279 : i32
    %and3A_281 = arith.andi %ne3A_277, %ne3A_280 : i1
    %sub3A_282 = arith.constant 1 : i32
    %sub3A_283 = arith.subi %div3A_262, %sub3A_282 : i32
    %select_n3A_284 = arith.select %and3A_281, %sub3A_283, %div3A_262 : i32
    %mul3A_285 = arith.constant 800000 : i32
    %mul3A_286 = arith.muli %select_n3A_284, %mul3A_285 : i32
    %mul3A_287 = arith.constant 6400 : i32
    %mul3A_288 = arith.muli %mul3A_256, %mul3A_287 : i32
    %add3A_289 = arith.addi %mul3A_286, %mul3A_288 : i32
    %mul3A_290 = arith.constant 800000 : i32
    %mul3A_291 = arith.muli %select_n3A_238, %mul3A_290 : i32
    %mul3A_292 = arith.constant 6400 : i32
    %mul3A_293 = arith.muli %mul3A_256, %mul3A_292 : i32
    %add3A_294 = arith.addi %mul3A_291, %mul3A_293 : i32
    %sub3A_295 = arith.constant 1 : i32
    %sub3A_296 = arith.subi %add3A_214, %sub3A_295 : i32
    %jit3A_297 = arith.constant 8 : i32
    %div3A_298 = arith.divsi %sub3A_296, %jit3A_297 : i32
    %sign3A_299 = arith.constant 0 : i32
    %sign3A_300 = arith.cmpi sgt, %sub3A_296, %sign3A_299 : i32
    %sign3A_301 = arith.extui %sign3A_300 : i1 to i32
    %sign3A_302 = arith.constant 0 : i32
    %sign3A_303 = arith.cmpi slt, %sub3A_296, %sign3A_302 : i32
    %sign3A_304 = arith.extui %sign3A_303 : i1 to i32
    %sign3A_305 = arith.subi %sign3A_301, %sign3A_304 : i32
    %sign3A_306 = arith.constant 0 : i32
    %sign3A_307 = arith.cmpi sgt, %jit3A_297, %sign3A_306 : i32
    %sign3A_308 = arith.extui %sign3A_307 : i1 to i32
    %sign3A_309 = arith.constant 0 : i32
    %sign3A_310 = arith.cmpi slt, %jit3A_297, %sign3A_309 : i32
    %sign3A_311 = arith.extui %sign3A_310 : i1 to i32
    %sign3A_312 = arith.subi %sign3A_308, %sign3A_311 : i32
    %ne3A_313 = arith.cmpi ne, %sign3A_305, %sign3A_312 : i32
    %rem3A_314 = arith.remsi %sub3A_296, %jit3A_297 : i32
    %ne3A_315 = arith.constant 0 : i32
    %ne3A_316 = arith.cmpi ne, %rem3A_314, %ne3A_315 : i32
    %and3A_317 = arith.andi %ne3A_313, %ne3A_316 : i1
    %sub3A_318 = arith.constant 1 : i32
    %sub3A_319 = arith.subi %div3A_298, %sub3A_318 : i32
    %select_n3A_320 = arith.select %and3A_317, %sub3A_319, %div3A_298 : i32
    %ne3A_321 = arith.cmpi ne, %select_n3A_238, %select_n3A_320 : i32
    %convert_element_type3A = arith.extui %ne3A_321 : i1 to i32
    %cond3A = arith.constant 0 : i32
    %cond3A_322 = arith.cmpi ne, %convert_element_type3A, %cond3A : i32
    scf.if %cond3A_322 {
      %mul3A_483 = arith.constant 2 : i32
      %mul3A_484 = arith.muli %select_n3A_238, %mul3A_483 : i32
      %mul3A_485 = arith.constant 50000 : i32
      %mul3A_486 = arith.muli %mul3A_484, %mul3A_485 : i32
      "tpu.region"() ({
        %run_scoped3A = tpu.sem_alloc : memref<!tpu.dma_semaphore, #tpu.memory_space<semaphore_mem>>
        %dma_start3A_493 = tpu.memref_slice %arg2[%mul3A_486] : memref<1200000xf32, #tpu.memory_space<hbm>> -> memref<50000xf32, #tpu.memory_space<hbm>>
        %dma_start3A_494 = tpu.memref_slice %arg2[%mul3A_486] : memref<1200000xf32, #tpu.memory_space<hbm>> -> memref<50000xf32, #tpu.memory_space<hbm>>
        tpu.enqueue_dma source(%dma_start3A_494 : memref<50000xf32, #tpu.memory_space<hbm>>) target(%arg8 : memref<50000xf32, #tpu.memory_space<vmem>>) target_semaphore(%run_scoped3A : memref<!tpu.dma_semaphore, #tpu.memory_space<semaphore_mem>>)
        %dma_wait3A_495 = tpu.memref_slice %arg2[%mul3A_486] : memref<1200000xf32, #tpu.memory_space<hbm>> -> memref<50000xf32, #tpu.memory_space<hbm>>
        %dma_wait3A_496 = tpu.memref_slice %arg2[%mul3A_486] : memref<1200000xf32, #tpu.memory_space<hbm>> -> memref<50000xf32, #tpu.memory_space<hbm>>
        tpu.wait_dma2 semaphore(%run_scoped3A : memref<!tpu.dma_semaphore, #tpu.memory_space<semaphore_mem>>) src(%dma_wait3A_496 : memref<50000xf32, #tpu.memory_space<hbm>>) dst(%arg8 : memref<50000xf32, #tpu.memory_space<vmem>>)
        tpu.yield
      }) : () -> ()
      %mul3A_487 = arith.constant 2 : i32
      %mul3A_488 = arith.muli %select_n3A_238, %mul3A_487 : i32
      %add3A_489 = arith.constant 1 : i32
      %add3A_490 = arith.addi %mul3A_488, %add3A_489 : i32
      %mul3A_491 = arith.constant 50000 : i32
      %mul3A_492 = arith.muli %add3A_490, %mul3A_491 : i32
      "tpu.region"() ({
        %run_scoped3A = tpu.sem_alloc : memref<!tpu.dma_semaphore, #tpu.memory_space<semaphore_mem>>
        %dma_start3A_493 = tpu.memref_slice %arg2[%mul3A_492] : memref<1200000xf32, #tpu.memory_space<hbm>> -> memref<50000xf32, #tpu.memory_space<hbm>>
        %dma_start3A_494 = tpu.memref_slice %arg2[%mul3A_492] : memref<1200000xf32, #tpu.memory_space<hbm>> -> memref<50000xf32, #tpu.memory_space<hbm>>
        tpu.enqueue_dma source(%dma_start3A_494 : memref<50000xf32, #tpu.memory_space<hbm>>) target(%arg9 : memref<50000xf32, #tpu.memory_space<vmem>>) target_semaphore(%run_scoped3A : memref<!tpu.dma_semaphore, #tpu.memory_space<semaphore_mem>>)
        %dma_wait3A_495 = tpu.memref_slice %arg2[%mul3A_492] : memref<1200000xf32, #tpu.memory_space<hbm>> -> memref<50000xf32, #tpu.memory_space<hbm>>
        %dma_wait3A_496 = tpu.memref_slice %arg2[%mul3A_492] : memref<1200000xf32, #tpu.memory_space<hbm>> -> memref<50000xf32, #tpu.memory_space<hbm>>
        tpu.wait_dma2 semaphore(%run_scoped3A : memref<!tpu.dma_semaphore, #tpu.memory_space<semaphore_mem>>) src(%dma_wait3A_496 : memref<50000xf32, #tpu.memory_space<hbm>>) dst(%arg9 : memref<50000xf32, #tpu.memory_space<vmem>>)
        tpu.yield
      }) : () -> ()
    } else {
    }
    %add3A_323 = arith.constant 0 : i32
    %add3A_324 = arith.addi %add3A_289, %add3A_323 : i32
    %dma_start3A_325 = tpu.memref_slice %arg3[%add3A_324] : memref<3200000xi32, #tpu.memory_space<hbm>> -> memref<6400xi32, #tpu.memory_space<hbm>>
    %dma_start3A_326 = tpu.memref_slice %arg3[%add3A_324] : memref<3200000xi32, #tpu.memory_space<hbm>> -> memref<6400xi32, #tpu.memory_space<hbm>>
    tpu.enqueue_dma source(%dma_start3A_326 : memref<6400xi32, #tpu.memory_space<hbm>>) target(%arg10 : memref<6400xi32, #tpu.memory_space<vmem>>) target_semaphore(%arg15 : memref<!tpu.dma_semaphore, #tpu.memory_space<semaphore_mem>>)
    %add3A_327 = arith.constant 6400 : i32
    %add3A_328 = arith.addi %add3A_289, %add3A_327 : i32
    %dma_start3A_329 = tpu.memref_slice %arg3[%add3A_328] : memref<3200000xi32, #tpu.memory_space<hbm>> -> memref<6400xi32, #tpu.memory_space<hbm>>
    %dma_start3A_330 = tpu.memref_slice %arg3[%add3A_328] : memref<3200000xi32, #tpu.memory_space<hbm>> -> memref<6400xi32, #tpu.memory_space<hbm>>
    tpu.enqueue_dma source(%dma_start3A_330 : memref<6400xi32, #tpu.memory_space<hbm>>) target(%arg11 : memref<6400xi32, #tpu.memory_space<vmem>>) target_semaphore(%arg16 : memref<!tpu.dma_semaphore, #tpu.memory_space<semaphore_mem>>)
    %scan3A_331 = arith.constant 0 : i32
    %scan3A_332 = arith.constant 0 : i32
    %scan3A_333 = arith.constant 8 : i32
    %scan3A_334 = arith.addi %scan3A_332, %scan3A_333 : i32
    %scan3A_335 = arith.constant 1 : i32
    %scan3A_336 = scf.for %scan3A_483 = %scan3A_332 to %scan3A_334 step %scan3A_335 iter_args(%scan3A_484 = %scan3A_331) -> (i32)  : i32 {
      %mul3A_485 = arith.constant 2 : i32
      %mul3A_486 = arith.muli %scan3A_483, %mul3A_485 : i32
      %add3A_487 = arith.constant 0 : i32
      %add3A_488 = arith.addi %mul3A_486, %add3A_487 : i32
      %lt3A_489 = arith.cmpi slt, %add3A_488, %min3A_260 : i32
      %convert_element_type3A_490 = arith.extui %lt3A_489 : i1 to i32
      %cond3A_491 = arith.constant 0 : i32
      %cond3A_492 = arith.cmpi ne, %convert_element_type3A_490, %cond3A_491 : i32
      scf.if %cond3A_492 {
        %mul3A_502 = arith.constant 6400 : i32
        %mul3A_503 = arith.muli %add3A_488, %mul3A_502 : i32
        %add3A_504 = arith.addi %add3A_289, %mul3A_503 : i32
        %dma_wait3A_505 = tpu.memref_slice %arg3[%add3A_504] : memref<3200000xi32, #tpu.memory_space<hbm>> -> memref<6400xi32, #tpu.memory_space<hbm>>
        %dma_wait3A_506 = tpu.memref_slice %arg3[%add3A_504] : memref<3200000xi32, #tpu.memory_space<hbm>> -> memref<6400xi32, #tpu.memory_space<hbm>>
        tpu.wait_dma2 semaphore(%arg15 : memref<!tpu.dma_semaphore, #tpu.memory_space<semaphore_mem>>) src(%dma_wait3A_506 : memref<6400xi32, #tpu.memory_space<hbm>>) dst(%arg10 : memref<6400xi32, #tpu.memory_space<vmem>>)
        %ge3A = arith.constant 1 : i32
        %ge3A_507 = arith.cmpi sge, %add3A_488, %ge3A : i32
        %convert_element_type3A_508 = arith.extui %ge3A_507 : i1 to i32
        %cond3A_509 = arith.constant 0 : i32
        %cond3A_510 = arith.cmpi ne, %convert_element_type3A_508, %cond3A_509 : i32
        scf.if %cond3A_510 {
          %dma_wait3A_546 = arith.constant 0 : i32
          %dma_wait3A_547 = tpu.memref_slice %arg5[%dma_wait3A_546] : memref<9600000xf32, #tpu.memory_space<hbm>> -> memref<6400xf32, #tpu.memory_space<hbm>>
          %dma_wait3A_548 = arith.constant 0 : i32
          %dma_wait3A_549 = tpu.memref_slice %arg5[%dma_wait3A_548] : memref<9600000xf32, #tpu.memory_space<hbm>> -> memref<6400xf32, #tpu.memory_space<hbm>>
          tpu.wait_dma2 semaphore(%arg17 : memref<!tpu.dma_semaphore, #tpu.memory_space<semaphore_mem>>) src(%dma_wait3A_549 : memref<6400xf32, #tpu.memory_space<hbm>>) dst(%arg12 : memref<6400xf32, #tpu.memory_space<vmem>>)
        } else {
        }
        %scan3A_511 = arith.constant 0 : i32
        %scan3A_512 = arith.constant 0 : i32
        %scan3A_513 = arith.constant 400 : i32
        %scan3A_514 = arith.addi %scan3A_512, %scan3A_513 : i32
        %scan3A_515 = arith.constant 8 : i32
        %scan3A_516 = scf.for %scan3A_546 = %scan3A_512 to %scan3A_514 step %scan3A_515 iter_args(%scan3A_547 = %scan3A_511) -> (i32)  : i32 {
          %mul3A_548 = arith.constant 16 : i32
          %mul3A_549 = arith.muli %scan3A_546, %mul3A_548 : i32
          %get3A = arith.index_cast %mul3A_549 : i32 to index
          %get3A_550 = tpu.vector_load %arg10[%get3A] {strides = array<i32>} : memref<6400xi32, #tpu.memory_space<vmem>>, vector<16xi32>,
          %add3A_551 = vector.broadcast %scan3A_546 : i32 to vector<16xi32>
          %add3A_552 = arith.addi %mul3A_3, %add3A_551 : vector<16xi32>
          %gather3A = tpu.vector_load_idx %arg8[%get3A_550] : memref<50000xf32, #tpu.memory_space<vmem>>[vector<16xi32>], vector<16xf32>,
          tpu.vector_store_idx %arg12[%add3A_552], %gather3A : memref<6400xf32, #tpu.memory_space<vmem>>[vector<16xi32>], vector<16xf32>,
          %scan3A_553 = arith.constant 0 : i32
          %scan3A_554 = arith.constant 1 : i32
          %scan3A_555 = arith.addi %scan3A_546, %scan3A_554 : i32
          %mul3A_556 = arith.constant 16 : i32
          %mul3A_557 = arith.muli %scan3A_555, %mul3A_556 : i32
          %get3A_558 = arith.index_cast %mul3A_557 : i32 to index
          %get3A_559 = tpu.vector_load %arg10[%get3A_558] {strides = array<i32>} : memref<6400xi32, #tpu.memory_space<vmem>>, vector<16xi32>,
          %add3A_560 = vector.broadcast %scan3A_555 : i32 to vector<16xi32>
          %add3A_561 = arith.addi %mul3A_3, %add3A_560 : vector<16xi32>
          %gather3A_562 = tpu.vector_load_idx %arg8[%get3A_559] : memref<50000xf32, #tpu.memory_space<vmem>>[vector<16xi32>], vector<16xf32>,
          tpu.vector_store_idx %arg12[%add3A_561], %gather3A_562 : memref<6400xf32, #tpu.memory_space<vmem>>[vector<16xi32>], vector<16xf32>,
          %scan3A_563 = arith.constant 0 : i32
          %scan3A_564 = arith.constant 2 : i32
          %scan3A_565 = arith.addi %scan3A_546, %scan3A_564 : i32
          %mul3A_566 = arith.constant 16 : i32
          %mul3A_567 = arith.muli %scan3A_565, %mul3A_566 : i32
          %get3A_568 = arith.index_cast %mul3A_567 : i32 to index
          %get3A_569 = tpu.vector_load %arg10[%get3A_568] {strides = array<i32>} : memref<6400xi32, #tpu.memory_space<vmem>>, vector<16xi32>,
          %add3A_570 = vector.broadcast %scan3A_565 : i32 to vector<16xi32>
          %add3A_571 = arith.addi %mul3A_3, %add3A_570 : vector<16xi32>
          %gather3A_572 = tpu.vector_load_idx %arg8[%get3A_569] : memref<50000xf32, #tpu.memory_space<vmem>>[vector<16xi32>], vector<16xf32>,
          tpu.vector_store_idx %arg12[%add3A_571], %gather3A_572 : memref<6400xf32, #tpu.memory_space<vmem>>[vector<16xi32>], vector<16xf32>,
          %scan3A_573 = arith.constant 0 : i32
          %scan3A_574 = arith.constant 3 : i32
          %scan3A_575 = arith.addi %scan3A_546, %scan3A_574 : i32
          %mul3A_576 = arith.constant 16 : i32
          %mul3A_577 = arith.muli %scan3A_575, %mul3A_576 : i32
          %get3A_578 = arith.index_cast %mul3A_577 : i32 to index
          %get3A_579 = tpu.vector_load %arg10[%get3A_578] {strides = array<i32>} : memref<6400xi32, #tpu.memory_space<vmem>>, vector<16xi32>,
          %add3A_580 = vector.broadcast %scan3A_575 : i32 to vector<16xi32>
          %add3A_581 = arith.addi %mul3A_3, %add3A_580 : vector<16xi32>
          %gather3A_582 = tpu.vector_load_idx %arg8[%get3A_579] : memref<50000xf32, #tpu.memory_space<vmem>>[vector<16xi32>], vector<16xf32>,
          tpu.vector_store_idx %arg12[%add3A_581], %gather3A_582 : memref<6400xf32, #tpu.memory_space<vmem>>[vector<16xi32>], vector<16xf32>,
          %scan3A_583 = arith.constant 0 : i32
          %scan3A_584 = arith.constant 4 : i32
          %scan3A_585 = arith.addi %scan3A_546, %scan3A_584 : i32
          %mul3A_586 = arith.constant 16 : i32
          %mul3A_587 = arith.muli %scan3A_585, %mul3A_586 : i32
          %get3A_588 = arith.index_cast %mul3A_587 : i32 to index
          %get3A_589 = tpu.vector_load %arg10[%get3A_588] {strides = array<i32>} : memref<6400xi32, #tpu.memory_space<vmem>>, vector<16xi32>,
          %add3A_590 = vector.broadcast %scan3A_585 : i32 to vector<16xi32>
          %add3A_591 = arith.addi %mul3A_3, %add3A_590 : vector<16xi32>
          %gather3A_592 = tpu.vector_load_idx %arg8[%get3A_589] : memref<50000xf32, #tpu.memory_space<vmem>>[vector<16xi32>], vector<16xf32>,
          tpu.vector_store_idx %arg12[%add3A_591], %gather3A_592 : memref<6400xf32, #tpu.memory_space<vmem>>[vector<16xi32>], vector<16xf32>,
          %scan3A_593 = arith.constant 0 : i32
          %scan3A_594 = arith.constant 5 : i32
          %scan3A_595 = arith.addi %scan3A_546, %scan3A_594 : i32
          %mul3A_596 = arith.constant 16 : i32
          %mul3A_597 = arith.muli %scan3A_595, %mul3A_596 : i32
          %get3A_598 = arith.index_cast %mul3A_597 : i32 to index
          %get3A_599 = tpu.vector_load %arg10[%get3A_598] {strides = array<i32>} : memref<6400xi32, #tpu.memory_space<vmem>>, vector<16xi32>,
          %add3A_600 = vector.broadcast %scan3A_595 : i32 to vector<16xi32>
          %add3A_601 = arith.addi %mul3A_3, %add3A_600 : vector<16xi32>
          %gather3A_602 = tpu.vector_load_idx %arg8[%get3A_599] : memref<50000xf32, #tpu.memory_space<vmem>>[vector<16xi32>], vector<16xf32>,
          tpu.vector_store_idx %arg12[%add3A_601], %gather3A_602 : memref<6400xf32, #tpu.memory_space<vmem>>[vector<16xi32>], vector<16xf32>,
          %scan3A_603 = arith.constant 0 : i32
          %scan3A_604 = arith.constant 6 : i32
          %scan3A_605 = arith.addi %scan3A_546, %scan3A_604 : i32
          %mul3A_606 = arith.constant 16 : i32
          %mul3A_607 = arith.muli %scan3A_605, %mul3A_606 : i32
          %get3A_608 = arith.index_cast %mul3A_607 : i32 to index
          %get3A_609 = tpu.vector_load %arg10[%get3A_608] {strides = array<i32>} : memref<6400xi32, #tpu.memory_space<vmem>>, vector<16xi32>,
          %add3A_610 = vector.broadcast %scan3A_605 : i32 to vector<16xi32>
          %add3A_611 = arith.addi %mul3A_3, %add3A_610 : vector<16xi32>
          %gather3A_612 = tpu.vector_load_idx %arg8[%get3A_609] : memref<50000xf32, #tpu.memory_space<vmem>>[vector<16xi32>], vector<16xf32>,
          tpu.vector_store_idx %arg12[%add3A_611], %gather3A_612 : memref<6400xf32, #tpu.memory_space<vmem>>[vector<16xi32>], vector<16xf32>,
          %scan3A_613 = arith.constant 0 : i32
          %scan3A_614 = arith.constant 7 : i32
          %scan3A_615 = arith.addi %scan3A_546, %scan3A_614 : i32
          %mul3A_616 = arith.constant 16 : i32
          %mul3A_617 = arith.muli %scan3A_615, %mul3A_616 : i32
          %get3A_618 = arith.index_cast %mul3A_617 : i32 to index
          %get3A_619 = tpu.vector_load %arg10[%get3A_618] {strides = array<i32>} : memref<6400xi32, #tpu.memory_space<vmem>>, vector<16xi32>,
          %add3A_620 = vector.broadcast %scan3A_615 : i32 to vector<16xi32>
          %add3A_621 = arith.addi %mul3A_3, %add3A_620 : vector<16xi32>
          %gather3A_622 = tpu.vector_load_idx %arg8[%get3A_619] : memref<50000xf32, #tpu.memory_space<vmem>>[vector<16xi32>], vector<16xf32>,
          tpu.vector_store_idx %arg12[%add3A_621], %gather3A_622 : memref<6400xf32, #tpu.memory_space<vmem>>[vector<16xi32>], vector<16xf32>,
          %scan3A_623 = arith.constant 0 : i32
          scf.yield %scan3A_623 : i32
        }
        %scan3A_517 = arith.constant 400 : i32
        %mul3A_518 = arith.constant 6400 : i32
        %mul3A_519 = arith.muli %add3A_488, %mul3A_518 : i32
        %add3A_520 = arith.addi %add3A_294, %mul3A_519 : i32
        %dma_start3A_521 = tpu.memref_slice %arg5[%add3A_520] : memref<9600000xf32, #tpu.memory_space<hbm>> -> memref<6400xf32, #tpu.memory_space<hbm>>
        %dma_start3A_522 = tpu.memref_slice %arg5[%add3A_520] : memref<9600000xf32, #tpu.memory_space<hbm>> -> memref<6400xf32, #tpu.memory_space<hbm>>
        tpu.enqueue_dma source(%arg12 : memref<6400xf32, #tpu.memory_space<vmem>>) target(%dma_start3A_522 : memref<6400xf32, #tpu.memory_space<hbm>>) target_semaphore(%arg17 : memref<!tpu.dma_semaphore, #tpu.memory_space<semaphore_mem>>)
        %ge3A_523 = arith.constant 1 : i32
        %ge3A_524 = arith.cmpi sge, %add3A_488, %ge3A_523 : i32
        %convert_element_type3A_525 = arith.extui %ge3A_524 : i1 to i32
        %cond3A_526 = arith.constant 0 : i32
        %cond3A_527 = arith.cmpi ne, %convert_element_type3A_525, %cond3A_526 : i32
        scf.if %cond3A_527 {
          %dma_wait3A_546 = arith.constant 0 : i32
          %dma_wait3A_547 = tpu.memref_slice %arg5[%dma_wait3A_546] : memref<9600000xf32, #tpu.memory_space<hbm>> -> memref<6400xf32, #tpu.memory_space<hbm>>
          %dma_wait3A_548 = arith.constant 0 : i32
          %dma_wait3A_549 = tpu.memref_slice %arg5[%dma_wait3A_548] : memref<9600000xf32, #tpu.memory_space<hbm>> -> memref<6400xf32, #tpu.memory_space<hbm>>
          tpu.wait_dma2 semaphore(%arg18 : memref<!tpu.dma_semaphore, #tpu.memory_space<semaphore_mem>>) src(%dma_wait3A_549 : memref<6400xf32, #tpu.memory_space<hbm>>) dst(%arg13 : memref<6400xf32, #tpu.memory_space<vmem>>)
        } else {
        }
        %scan3A_528 = arith.constant 0 : i32
        %scan3A_529 = arith.constant 0 : i32
        %scan3A_530 = arith.constant 400 : i32
        %scan3A_531 = arith.addi %scan3A_529, %scan3A_530 : i32
        %scan3A_532 = arith.constant 8 : i32
        %scan3A_533 = scf.for %scan3A_546 = %scan3A_529 to %scan3A_531 step %scan3A_532 iter_args(%scan3A_547 = %scan3A_528) -> (i32)  : i32 {
          %mul3A_548 = arith.constant 16 : i32
          %mul3A_549 = arith.muli %scan3A_546, %mul3A_548 : i32
          %get3A = arith.index_cast %mul3A_549 : i32 to index
          %get3A_550 = tpu.vector_load %arg10[%get3A] {strides = array<i32>} : memref<6400xi32, #tpu.memory_space<vmem>>, vector<16xi32>,
          %add3A_551 = vector.broadcast %scan3A_546 : i32 to vector<16xi32>
          %add3A_552 = arith.addi %mul3A_3, %add3A_551 : vector<16xi32>
          %gather3A = tpu.vector_load_idx %arg9[%get3A_550] : memref<50000xf32, #tpu.memory_space<vmem>>[vector<16xi32>], vector<16xf32>,
          tpu.vector_store_idx %arg13[%add3A_552], %gather3A : memref<6400xf32, #tpu.memory_space<vmem>>[vector<16xi32>], vector<16xf32>,
          %scan3A_553 = arith.constant 0 : i32
          %scan3A_554 = arith.constant 1 : i32
          %scan3A_555 = arith.addi %scan3A_546, %scan3A_554 : i32
          %mul3A_556 = arith.constant 16 : i32
          %mul3A_557 = arith.muli %scan3A_555, %mul3A_556 : i32
          %get3A_558 = arith.index_cast %mul3A_557 : i32 to index
          %get3A_559 = tpu.vector_load %arg10[%get3A_558] {strides = array<i32>} : memref<6400xi32, #tpu.memory_space<vmem>>, vector<16xi32>,
          %add3A_560 = vector.broadcast %scan3A_555 : i32 to vector<16xi32>
          %add3A_561 = arith.addi %mul3A_3, %add3A_560 : vector<16xi32>
          %gather3A_562 = tpu.vector_load_idx %arg9[%get3A_559] : memref<50000xf32, #tpu.memory_space<vmem>>[vector<16xi32>], vector<16xf32>,
          tpu.vector_store_idx %arg13[%add3A_561], %gather3A_562 : memref<6400xf32, #tpu.memory_space<vmem>>[vector<16xi32>], vector<16xf32>,
          %scan3A_563 = arith.constant 0 : i32
          %scan3A_564 = arith.constant 2 : i32
          %scan3A_565 = arith.addi %scan3A_546, %scan3A_564 : i32
          %mul3A_566 = arith.constant 16 : i32
          %mul3A_567 = arith.muli %scan3A_565, %mul3A_566 : i32
          %get3A_568 = arith.index_cast %mul3A_567 : i32 to index
          %get3A_569 = tpu.vector_load %arg10[%get3A_568] {strides = array<i32>} : memref<6400xi32, #tpu.memory_space<vmem>>, vector<16xi32>,
          %add3A_570 = vector.broadcast %scan3A_565 : i32 to vector<16xi32>
          %add3A_571 = arith.addi %mul3A_3, %add3A_570 : vector<16xi32>
          %gather3A_572 = tpu.vector_load_idx %arg9[%get3A_569] : memref<50000xf32, #tpu.memory_space<vmem>>[vector<16xi32>], vector<16xf32>,
          tpu.vector_store_idx %arg13[%add3A_571], %gather3A_572 : memref<6400xf32, #tpu.memory_space<vmem>>[vector<16xi32>], vector<16xf32>,
          %scan3A_573 = arith.constant 0 : i32
          %scan3A_574 = arith.constant 3 : i32
          %scan3A_575 = arith.addi %scan3A_546, %scan3A_574 : i32
          %mul3A_576 = arith.constant 16 : i32
          %mul3A_577 = arith.muli %scan3A_575, %mul3A_576 : i32
          %get3A_578 = arith.index_cast %mul3A_577 : i32 to index
          %get3A_579 = tpu.vector_load %arg10[%get3A_578] {strides = array<i32>} : memref<6400xi32, #tpu.memory_space<vmem>>, vector<16xi32>,
          %add3A_580 = vector.broadcast %scan3A_575 : i32 to vector<16xi32>
          %add3A_581 = arith.addi %mul3A_3, %add3A_580 : vector<16xi32>
          %gather3A_582 = tpu.vector_load_idx %arg9[%get3A_579] : memref<50000xf32, #tpu.memory_space<vmem>>[vector<16xi32>], vector<16xf32>,
          tpu.vector_store_idx %arg13[%add3A_581], %gather3A_582 : memref<6400xf32, #tpu.memory_space<vmem>>[vector<16xi32>], vector<16xf32>,
          %scan3A_583 = arith.constant 0 : i32
          %scan3A_584 = arith.constant 4 : i32
          %scan3A_585 = arith.addi %scan3A_546, %scan3A_584 : i32
          %mul3A_586 = arith.constant 16 : i32
          %mul3A_587 = arith.muli %scan3A_585, %mul3A_586 : i32
          %get3A_588 = arith.index_cast %mul3A_587 : i32 to index
          %get3A_589 = tpu.vector_load %arg10[%get3A_588] {strides = array<i32>} : memref<6400xi32, #tpu.memory_space<vmem>>, vector<16xi32>,
          %add3A_590 = vector.broadcast %scan3A_585 : i32 to vector<16xi32>
          %add3A_591 = arith.addi %mul3A_3, %add3A_590 : vector<16xi32>
          %gather3A_592 = tpu.vector_load_idx %arg9[%get3A_589] : memref<50000xf32, #tpu.memory_space<vmem>>[vector<16xi32>], vector<16xf32>,
          tpu.vector_store_idx %arg13[%add3A_591], %gather3A_592 : memref<6400xf32, #tpu.memory_space<vmem>>[vector<16xi32>], vector<16xf32>,
          %scan3A_593 = arith.constant 0 : i32
          %scan3A_594 = arith.constant 5 : i32
          %scan3A_595 = arith.addi %scan3A_546, %scan3A_594 : i32
          %mul3A_596 = arith.constant 16 : i32
          %mul3A_597 = arith.muli %scan3A_595, %mul3A_596 : i32
          %get3A_598 = arith.index_cast %mul3A_597 : i32 to index
          %get3A_599 = tpu.vector_load %arg10[%get3A_598] {strides = array<i32>} : memref<6400xi32, #tpu.memory_space<vmem>>, vector<16xi32>,
          %add3A_600 = vector.broadcast %scan3A_595 : i32 to vector<16xi32>
          %add3A_601 = arith.addi %mul3A_3, %add3A_600 : vector<16xi32>
          %gather3A_602 = tpu.vector_load_idx %arg9[%get3A_599] : memref<50000xf32, #tpu.memory_space<vmem>>[vector<16xi32>], vector<16xf32>,
          tpu.vector_store_idx %arg13[%add3A_601], %gather3A_602 : memref<6400xf32, #tpu.memory_space<vmem>>[vector<16xi32>], vector<16xf32>,
          %scan3A_603 = arith.constant 0 : i32
          %scan3A_604 = arith.constant 6 : i32
          %scan3A_605 = arith.addi %scan3A_546, %scan3A_604 : i32
          %mul3A_606 = arith.constant 16 : i32
          %mul3A_607 = arith.muli %scan3A_605, %mul3A_606 : i32
          %get3A_608 = arith.index_cast %mul3A_607 : i32 to index
          %get3A_609 = tpu.vector_load %arg10[%get3A_608] {strides = array<i32>} : memref<6400xi32, #tpu.memory_space<vmem>>, vector<16xi32>,
          %add3A_610 = vector.broadcast %scan3A_605 : i32 to vector<16xi32>
          %add3A_611 = arith.addi %mul3A_3, %add3A_610 : vector<16xi32>
          %gather3A_612 = tpu.vector_load_idx %arg9[%get3A_609] : memref<50000xf32, #tpu.memory_space<vmem>>[vector<16xi32>], vector<16xf32>,
          tpu.vector_store_idx %arg13[%add3A_611], %gather3A_612 : memref<6400xf32, #tpu.memory_space<vmem>>[vector<16xi32>], vector<16xf32>,
          %scan3A_613 = arith.constant 0 : i32
          %scan3A_614 = arith.constant 7 : i32
          %scan3A_615 = arith.addi %scan3A_546, %scan3A_614 : i32
          %mul3A_616 = arith.constant 16 : i32
          %mul3A_617 = arith.muli %scan3A_615, %mul3A_616 : i32
          %get3A_618 = arith.index_cast %mul3A_617 : i32 to index
          %get3A_619 = tpu.vector_load %arg10[%get3A_618] {strides = array<i32>} : memref<6400xi32, #tpu.memory_space<vmem>>, vector<16xi32>,
          %add3A_620 = vector.broadcast %scan3A_615 : i32 to vector<16xi32>
          %add3A_621 = arith.addi %mul3A_3, %add3A_620 : vector<16xi32>
          %gather3A_622 = tpu.vector_load_idx %arg9[%get3A_619] : memref<50000xf32, #tpu.memory_space<vmem>>[vector<16xi32>], vector<16xf32>,
          tpu.vector_store_idx %arg13[%add3A_621], %gather3A_622 : memref<6400xf32, #tpu.memory_space<vmem>>[vector<16xi32>], vector<16xf32>,
          %scan3A_623 = arith.constant 0 : i32
          scf.yield %scan3A_623 : i32
        }
        %scan3A_534 = arith.constant 400 : i32
        %mul3A_535 = arith.constant 6400 : i32
        %mul3A_536 = arith.muli %add3A_488, %mul3A_535 : i32
        %add3A_537 = arith.addi %add3A_294, %mul3A_536 : i32
        %dma_start3A_538 = tpu.memref_slice %arg6[%add3A_537] : memref<9600000xf32, #tpu.memory_space<hbm>> -> memref<6400xf32, #tpu.memory_space<hbm>>
        %dma_start3A_539 = tpu.memref_slice %arg6[%add3A_537] : memref<9600000xf32, #tpu.memory_space<hbm>> -> memref<6400xf32, #tpu.memory_space<hbm>>
        tpu.enqueue_dma source(%arg13 : memref<6400xf32, #tpu.memory_space<vmem>>) target(%dma_start3A_539 : memref<6400xf32, #tpu.memory_space<hbm>>) target_semaphore(%arg18 : memref<!tpu.dma_semaphore, #tpu.memory_space<semaphore_mem>>)
        %add3A_540 = arith.constant 2 : i32
        %add3A_541 = arith.addi %add3A_488, %add3A_540 : i32
        %lt3A_542 = arith.cmpi slt, %add3A_541, %min3A_260 : i32
        %convert_element_type3A_543 = arith.extui %lt3A_542 : i1 to i32
        %cond3A_544 = arith.constant 0 : i32
        %cond3A_545 = arith.cmpi ne, %convert_element_type3A_543, %cond3A_544 : i32
        scf.if %cond3A_545 {
          %add3A_546 = arith.constant 2 : i32
          %add3A_547 = arith.addi %add3A_488, %add3A_546 : i32
          %mul3A_548 = arith.constant 6400 : i32
          %mul3A_549 = arith.muli %add3A_547, %mul3A_548 : i32
          %add3A_550 = arith.addi %add3A_289, %mul3A_549 : i32
          %dma_start3A_551 = tpu.memref_slice %arg3[%add3A_550] : memref<3200000xi32, #tpu.memory_space<hbm>> -> memref<6400xi32, #tpu.memory_space<hbm>>
          %dma_start3A_552 = tpu.memref_slice %arg3[%add3A_550] : memref<3200000xi32, #tpu.memory_space<hbm>> -> memref<6400xi32, #tpu.memory_space<hbm>>
          tpu.enqueue_dma source(%dma_start3A_552 : memref<6400xi32, #tpu.memory_space<hbm>>) target(%arg10 : memref<6400xi32, #tpu.memory_space<vmem>>) target_semaphore(%arg15 : memref<!tpu.dma_semaphore, #tpu.memory_space<semaphore_mem>>)
        } else {
        }
      } else {
      }
      %mul3A_493 = arith.constant 2 : i32
      %mul3A_494 = arith.muli %scan3A_483, %mul3A_493 : i32
      %add3A_495 = arith.constant 1 : i32
      %add3A_496 = arith.addi %mul3A_494, %add3A_495 : i32
      %lt3A_497 = arith.cmpi slt, %add3A_496, %min3A_260 : i32
      %convert_element_type3A_498 = arith.extui %lt3A_497 : i1 to i32
      %cond3A_499 = arith.constant 0 : i32
      %cond3A_500 = arith.cmpi ne, %convert_element_type3A_498, %cond3A_499 : i32
      scf.if %cond3A_500 {
        %mul3A_502 = arith.constant 6400 : i32
        %mul3A_503 = arith.muli %add3A_496, %mul3A_502 : i32
        %add3A_504 = arith.addi %add3A_289, %mul3A_503 : i32
        %dma_wait3A_505 = tpu.memref_slice %arg3[%add3A_504] : memref<3200000xi32, #tpu.memory_space<hbm>> -> memref<6400xi32, #tpu.memory_space<hbm>>
        %dma_wait3A_506 = tpu.memref_slice %arg3[%add3A_504] : memref<3200000xi32, #tpu.memory_space<hbm>> -> memref<6400xi32, #tpu.memory_space<hbm>>
        tpu.wait_dma2 semaphore(%arg16 : memref<!tpu.dma_semaphore, #tpu.memory_space<semaphore_mem>>) src(%dma_wait3A_506 : memref<6400xi32, #tpu.memory_space<hbm>>) dst(%arg11 : memref<6400xi32, #tpu.memory_space<vmem>>)
        %ge3A = arith.constant 1 : i32
        %ge3A_507 = arith.cmpi sge, %add3A_496, %ge3A : i32
        %convert_element_type3A_508 = arith.extui %ge3A_507 : i1 to i32
        %cond3A_509 = arith.constant 0 : i32
        %cond3A_510 = arith.cmpi ne, %convert_element_type3A_508, %cond3A_509 : i32
        scf.if %cond3A_510 {
          %dma_wait3A_546 = arith.constant 0 : i32
          %dma_wait3A_547 = tpu.memref_slice %arg5[%dma_wait3A_546] : memref<9600000xf32, #tpu.memory_space<hbm>> -> memref<6400xf32, #tpu.memory_space<hbm>>
          %dma_wait3A_548 = arith.constant 0 : i32
          %dma_wait3A_549 = tpu.memref_slice %arg5[%dma_wait3A_548] : memref<9600000xf32, #tpu.memory_space<hbm>> -> memref<6400xf32, #tpu.memory_space<hbm>>
          tpu.wait_dma2 semaphore(%arg17 : memref<!tpu.dma_semaphore, #tpu.memory_space<semaphore_mem>>) src(%dma_wait3A_549 : memref<6400xf32, #tpu.memory_space<hbm>>) dst(%arg12 : memref<6400xf32, #tpu.memory_space<vmem>>)
        } else {
        }
        %scan3A_511 = arith.constant 0 : i32
        %scan3A_512 = arith.constant 0 : i32
        %scan3A_513 = arith.constant 400 : i32
        %scan3A_514 = arith.addi %scan3A_512, %scan3A_513 : i32
        %scan3A_515 = arith.constant 8 : i32
        %scan3A_516 = scf.for %scan3A_546 = %scan3A_512 to %scan3A_514 step %scan3A_515 iter_args(%scan3A_547 = %scan3A_511) -> (i32)  : i32 {
          %mul3A_548 = arith.constant 16 : i32
          %mul3A_549 = arith.muli %scan3A_546, %mul3A_548 : i32
          %get3A = arith.index_cast %mul3A_549 : i32 to index
          %get3A_550 = tpu.vector_load %arg11[%get3A] {strides = array<i32>} : memref<6400xi32, #tpu.memory_space<vmem>>, vector<16xi32>,
          %add3A_551 = vector.broadcast %scan3A_546 : i32 to vector<16xi32>
          %add3A_552 = arith.addi %mul3A_3, %add3A_551 : vector<16xi32>
          %gather3A = tpu.vector_load_idx %arg8[%get3A_550] : memref<50000xf32, #tpu.memory_space<vmem>>[vector<16xi32>], vector<16xf32>,
          tpu.vector_store_idx %arg12[%add3A_552], %gather3A : memref<6400xf32, #tpu.memory_space<vmem>>[vector<16xi32>], vector<16xf32>,
          %scan3A_553 = arith.constant 0 : i32
          %scan3A_554 = arith.constant 1 : i32
          %scan3A_555 = arith.addi %scan3A_546, %scan3A_554 : i32
          %mul3A_556 = arith.constant 16 : i32
          %mul3A_557 = arith.muli %scan3A_555, %mul3A_556 : i32
          %get3A_558 = arith.index_cast %mul3A_557 : i32 to index
          %get3A_559 = tpu.vector_load %arg11[%get3A_558] {strides = array<i32>} : memref<6400xi32, #tpu.memory_space<vmem>>, vector<16xi32>,
          %add3A_560 = vector.broadcast %scan3A_555 : i32 to vector<16xi32>
          %add3A_561 = arith.addi %mul3A_3, %add3A_560 : vector<16xi32>
          %gather3A_562 = tpu.vector_load_idx %arg8[%get3A_559] : memref<50000xf32, #tpu.memory_space<vmem>>[vector<16xi32>], vector<16xf32>,
          tpu.vector_store_idx %arg12[%add3A_561], %gather3A_562 : memref<6400xf32, #tpu.memory_space<vmem>>[vector<16xi32>], vector<16xf32>,
          %scan3A_563 = arith.constant 0 : i32
          %scan3A_564 = arith.constant 2 : i32
          %scan3A_565 = arith.addi %scan3A_546, %scan3A_564 : i32
          %mul3A_566 = arith.constant 16 : i32
          %mul3A_567 = arith.muli %scan3A_565, %mul3A_566 : i32
          %get3A_568 = arith.index_cast %mul3A_567 : i32 to index
          %get3A_569 = tpu.vector_load %arg11[%get3A_568] {strides = array<i32>} : memref<6400xi32, #tpu.memory_space<vmem>>, vector<16xi32>,
          %add3A_570 = vector.broadcast %scan3A_565 : i32 to vector<16xi32>
          %add3A_571 = arith.addi %mul3A_3, %add3A_570 : vector<16xi32>
          %gather3A_572 = tpu.vector_load_idx %arg8[%get3A_569] : memref<50000xf32, #tpu.memory_space<vmem>>[vector<16xi32>], vector<16xf32>,
          tpu.vector_store_idx %arg12[%add3A_571], %gather3A_572 : memref<6400xf32, #tpu.memory_space<vmem>>[vector<16xi32>], vector<16xf32>,
          %scan3A_573 = arith.constant 0 : i32
          %scan3A_574 = arith.constant 3 : i32
          %scan3A_575 = arith.addi %scan3A_546, %scan3A_574 : i32
          %mul3A_576 = arith.constant 16 : i32
          %mul3A_577 = arith.muli %scan3A_575, %mul3A_576 : i32
          %get3A_578 = arith.index_cast %mul3A_577 : i32 to index
          %get3A_579 = tpu.vector_load %arg11[%get3A_578] {strides = array<i32>} : memref<6400xi32, #tpu.memory_space<vmem>>, vector<16xi32>,
          %add3A_580 = vector.broadcast %scan3A_575 : i32 to vector<16xi32>
          %add3A_581 = arith.addi %mul3A_3, %add3A_580 : vector<16xi32>
          %gather3A_582 = tpu.vector_load_idx %arg8[%get3A_579] : memref<50000xf32, #tpu.memory_space<vmem>>[vector<16xi32>], vector<16xf32>,
          tpu.vector_store_idx %arg12[%add3A_581], %gather3A_582 : memref<6400xf32, #tpu.memory_space<vmem>>[vector<16xi32>], vector<16xf32>,
          %scan3A_583 = arith.constant 0 : i32
          %scan3A_584 = arith.constant 4 : i32
          %scan3A_585 = arith.addi %scan3A_546, %scan3A_584 : i32
          %mul3A_586 = arith.constant 16 : i32
          %mul3A_587 = arith.muli %scan3A_585, %mul3A_586 : i32
          %get3A_588 = arith.index_cast %mul3A_587 : i32 to index
          %get3A_589 = tpu.vector_load %arg11[%get3A_588] {strides = array<i32>} : memref<6400xi32, #tpu.memory_space<vmem>>, vector<16xi32>,
          %add3A_590 = vector.broadcast %scan3A_585 : i32 to vector<16xi32>
          %add3A_591 = arith.addi %mul3A_3, %add3A_590 : vector<16xi32>
          %gather3A_592 = tpu.vector_load_idx %arg8[%get3A_589] : memref<50000xf32, #tpu.memory_space<vmem>>[vector<16xi32>], vector<16xf32>,
          tpu.vector_store_idx %arg12[%add3A_591], %gather3A_592 : memref<6400xf32, #tpu.memory_space<vmem>>[vector<16xi32>], vector<16xf32>,
          %scan3A_593 = arith.constant 0 : i32
          %scan3A_594 = arith.constant 5 : i32
          %scan3A_595 = arith.addi %scan3A_546, %scan3A_594 : i32
          %mul3A_596 = arith.constant 16 : i32
          %mul3A_597 = arith.muli %scan3A_595, %mul3A_596 : i32
          %get3A_598 = arith.index_cast %mul3A_597 : i32 to index
          %get3A_599 = tpu.vector_load %arg11[%get3A_598] {strides = array<i32>} : memref<6400xi32, #tpu.memory_space<vmem>>, vector<16xi32>,
          %add3A_600 = vector.broadcast %scan3A_595 : i32 to vector<16xi32>
          %add3A_601 = arith.addi %mul3A_3, %add3A_600 : vector<16xi32>
          %gather3A_602 = tpu.vector_load_idx %arg8[%get3A_599] : memref<50000xf32, #tpu.memory_space<vmem>>[vector<16xi32>], vector<16xf32>,
          tpu.vector_store_idx %arg12[%add3A_601], %gather3A_602 : memref<6400xf32, #tpu.memory_space<vmem>>[vector<16xi32>], vector<16xf32>,
          %scan3A_603 = arith.constant 0 : i32
          %scan3A_604 = arith.constant 6 : i32
          %scan3A_605 = arith.addi %scan3A_546, %scan3A_604 : i32
          %mul3A_606 = arith.constant 16 : i32
          %mul3A_607 = arith.muli %scan3A_605, %mul3A_606 : i32
          %get3A_608 = arith.index_cast %mul3A_607 : i32 to index
          %get3A_609 = tpu.vector_load %arg11[%get3A_608] {strides = array<i32>} : memref<6400xi32, #tpu.memory_space<vmem>>, vector<16xi32>,
          %add3A_610 = vector.broadcast %scan3A_605 : i32 to vector<16xi32>
          %add3A_611 = arith.addi %mul3A_3, %add3A_610 : vector<16xi32>
          %gather3A_612 = tpu.vector_load_idx %arg8[%get3A_609] : memref<50000xf32, #tpu.memory_space<vmem>>[vector<16xi32>], vector<16xf32>,
          tpu.vector_store_idx %arg12[%add3A_611], %gather3A_612 : memref<6400xf32, #tpu.memory_space<vmem>>[vector<16xi32>], vector<16xf32>,
          %scan3A_613 = arith.constant 0 : i32
          %scan3A_614 = arith.constant 7 : i32
          %scan3A_615 = arith.addi %scan3A_546, %scan3A_614 : i32
          %mul3A_616 = arith.constant 16 : i32
          %mul3A_617 = arith.muli %scan3A_615, %mul3A_616 : i32
          %get3A_618 = arith.index_cast %mul3A_617 : i32 to index
          %get3A_619 = tpu.vector_load %arg11[%get3A_618] {strides = array<i32>} : memref<6400xi32, #tpu.memory_space<vmem>>, vector<16xi32>,
          %add3A_620 = vector.broadcast %scan3A_615 : i32 to vector<16xi32>
          %add3A_621 = arith.addi %mul3A_3, %add3A_620 : vector<16xi32>
          %gather3A_622 = tpu.vector_load_idx %arg8[%get3A_619] : memref<50000xf32, #tpu.memory_space<vmem>>[vector<16xi32>], vector<16xf32>,
          tpu.vector_store_idx %arg12[%add3A_621], %gather3A_622 : memref<6400xf32, #tpu.memory_space<vmem>>[vector<16xi32>], vector<16xf32>,
          %scan3A_623 = arith.constant 0 : i32
          scf.yield %scan3A_623 : i32
        }
        %scan3A_517 = arith.constant 400 : i32
        %mul3A_518 = arith.constant 6400 : i32
        %mul3A_519 = arith.muli %add3A_496, %mul3A_518 : i32
        %add3A_520 = arith.addi %add3A_294, %mul3A_519 : i32
        %dma_start3A_521 = tpu.memref_slice %arg5[%add3A_520] : memref<9600000xf32, #tpu.memory_space<hbm>> -> memref<6400xf32, #tpu.memory_space<hbm>>
        %dma_start3A_522 = tpu.memref_slice %arg5[%add3A_520] : memref<9600000xf32, #tpu.memory_space<hbm>> -> memref<6400xf32, #tpu.memory_space<hbm>>
        tpu.enqueue_dma source(%arg12 : memref<6400xf32, #tpu.memory_space<vmem>>) target(%dma_start3A_522 : memref<6400xf32, #tpu.memory_space<hbm>>) target_semaphore(%arg17 : memref<!tpu.dma_semaphore, #tpu.memory_space<semaphore_mem>>)
        %ge3A_523 = arith.constant 1 : i32
        %ge3A_524 = arith.cmpi sge, %add3A_496, %ge3A_523 : i32
        %convert_element_type3A_525 = arith.extui %ge3A_524 : i1 to i32
        %cond3A_526 = arith.constant 0 : i32
        %cond3A_527 = arith.cmpi ne, %convert_element_type3A_525, %cond3A_526 : i32
        scf.if %cond3A_527 {
          %dma_wait3A_546 = arith.constant 0 : i32
          %dma_wait3A_547 = tpu.memref_slice %arg5[%dma_wait3A_546] : memref<9600000xf32, #tpu.memory_space<hbm>> -> memref<6400xf32, #tpu.memory_space<hbm>>
          %dma_wait3A_548 = arith.constant 0 : i32
          %dma_wait3A_549 = tpu.memref_slice %arg5[%dma_wait3A_548] : memref<9600000xf32, #tpu.memory_space<hbm>> -> memref<6400xf32, #tpu.memory_space<hbm>>
          tpu.wait_dma2 semaphore(%arg18 : memref<!tpu.dma_semaphore, #tpu.memory_space<semaphore_mem>>) src(%dma_wait3A_549 : memref<6400xf32, #tpu.memory_space<hbm>>) dst(%arg13 : memref<6400xf32, #tpu.memory_space<vmem>>)
        } else {
        }
        %scan3A_528 = arith.constant 0 : i32
        %scan3A_529 = arith.constant 0 : i32
        %scan3A_530 = arith.constant 400 : i32
        %scan3A_531 = arith.addi %scan3A_529, %scan3A_530 : i32
        %scan3A_532 = arith.constant 8 : i32
        %scan3A_533 = scf.for %scan3A_546 = %scan3A_529 to %scan3A_531 step %scan3A_532 iter_args(%scan3A_547 = %scan3A_528) -> (i32)  : i32 {
          %mul3A_548 = arith.constant 16 : i32
          %mul3A_549 = arith.muli %scan3A_546, %mul3A_548 : i32
          %get3A = arith.index_cast %mul3A_549 : i32 to index
          %get3A_550 = tpu.vector_load %arg11[%get3A] {strides = array<i32>} : memref<6400xi32, #tpu.memory_space<vmem>>, vector<16xi32>,
          %add3A_551 = vector.broadcast %scan3A_546 : i32 to vector<16xi32>
          %add3A_552 = arith.addi %mul3A_3, %add3A_551 : vector<16xi32>
          %gather3A = tpu.vector_load_idx %arg9[%get3A_550] : memref<50000xf32, #tpu.memory_space<vmem>>[vector<16xi32>], vector<16xf32>,
          tpu.vector_store_idx %arg13[%add3A_552], %gather3A : memref<6400xf32, #tpu.memory_space<vmem>>[vector<16xi32>], vector<16xf32>,
          %scan3A_553 = arith.constant 0 : i32
          %scan3A_554 = arith.constant 1 : i32
          %scan3A_555 = arith.addi %scan3A_546, %scan3A_554 : i32
          %mul3A_556 = arith.constant 16 : i32
          %mul3A_557 = arith.muli %scan3A_555, %mul3A_556 : i32
          %get3A_558 = arith.index_cast %mul3A_557 : i32 to index
          %get3A_559 = tpu.vector_load %arg11[%get3A_558] {strides = array<i32>} : memref<6400xi32, #tpu.memory_space<vmem>>, vector<16xi32>,
          %add3A_560 = vector.broadcast %scan3A_555 : i32 to vector<16xi32>
          %add3A_561 = arith.addi %mul3A_3, %add3A_560 : vector<16xi32>
          %gather3A_562 = tpu.vector_load_idx %arg9[%get3A_559] : memref<50000xf32, #tpu.memory_space<vmem>>[vector<16xi32>], vector<16xf32>,
          tpu.vector_store_idx %arg13[%add3A_561], %gather3A_562 : memref<6400xf32, #tpu.memory_space<vmem>>[vector<16xi32>], vector<16xf32>,
          %scan3A_563 = arith.constant 0 : i32
          %scan3A_564 = arith.constant 2 : i32
          %scan3A_565 = arith.addi %scan3A_546, %scan3A_564 : i32
          %mul3A_566 = arith.constant 16 : i32
          %mul3A_567 = arith.muli %scan3A_565, %mul3A_566 : i32
          %get3A_568 = arith.index_cast %mul3A_567 : i32 to index
          %get3A_569 = tpu.vector_load %arg11[%get3A_568] {strides = array<i32>} : memref<6400xi32, #tpu.memory_space<vmem>>, vector<16xi32>,
          %add3A_570 = vector.broadcast %scan3A_565 : i32 to vector<16xi32>
          %add3A_571 = arith.addi %mul3A_3, %add3A_570 : vector<16xi32>
          %gather3A_572 = tpu.vector_load_idx %arg9[%get3A_569] : memref<50000xf32, #tpu.memory_space<vmem>>[vector<16xi32>], vector<16xf32>,
          tpu.vector_store_idx %arg13[%add3A_571], %gather3A_572 : memref<6400xf32, #tpu.memory_space<vmem>>[vector<16xi32>], vector<16xf32>,
          %scan3A_573 = arith.constant 0 : i32
          %scan3A_574 = arith.constant 3 : i32
          %scan3A_575 = arith.addi %scan3A_546, %scan3A_574 : i32
          %mul3A_576 = arith.constant 16 : i32
          %mul3A_577 = arith.muli %scan3A_575, %mul3A_576 : i32
          %get3A_578 = arith.index_cast %mul3A_577 : i32 to index
          %get3A_579 = tpu.vector_load %arg11[%get3A_578] {strides = array<i32>} : memref<6400xi32, #tpu.memory_space<vmem>>, vector<16xi32>,
          %add3A_580 = vector.broadcast %scan3A_575 : i32 to vector<16xi32>
          %add3A_581 = arith.addi %mul3A_3, %add3A_580 : vector<16xi32>
          %gather3A_582 = tpu.vector_load_idx %arg9[%get3A_579] : memref<50000xf32, #tpu.memory_space<vmem>>[vector<16xi32>], vector<16xf32>,
          tpu.vector_store_idx %arg13[%add3A_581], %gather3A_582 : memref<6400xf32, #tpu.memory_space<vmem>>[vector<16xi32>], vector<16xf32>,
          %scan3A_583 = arith.constant 0 : i32
          %scan3A_584 = arith.constant 4 : i32
          %scan3A_585 = arith.addi %scan3A_546, %scan3A_584 : i32
          %mul3A_586 = arith.constant 16 : i32
          %mul3A_587 = arith.muli %scan3A_585, %mul3A_586 : i32
          %get3A_588 = arith.index_cast %mul3A_587 : i32 to index
          %get3A_589 = tpu.vector_load %arg11[%get3A_588] {strides = array<i32>} : memref<6400xi32, #tpu.memory_space<vmem>>, vector<16xi32>,
          %add3A_590 = vector.broadcast %scan3A_585 : i32 to vector<16xi32>
          %add3A_591 = arith.addi %mul3A_3, %add3A_590 : vector<16xi32>
          %gather3A_592 = tpu.vector_load_idx %arg9[%get3A_589] : memref<50000xf32, #tpu.memory_space<vmem>>[vector<16xi32>], vector<16xf32>,
          tpu.vector_store_idx %arg13[%add3A_591], %gather3A_592 : memref<6400xf32, #tpu.memory_space<vmem>>[vector<16xi32>], vector<16xf32>,
          %scan3A_593 = arith.constant 0 : i32
          %scan3A_594 = arith.constant 5 : i32
          %scan3A_595 = arith.addi %scan3A_546, %scan3A_594 : i32
          %mul3A_596 = arith.constant 16 : i32
          %mul3A_597 = arith.muli %scan3A_595, %mul3A_596 : i32
          %get3A_598 = arith.index_cast %mul3A_597 : i32 to index
          %get3A_599 = tpu.vector_load %arg11[%get3A_598] {strides = array<i32>} : memref<6400xi32, #tpu.memory_space<vmem>>, vector<16xi32>,
          %add3A_600 = vector.broadcast %scan3A_595 : i32 to vector<16xi32>
          %add3A_601 = arith.addi %mul3A_3, %add3A_600 : vector<16xi32>
          %gather3A_602 = tpu.vector_load_idx %arg9[%get3A_599] : memref<50000xf32, #tpu.memory_space<vmem>>[vector<16xi32>], vector<16xf32>,
          tpu.vector_store_idx %arg13[%add3A_601], %gather3A_602 : memref<6400xf32, #tpu.memory_space<vmem>>[vector<16xi32>], vector<16xf32>,
          %scan3A_603 = arith.constant 0 : i32
          %scan3A_604 = arith.constant 6 : i32
          %scan3A_605 = arith.addi %scan3A_546, %scan3A_604 : i32
          %mul3A_606 = arith.constant 16 : i32
          %mul3A_607 = arith.muli %scan3A_605, %mul3A_606 : i32
          %get3A_608 = arith.index_cast %mul3A_607 : i32 to index
          %get3A_609 = tpu.vector_load %arg11[%get3A_608] {strides = array<i32>} : memref<6400xi32, #tpu.memory_space<vmem>>, vector<16xi32>,
          %add3A_610 = vector.broadcast %scan3A_605 : i32 to vector<16xi32>
          %add3A_611 = arith.addi %mul3A_3, %add3A_610 : vector<16xi32>
          %gather3A_612 = tpu.vector_load_idx %arg9[%get3A_609] : memref<50000xf32, #tpu.memory_space<vmem>>[vector<16xi32>], vector<16xf32>,
          tpu.vector_store_idx %arg13[%add3A_611], %gather3A_612 : memref<6400xf32, #tpu.memory_space<vmem>>[vector<16xi32>], vector<16xf32>,
          %scan3A_613 = arith.constant 0 : i32
          %scan3A_614 = arith.constant 7 : i32
          %scan3A_615 = arith.addi %scan3A_546, %scan3A_614 : i32
          %mul3A_616 = arith.constant 16 : i32
          %mul3A_617 = arith.muli %scan3A_615, %mul3A_616 : i32
          %get3A_618 = arith.index_cast %mul3A_617 : i32 to index
          %get3A_619 = tpu.vector_load %arg11[%get3A_618] {strides = array<i32>} : memref<6400xi32, #tpu.memory_space<vmem>>, vector<16xi32>,
          %add3A_620 = vector.broadcast %scan3A_615 : i32 to vector<16xi32>
          %add3A_621 = arith.addi %mul3A_3, %add3A_620 : vector<16xi32>
          %gather3A_622 = tpu.vector_load_idx %arg9[%get3A_619] : memref<50000xf32, #tpu.memory_space<vmem>>[vector<16xi32>], vector<16xf32>,
          tpu.vector_store_idx %arg13[%add3A_621], %gather3A_622 : memref<6400xf32, #tpu.memory_space<vmem>>[vector<16xi32>], vector<16xf32>,
          %scan3A_623 = arith.constant 0 : i32
          scf.yield %scan3A_623 : i32
        }
        %scan3A_534 = arith.constant 400 : i32
        %mul3A_535 = arith.constant 6400 : i32
        %mul3A_536 = arith.muli %add3A_496, %mul3A_535 : i32
        %add3A_537 = arith.addi %add3A_294, %mul3A_536 : i32
        %dma_start3A_538 = tpu.memref_slice %arg6[%add3A_537] : memref<9600000xf32, #tpu.memory_space<hbm>> -> memref<6400xf32, #tpu.memory_space<hbm>>
        %dma_start3A_539 = tpu.memref_slice %arg6[%add3A_537] : memref<9600000xf32, #tpu.memory_space<hbm>> -> memref<6400xf32, #tpu.memory_space<hbm>>
        tpu.enqueue_dma source(%arg13 : memref<6400xf32, #tpu.memory_space<vmem>>) target(%dma_start3A_539 : memref<6400xf32, #tpu.memory_space<hbm>>) target_semaphore(%arg18 : memref<!tpu.dma_semaphore, #tpu.memory_space<semaphore_mem>>)
        %add3A_540 = arith.constant 2 : i32
        %add3A_541 = arith.addi %add3A_496, %add3A_540 : i32
        %lt3A_542 = arith.cmpi slt, %add3A_541, %min3A_260 : i32
        %convert_element_type3A_543 = arith.extui %lt3A_542 : i1 to i32
        %cond3A_544 = arith.constant 0 : i32
        %cond3A_545 = arith.cmpi ne, %convert_element_type3A_543, %cond3A_544 : i32
        scf.if %cond3A_545 {
          %add3A_546 = arith.constant 2 : i32
          %add3A_547 = arith.addi %add3A_496, %add3A_546 : i32
          %mul3A_548 = arith.constant 6400 : i32
          %mul3A_549 = arith.muli %add3A_547, %mul3A_548 : i32
          %add3A_550 = arith.addi %add3A_289, %mul3A_549 : i32
          %dma_start3A_551 = tpu.memref_slice %arg3[%add3A_550] : memref<3200000xi32, #tpu.memory_space<hbm>> -> memref<6400xi32, #tpu.memory_space<hbm>>
          %dma_start3A_552 = tpu.memref_slice %arg3[%add3A_550] : memref<3200000xi32, #tpu.memory_space<hbm>> -> memref<6400xi32, #tpu.memory_space<hbm>>
          tpu.enqueue_dma source(%dma_start3A_552 : memref<6400xi32, #tpu.memory_space<hbm>>) target(%arg11 : memref<6400xi32, #tpu.memory_space<vmem>>) target_semaphore(%arg16 : memref<!tpu.dma_semaphore, #tpu.memory_space<semaphore_mem>>)
        } else {
        }
      } else {
      }
      %scan3A_501 = arith.constant 0 : i32
      scf.yield %scan3A_501 : i32
    }
    %scan3A_337 = arith.constant 8 : i32
    %dma_wait3A_338 = arith.constant 0 : i32
    %dma_wait3A_339 = tpu.memref_slice %arg5[%dma_wait3A_338] : memref<9600000xf32, #tpu.memory_space<hbm>> -> memref<6400xf32, #tpu.memory_space<hbm>>
    %dma_wait3A_340 = arith.constant 0 : i32
    %dma_wait3A_341 = tpu.memref_slice %arg5[%dma_wait3A_340] : memref<9600000xf32, #tpu.memory_space<hbm>> -> memref<6400xf32, #tpu.memory_space<hbm>>
    tpu.wait_dma2 semaphore(%arg17 : memref<!tpu.dma_semaphore, #tpu.memory_space<semaphore_mem>>) src(%dma_wait3A_341 : memref<6400xf32, #tpu.memory_space<hbm>>) dst(%arg12 : memref<6400xf32, #tpu.memory_space<vmem>>)
    %dma_wait3A_342 = arith.constant 0 : i32
    %dma_wait3A_343 = tpu.memref_slice %arg5[%dma_wait3A_342] : memref<9600000xf32, #tpu.memory_space<hbm>> -> memref<6400xf32, #tpu.memory_space<hbm>>
    %dma_wait3A_344 = arith.constant 0 : i32
    %dma_wait3A_345 = tpu.memref_slice %arg5[%dma_wait3A_344] : memref<9600000xf32, #tpu.memory_space<hbm>> -> memref<6400xf32, #tpu.memory_space<hbm>>
    tpu.wait_dma2 semaphore(%arg18 : memref<!tpu.dma_semaphore, #tpu.memory_space<semaphore_mem>>) src(%dma_wait3A_345 : memref<6400xf32, #tpu.memory_space<hbm>>) dst(%arg13 : memref<6400xf32, #tpu.memory_space<vmem>>)
    %mul3A_346 = arith.constant 3 : i32
    %mul3A_347 = arith.muli %add3A, %mul3A_346 : i32
    %add3A_348 = arith.constant 2 : i32
    %add3A_349 = arith.addi %mul3A_347, %add3A_348 : i32
    %jit3A_350 = arith.constant 8 : i32
    %div3A_351 = arith.divsi %add3A_349, %jit3A_350 : i32
    %sign3A_352 = arith.constant 0 : i32
    %sign3A_353 = arith.cmpi sgt, %add3A_349, %sign3A_352 : i32
    %sign3A_354 = arith.extui %sign3A_353 : i1 to i32
    %sign3A_355 = arith.constant 0 : i32
    %sign3A_356 = arith.cmpi slt, %add3A_349, %sign3A_355 : i32
    %sign3A_357 = arith.extui %sign3A_356 : i1 to i32
    %sign3A_358 = arith.subi %sign3A_354, %sign3A_357 : i32
    %sign3A_359 = arith.constant 0 : i32
    %sign3A_360 = arith.cmpi sgt, %jit3A_350, %sign3A_359 : i32
    %sign3A_361 = arith.extui %sign3A_360 : i1 to i32
    %sign3A_362 = arith.constant 0 : i32
    %sign3A_363 = arith.cmpi slt, %jit3A_350, %sign3A_362 : i32
    %sign3A_364 = arith.extui %sign3A_363 : i1 to i32
    %sign3A_365 = arith.subi %sign3A_361, %sign3A_364 : i32
    %ne3A_366 = arith.cmpi ne, %sign3A_358, %sign3A_365 : i32
    %rem3A_367 = arith.remsi %add3A_349, %jit3A_350 : i32
    %ne3A_368 = arith.constant 0 : i32
    %ne3A_369 = arith.cmpi ne, %rem3A_367, %ne3A_368 : i32
    %and3A_370 = arith.andi %ne3A_366, %ne3A_369 : i1
    %sub3A_371 = arith.constant 1 : i32
    %sub3A_372 = arith.subi %div3A_351, %sub3A_371 : i32
    %select_n3A_373 = arith.select %and3A_370, %sub3A_372, %div3A_351 : i32
    %jit3A_374 = arith.constant 8 : i32
    %eq3A_375 = arith.constant 0 : i32
    %eq3A_376 = arith.cmpi eq, %jit3A_374, %eq3A_375 : i32
    %jit3A_377 = arith.constant 1 : i32
    %select_n3A_378 = arith.select %eq3A_376, %jit3A_377, %jit3A_374 : i32
    %rem3A_379 = arith.remsi %add3A_349, %select_n3A_378 : i32
    %ne3A_380 = arith.constant 0 : i32
    %ne3A_381 = arith.cmpi ne, %rem3A_379, %ne3A_380 : i32
    %lt3A_382 = arith.constant 0 : i32
    %lt3A_383 = arith.cmpi slt, %rem3A_379, %lt3A_382 : i32
    %lt3A_384 = arith.constant 0 : i32
    %lt3A_385 = arith.cmpi slt, %select_n3A_378, %lt3A_384 : i32
    %ne3A_386 = arith.xori %lt3A_383, %lt3A_385 : i1
    %and3A_387 = arith.andi %ne3A_386, %ne3A_381 : i1
    %add3A_388 = arith.addi %rem3A_379, %select_n3A_378 : i32
    %select_n3A_389 = arith.select %and3A_387, %add3A_388, %rem3A_379 : i32
    %mul3A_390 = arith.constant 16 : i32
    %mul3A_391 = arith.muli %select_n3A_389, %mul3A_390 : i32
    %sub3A_392 = arith.constant 125 : i32
    %sub3A_393 = arith.subi %sub3A_392, %mul3A_391 : i32
    %min3A_394 = arith.constant 16 : i32
    %min3A_395 = arith.minsi %sub3A_393, %min3A_394 : i32
    %jit3A_396 = arith.constant 3 : i32
    %div3A_397 = arith.divsi %select_n3A_373, %jit3A_396 : i32
    %sign3A_398 = arith.constant 0 : i32
    %sign3A_399 = arith.cmpi sgt, %select_n3A_373, %sign3A_398 : i32
    %sign3A_400 = arith.extui %sign3A_399 : i1 to i32
    %sign3A_401 = arith.constant 0 : i32
    %sign3A_402 = arith.cmpi slt, %select_n3A_373, %sign3A_401 : i32
    %sign3A_403 = arith.extui %sign3A_402 : i1 to i32
    %sign3A_404 = arith.subi %sign3A_400, %sign3A_403 : i32
    %sign3A_405 = arith.constant 0 : i32
    %sign3A_406 = arith.cmpi sgt, %jit3A_396, %sign3A_405 : i32
    %sign3A_407 = arith.extui %sign3A_406 : i1 to i32
    %sign3A_408 = arith.constant 0 : i32
    %sign3A_409 = arith.cmpi slt, %jit3A_396, %sign3A_408 : i32
    %sign3A_410 = arith.extui %sign3A_409 : i1 to i32
    %sign3A_411 = arith.subi %sign3A_407, %sign3A_410 : i32
    %ne3A_412 = arith.cmpi ne, %sign3A_404, %sign3A_411 : i32
    %rem3A_413 = arith.remsi %select_n3A_373, %jit3A_396 : i32
    %ne3A_414 = arith.constant 0 : i32
    %ne3A_415 = arith.cmpi ne, %rem3A_413, %ne3A_414 : i32
    %and3A_416 = arith.andi %ne3A_412, %ne3A_415 : i1
    %sub3A_417 = arith.constant 1 : i32
    %sub3A_418 = arith.subi %div3A_397, %sub3A_417 : i32
    %select_n3A_419 = arith.select %and3A_416, %sub3A_418, %div3A_397 : i32
    %mul3A_420 = arith.constant 800000 : i32
    %mul3A_421 = arith.muli %select_n3A_419, %mul3A_420 : i32
    %mul3A_422 = arith.constant 6400 : i32
    %mul3A_423 = arith.muli %mul3A_391, %mul3A_422 : i32
    %add3A_424 = arith.addi %mul3A_421, %mul3A_423 : i32
    %mul3A_425 = arith.constant 800000 : i32
    %mul3A_426 = arith.muli %select_n3A_373, %mul3A_425 : i32
    %mul3A_427 = arith.constant 6400 : i32
    %mul3A_428 = arith.muli %mul3A_391, %mul3A_427 : i32
    %add3A_429 = arith.addi %mul3A_426, %mul3A_428 : i32
    %sub3A_430 = arith.constant 1 : i32
    %sub3A_431 = arith.subi %add3A_349, %sub3A_430 : i32
    %jit3A_432 = arith.constant 8 : i32
    %div3A_433 = arith.divsi %sub3A_431, %jit3A_432 : i32
    %sign3A_434 = arith.constant 0 : i32
    %sign3A_435 = arith.cmpi sgt, %sub3A_431, %sign3A_434 : i32
    %sign3A_436 = arith.extui %sign3A_435 : i1 to i32
    %sign3A_437 = arith.constant 0 : i32
    %sign3A_438 = arith.cmpi slt, %sub3A_431, %sign3A_437 : i32
    %sign3A_439 = arith.extui %sign3A_438 : i1 to i32
    %sign3A_440 = arith.subi %sign3A_436, %sign3A_439 : i32
    %sign3A_441 = arith.constant 0 : i32
    %sign3A_442 = arith.cmpi sgt, %jit3A_432, %sign3A_441 : i32
    %sign3A_443 = arith.extui %sign3A_442 : i1 to i32
    %sign3A_444 = arith.constant 0 : i32
    %sign3A_445 = arith.cmpi slt, %jit3A_432, %sign3A_444 : i32
    %sign3A_446 = arith.extui %sign3A_445 : i1 to i32
    %sign3A_447 = arith.subi %sign3A_443, %sign3A_446 : i32
    %ne3A_448 = arith.cmpi ne, %sign3A_440, %sign3A_447 : i32
    %rem3A_449 = arith.remsi %sub3A_431, %jit3A_432 : i32
    %ne3A_450 = arith.constant 0 : i32
    %ne3A_451 = arith.cmpi ne, %rem3A_449, %ne3A_450 : i32
    %and3A_452 = arith.andi %ne3A_448, %ne3A_451 : i1
    %sub3A_453 = arith.constant 1 : i32
    %sub3A_454 = arith.subi %div3A_433, %sub3A_453 : i32
    %select_n3A_455 = arith.select %and3A_452, %sub3A_454, %div3A_433 : i32
    %ne3A_456 = arith.cmpi ne, %select_n3A_373, %select_n3A_455 : i32
    %convert_element_type3A_457 = arith.extui %ne3A_456 : i1 to i32
    %cond3A_458 = arith.constant 0 : i32
    %cond3A_459 = arith.cmpi ne, %convert_element_type3A_457, %cond3A_458 : i32
    scf.if %cond3A_459 {
      %mul3A_483 = arith.constant 2 : i32
      %mul3A_484 = arith.muli %select_n3A_373, %mul3A_483 : i32
      %mul3A_485 = arith.constant 50000 : i32
      %mul3A_486 = arith.muli %mul3A_484, %mul3A_485 : i32
      "tpu.region"() ({
        %run_scoped3A = tpu.sem_alloc : memref<!tpu.dma_semaphore, #tpu.memory_space<semaphore_mem>>
        %dma_start3A_493 = tpu.memref_slice %arg2[%mul3A_486] : memref<1200000xf32, #tpu.memory_space<hbm>> -> memref<50000xf32, #tpu.memory_space<hbm>>
        %dma_start3A_494 = tpu.memref_slice %arg2[%mul3A_486] : memref<1200000xf32, #tpu.memory_space<hbm>> -> memref<50000xf32, #tpu.memory_space<hbm>>
        tpu.enqueue_dma source(%dma_start3A_494 : memref<50000xf32, #tpu.memory_space<hbm>>) target(%arg8 : memref<50000xf32, #tpu.memory_space<vmem>>) target_semaphore(%run_scoped3A : memref<!tpu.dma_semaphore, #tpu.memory_space<semaphore_mem>>)
        %dma_wait3A_495 = tpu.memref_slice %arg2[%mul3A_486] : memref<1200000xf32, #tpu.memory_space<hbm>> -> memref<50000xf32, #tpu.memory_space<hbm>>
        %dma_wait3A_496 = tpu.memref_slice %arg2[%mul3A_486] : memref<1200000xf32, #tpu.memory_space<hbm>> -> memref<50000xf32, #tpu.memory_space<hbm>>
        tpu.wait_dma2 semaphore(%run_scoped3A : memref<!tpu.dma_semaphore, #tpu.memory_space<semaphore_mem>>) src(%dma_wait3A_496 : memref<50000xf32, #tpu.memory_space<hbm>>) dst(%arg8 : memref<50000xf32, #tpu.memory_space<vmem>>)
        tpu.yield
      }) : () -> ()
      %mul3A_487 = arith.constant 2 : i32
      %mul3A_488 = arith.muli %select_n3A_373, %mul3A_487 : i32
      %add3A_489 = arith.constant 1 : i32
      %add3A_490 = arith.addi %mul3A_488, %add3A_489 : i32
      %mul3A_491 = arith.constant 50000 : i32
      %mul3A_492 = arith.muli %add3A_490, %mul3A_491 : i32
      "tpu.region"() ({
        %run_scoped3A = tpu.sem_alloc : memref<!tpu.dma_semaphore, #tpu.memory_space<semaphore_mem>>
        %dma_start3A_493 = tpu.memref_slice %arg2[%mul3A_492] : memref<1200000xf32, #tpu.memory_space<hbm>> -> memref<50000xf32, #tpu.memory_space<hbm>>
        %dma_start3A_494 = tpu.memref_slice %arg2[%mul3A_492] : memref<1200000xf32, #tpu.memory_space<hbm>> -> memref<50000xf32, #tpu.memory_space<hbm>>
        tpu.enqueue_dma source(%dma_start3A_494 : memref<50000xf32, #tpu.memory_space<hbm>>) target(%arg9 : memref<50000xf32, #tpu.memory_space<vmem>>) target_semaphore(%run_scoped3A : memref<!tpu.dma_semaphore, #tpu.memory_space<semaphore_mem>>)
        %dma_wait3A_495 = tpu.memref_slice %arg2[%mul3A_492] : memref<1200000xf32, #tpu.memory_space<hbm>> -> memref<50000xf32, #tpu.memory_space<hbm>>
        %dma_wait3A_496 = tpu.memref_slice %arg2[%mul3A_492] : memref<1200000xf32, #tpu.memory_space<hbm>> -> memref<50000xf32, #tpu.memory_space<hbm>>
        tpu.wait_dma2 semaphore(%run_scoped3A : memref<!tpu.dma_semaphore, #tpu.memory_space<semaphore_mem>>) src(%dma_wait3A_496 : memref<50000xf32, #tpu.memory_space<hbm>>) dst(%arg9 : memref<50000xf32, #tpu.memory_space<vmem>>)
        tpu.yield
      }) : () -> ()
    } else {
    }
    %add3A_460 = arith.constant 0 : i32
    %add3A_461 = arith.addi %add3A_424, %add3A_460 : i32
    %dma_start3A_462 = tpu.memref_slice %arg3[%add3A_461] : memref<3200000xi32, #tpu.memory_space<hbm>> -> memref<6400xi32, #tpu.memory_space<hbm>>
    %dma_start3A_463 = tpu.memref_slice %arg3[%add3A_461] : memref<3200000xi32, #tpu.memory_space<hbm>> -> memref<6400xi32, #tpu.memory_space<hbm>>
    tpu.enqueue_dma source(%dma_start3A_463 : memref<6400xi32, #tpu.memory_space<hbm>>) target(%arg10 : memref<6400xi32, #tpu.memory_space<vmem>>) target_semaphore(%arg15 : memref<!tpu.dma_semaphore, #tpu.memory_space<semaphore_mem>>)
    %add3A_464 = arith.constant 6400 : i32
    %add3A_465 = arith.addi %add3A_424, %add3A_464 : i32
    %dma_start3A_466 = tpu.memref_slice %arg3[%add3A_465] : memref<3200000xi32, #tpu.memory_space<hbm>> -> memref<6400xi32, #tpu.memory_space<hbm>>
    %dma_start3A_467 = tpu.memref_slice %arg3[%add3A_465] : memref<3200000xi32, #tpu.memory_space<hbm>> -> memref<6400xi32, #tpu.memory_space<hbm>>
    tpu.enqueue_dma source(%dma_start3A_467 : memref<6400xi32, #tpu.memory_space<hbm>>) target(%arg11 : memref<6400xi32, #tpu.memory_space<vmem>>) target_semaphore(%arg16 : memref<!tpu.dma_semaphore, #tpu.memory_space<semaphore_mem>>)
    %scan3A_468 = arith.constant 0 : i32
    %scan3A_469 = arith.constant 0 : i32
    %scan3A_470 = arith.constant 8 : i32
    %scan3A_471 = arith.addi %scan3A_469, %scan3A_470 : i32
    %scan3A_472 = arith.constant 1 : i32
    %scan3A_473 = scf.for %scan3A_483 = %scan3A_469 to %scan3A_471 step %scan3A_472 iter_args(%scan3A_484 = %scan3A_468) -> (i32)  : i32 {
      %mul3A_485 = arith.constant 2 : i32
      %mul3A_486 = arith.muli %scan3A_483, %mul3A_485 : i32
      %add3A_487 = arith.constant 0 : i32
      %add3A_488 = arith.addi %mul3A_486, %add3A_487 : i32
      %lt3A_489 = arith.cmpi slt, %add3A_488, %min3A_395 : i32
      %convert_element_type3A_490 = arith.extui %lt3A_489 : i1 to i32
      %cond3A_491 = arith.constant 0 : i32
      %cond3A_492 = arith.cmpi ne, %convert_element_type3A_490, %cond3A_491 : i32
      scf.if %cond3A_492 {
        %mul3A_502 = arith.constant 6400 : i32
        %mul3A_503 = arith.muli %add3A_488, %mul3A_502 : i32
        %add3A_504 = arith.addi %add3A_424, %mul3A_503 : i32
        %dma_wait3A_505 = tpu.memref_slice %arg3[%add3A_504] : memref<3200000xi32, #tpu.memory_space<hbm>> -> memref<6400xi32, #tpu.memory_space<hbm>>
        %dma_wait3A_506 = tpu.memref_slice %arg3[%add3A_504] : memref<3200000xi32, #tpu.memory_space<hbm>> -> memref<6400xi32, #tpu.memory_space<hbm>>
        tpu.wait_dma2 semaphore(%arg15 : memref<!tpu.dma_semaphore, #tpu.memory_space<semaphore_mem>>) src(%dma_wait3A_506 : memref<6400xi32, #tpu.memory_space<hbm>>) dst(%arg10 : memref<6400xi32, #tpu.memory_space<vmem>>)
        %ge3A = arith.constant 1 : i32
        %ge3A_507 = arith.cmpi sge, %add3A_488, %ge3A : i32
        %convert_element_type3A_508 = arith.extui %ge3A_507 : i1 to i32
        %cond3A_509 = arith.constant 0 : i32
        %cond3A_510 = arith.cmpi ne, %convert_element_type3A_508, %cond3A_509 : i32
        scf.if %cond3A_510 {
          %dma_wait3A_546 = arith.constant 0 : i32
          %dma_wait3A_547 = tpu.memref_slice %arg5[%dma_wait3A_546] : memref<9600000xf32, #tpu.memory_space<hbm>> -> memref<6400xf32, #tpu.memory_space<hbm>>
          %dma_wait3A_548 = arith.constant 0 : i32
          %dma_wait3A_549 = tpu.memref_slice %arg5[%dma_wait3A_548] : memref<9600000xf32, #tpu.memory_space<hbm>> -> memref<6400xf32, #tpu.memory_space<hbm>>
          tpu.wait_dma2 semaphore(%arg17 : memref<!tpu.dma_semaphore, #tpu.memory_space<semaphore_mem>>) src(%dma_wait3A_549 : memref<6400xf32, #tpu.memory_space<hbm>>) dst(%arg12 : memref<6400xf32, #tpu.memory_space<vmem>>)
        } else {
        }
        %scan3A_511 = arith.constant 0 : i32
        %scan3A_512 = arith.constant 0 : i32
        %scan3A_513 = arith.constant 400 : i32
        %scan3A_514 = arith.addi %scan3A_512, %scan3A_513 : i32
        %scan3A_515 = arith.constant 8 : i32
        %scan3A_516 = scf.for %scan3A_546 = %scan3A_512 to %scan3A_514 step %scan3A_515 iter_args(%scan3A_547 = %scan3A_511) -> (i32)  : i32 {
          %mul3A_548 = arith.constant 16 : i32
          %mul3A_549 = arith.muli %scan3A_546, %mul3A_548 : i32
          %get3A = arith.index_cast %mul3A_549 : i32 to index
          %get3A_550 = tpu.vector_load %arg10[%get3A] {strides = array<i32>} : memref<6400xi32, #tpu.memory_space<vmem>>, vector<16xi32>,
          %add3A_551 = vector.broadcast %scan3A_546 : i32 to vector<16xi32>
          %add3A_552 = arith.addi %mul3A_3, %add3A_551 : vector<16xi32>
          %gather3A = tpu.vector_load_idx %arg8[%get3A_550] : memref<50000xf32, #tpu.memory_space<vmem>>[vector<16xi32>], vector<16xf32>,
          tpu.vector_store_idx %arg12[%add3A_552], %gather3A : memref<6400xf32, #tpu.memory_space<vmem>>[vector<16xi32>], vector<16xf32>,
          %scan3A_553 = arith.constant 0 : i32
          %scan3A_554 = arith.constant 1 : i32
          %scan3A_555 = arith.addi %scan3A_546, %scan3A_554 : i32
          %mul3A_556 = arith.constant 16 : i32
          %mul3A_557 = arith.muli %scan3A_555, %mul3A_556 : i32
          %get3A_558 = arith.index_cast %mul3A_557 : i32 to index
          %get3A_559 = tpu.vector_load %arg10[%get3A_558] {strides = array<i32>} : memref<6400xi32, #tpu.memory_space<vmem>>, vector<16xi32>,
          %add3A_560 = vector.broadcast %scan3A_555 : i32 to vector<16xi32>
          %add3A_561 = arith.addi %mul3A_3, %add3A_560 : vector<16xi32>
          %gather3A_562 = tpu.vector_load_idx %arg8[%get3A_559] : memref<50000xf32, #tpu.memory_space<vmem>>[vector<16xi32>], vector<16xf32>,
          tpu.vector_store_idx %arg12[%add3A_561], %gather3A_562 : memref<6400xf32, #tpu.memory_space<vmem>>[vector<16xi32>], vector<16xf32>,
          %scan3A_563 = arith.constant 0 : i32
          %scan3A_564 = arith.constant 2 : i32
          %scan3A_565 = arith.addi %scan3A_546, %scan3A_564 : i32
          %mul3A_566 = arith.constant 16 : i32
          %mul3A_567 = arith.muli %scan3A_565, %mul3A_566 : i32
          %get3A_568 = arith.index_cast %mul3A_567 : i32 to index
          %get3A_569 = tpu.vector_load %arg10[%get3A_568] {strides = array<i32>} : memref<6400xi32, #tpu.memory_space<vmem>>, vector<16xi32>,
          %add3A_570 = vector.broadcast %scan3A_565 : i32 to vector<16xi32>
          %add3A_571 = arith.addi %mul3A_3, %add3A_570 : vector<16xi32>
          %gather3A_572 = tpu.vector_load_idx %arg8[%get3A_569] : memref<50000xf32, #tpu.memory_space<vmem>>[vector<16xi32>], vector<16xf32>,
          tpu.vector_store_idx %arg12[%add3A_571], %gather3A_572 : memref<6400xf32, #tpu.memory_space<vmem>>[vector<16xi32>], vector<16xf32>,
          %scan3A_573 = arith.constant 0 : i32
          %scan3A_574 = arith.constant 3 : i32
          %scan3A_575 = arith.addi %scan3A_546, %scan3A_574 : i32
          %mul3A_576 = arith.constant 16 : i32
          %mul3A_577 = arith.muli %scan3A_575, %mul3A_576 : i32
          %get3A_578 = arith.index_cast %mul3A_577 : i32 to index
          %get3A_579 = tpu.vector_load %arg10[%get3A_578] {strides = array<i32>} : memref<6400xi32, #tpu.memory_space<vmem>>, vector<16xi32>,
          %add3A_580 = vector.broadcast %scan3A_575 : i32 to vector<16xi32>
          %add3A_581 = arith.addi %mul3A_3, %add3A_580 : vector<16xi32>
          %gather3A_582 = tpu.vector_load_idx %arg8[%get3A_579] : memref<50000xf32, #tpu.memory_space<vmem>>[vector<16xi32>], vector<16xf32>,
          tpu.vector_store_idx %arg12[%add3A_581], %gather3A_582 : memref<6400xf32, #tpu.memory_space<vmem>>[vector<16xi32>], vector<16xf32>,
          %scan3A_583 = arith.constant 0 : i32
          %scan3A_584 = arith.constant 4 : i32
          %scan3A_585 = arith.addi %scan3A_546, %scan3A_584 : i32
          %mul3A_586 = arith.constant 16 : i32
          %mul3A_587 = arith.muli %scan3A_585, %mul3A_586 : i32
          %get3A_588 = arith.index_cast %mul3A_587 : i32 to index
          %get3A_589 = tpu.vector_load %arg10[%get3A_588] {strides = array<i32>} : memref<6400xi32, #tpu.memory_space<vmem>>, vector<16xi32>,
          %add3A_590 = vector.broadcast %scan3A_585 : i32 to vector<16xi32>
          %add3A_591 = arith.addi %mul3A_3, %add3A_590 : vector<16xi32>
          %gather3A_592 = tpu.vector_load_idx %arg8[%get3A_589] : memref<50000xf32, #tpu.memory_space<vmem>>[vector<16xi32>], vector<16xf32>,
          tpu.vector_store_idx %arg12[%add3A_591], %gather3A_592 : memref<6400xf32, #tpu.memory_space<vmem>>[vector<16xi32>], vector<16xf32>,
          %scan3A_593 = arith.constant 0 : i32
          %scan3A_594 = arith.constant 5 : i32
          %scan3A_595 = arith.addi %scan3A_546, %scan3A_594 : i32
          %mul3A_596 = arith.constant 16 : i32
          %mul3A_597 = arith.muli %scan3A_595, %mul3A_596 : i32
          %get3A_598 = arith.index_cast %mul3A_597 : i32 to index
          %get3A_599 = tpu.vector_load %arg10[%get3A_598] {strides = array<i32>} : memref<6400xi32, #tpu.memory_space<vmem>>, vector<16xi32>,
          %add3A_600 = vector.broadcast %scan3A_595 : i32 to vector<16xi32>
          %add3A_601 = arith.addi %mul3A_3, %add3A_600 : vector<16xi32>
          %gather3A_602 = tpu.vector_load_idx %arg8[%get3A_599] : memref<50000xf32, #tpu.memory_space<vmem>>[vector<16xi32>], vector<16xf32>,
          tpu.vector_store_idx %arg12[%add3A_601], %gather3A_602 : memref<6400xf32, #tpu.memory_space<vmem>>[vector<16xi32>], vector<16xf32>,
          %scan3A_603 = arith.constant 0 : i32
          %scan3A_604 = arith.constant 6 : i32
          %scan3A_605 = arith.addi %scan3A_546, %scan3A_604 : i32
          %mul3A_606 = arith.constant 16 : i32
          %mul3A_607 = arith.muli %scan3A_605, %mul3A_606 : i32
          %get3A_608 = arith.index_cast %mul3A_607 : i32 to index
          %get3A_609 = tpu.vector_load %arg10[%get3A_608] {strides = array<i32>} : memref<6400xi32, #tpu.memory_space<vmem>>, vector<16xi32>,
          %add3A_610 = vector.broadcast %scan3A_605 : i32 to vector<16xi32>
          %add3A_611 = arith.addi %mul3A_3, %add3A_610 : vector<16xi32>
          %gather3A_612 = tpu.vector_load_idx %arg8[%get3A_609] : memref<50000xf32, #tpu.memory_space<vmem>>[vector<16xi32>], vector<16xf32>,
          tpu.vector_store_idx %arg12[%add3A_611], %gather3A_612 : memref<6400xf32, #tpu.memory_space<vmem>>[vector<16xi32>], vector<16xf32>,
          %scan3A_613 = arith.constant 0 : i32
          %scan3A_614 = arith.constant 7 : i32
          %scan3A_615 = arith.addi %scan3A_546, %scan3A_614 : i32
          %mul3A_616 = arith.constant 16 : i32
          %mul3A_617 = arith.muli %scan3A_615, %mul3A_616 : i32
          %get3A_618 = arith.index_cast %mul3A_617 : i32 to index
          %get3A_619 = tpu.vector_load %arg10[%get3A_618] {strides = array<i32>} : memref<6400xi32, #tpu.memory_space<vmem>>, vector<16xi32>,
          %add3A_620 = vector.broadcast %scan3A_615 : i32 to vector<16xi32>
          %add3A_621 = arith.addi %mul3A_3, %add3A_620 : vector<16xi32>
          %gather3A_622 = tpu.vector_load_idx %arg8[%get3A_619] : memref<50000xf32, #tpu.memory_space<vmem>>[vector<16xi32>], vector<16xf32>,
          tpu.vector_store_idx %arg12[%add3A_621], %gather3A_622 : memref<6400xf32, #tpu.memory_space<vmem>>[vector<16xi32>], vector<16xf32>,
          %scan3A_623 = arith.constant 0 : i32
          scf.yield %scan3A_623 : i32
        }
        %scan3A_517 = arith.constant 400 : i32
        %mul3A_518 = arith.constant 6400 : i32
        %mul3A_519 = arith.muli %add3A_488, %mul3A_518 : i32
        %add3A_520 = arith.addi %add3A_429, %mul3A_519 : i32
        %dma_start3A_521 = tpu.memref_slice %arg5[%add3A_520] : memref<9600000xf32, #tpu.memory_space<hbm>> -> memref<6400xf32, #tpu.memory_space<hbm>>
        %dma_start3A_522 = tpu.memref_slice %arg5[%add3A_520] : memref<9600000xf32, #tpu.memory_space<hbm>> -> memref<6400xf32, #tpu.memory_space<hbm>>
        tpu.enqueue_dma source(%arg12 : memref<6400xf32, #tpu.memory_space<vmem>>) target(%dma_start3A_522 : memref<6400xf32, #tpu.memory_space<hbm>>) target_semaphore(%arg17 : memref<!tpu.dma_semaphore, #tpu.memory_space<semaphore_mem>>)
        %ge3A_523 = arith.constant 1 : i32
        %ge3A_524 = arith.cmpi sge, %add3A_488, %ge3A_523 : i32
        %convert_element_type3A_525 = arith.extui %ge3A_524 : i1 to i32
        %cond3A_526 = arith.constant 0 : i32
        %cond3A_527 = arith.cmpi ne, %convert_element_type3A_525, %cond3A_526 : i32
        scf.if %cond3A_527 {
          %dma_wait3A_546 = arith.constant 0 : i32
          %dma_wait3A_547 = tpu.memref_slice %arg5[%dma_wait3A_546] : memref<9600000xf32, #tpu.memory_space<hbm>> -> memref<6400xf32, #tpu.memory_space<hbm>>
          %dma_wait3A_548 = arith.constant 0 : i32
          %dma_wait3A_549 = tpu.memref_slice %arg5[%dma_wait3A_548] : memref<9600000xf32, #tpu.memory_space<hbm>> -> memref<6400xf32, #tpu.memory_space<hbm>>
          tpu.wait_dma2 semaphore(%arg18 : memref<!tpu.dma_semaphore, #tpu.memory_space<semaphore_mem>>) src(%dma_wait3A_549 : memref<6400xf32, #tpu.memory_space<hbm>>) dst(%arg13 : memref<6400xf32, #tpu.memory_space<vmem>>)
        } else {
        }
        %scan3A_528 = arith.constant 0 : i32
        %scan3A_529 = arith.constant 0 : i32
        %scan3A_530 = arith.constant 400 : i32
        %scan3A_531 = arith.addi %scan3A_529, %scan3A_530 : i32
        %scan3A_532 = arith.constant 8 : i32
        %scan3A_533 = scf.for %scan3A_546 = %scan3A_529 to %scan3A_531 step %scan3A_532 iter_args(%scan3A_547 = %scan3A_528) -> (i32)  : i32 {
          %mul3A_548 = arith.constant 16 : i32
          %mul3A_549 = arith.muli %scan3A_546, %mul3A_548 : i32
          %get3A = arith.index_cast %mul3A_549 : i32 to index
          %get3A_550 = tpu.vector_load %arg10[%get3A] {strides = array<i32>} : memref<6400xi32, #tpu.memory_space<vmem>>, vector<16xi32>,
          %add3A_551 = vector.broadcast %scan3A_546 : i32 to vector<16xi32>
          %add3A_552 = arith.addi %mul3A_3, %add3A_551 : vector<16xi32>
          %gather3A = tpu.vector_load_idx %arg9[%get3A_550] : memref<50000xf32, #tpu.memory_space<vmem>>[vector<16xi32>], vector<16xf32>,
          tpu.vector_store_idx %arg13[%add3A_552], %gather3A : memref<6400xf32, #tpu.memory_space<vmem>>[vector<16xi32>], vector<16xf32>,
          %scan3A_553 = arith.constant 0 : i32
          %scan3A_554 = arith.constant 1 : i32
          %scan3A_555 = arith.addi %scan3A_546, %scan3A_554 : i32
          %mul3A_556 = arith.constant 16 : i32
          %mul3A_557 = arith.muli %scan3A_555, %mul3A_556 : i32
          %get3A_558 = arith.index_cast %mul3A_557 : i32 to index
          %get3A_559 = tpu.vector_load %arg10[%get3A_558] {strides = array<i32>} : memref<6400xi32, #tpu.memory_space<vmem>>, vector<16xi32>,
          %add3A_560 = vector.broadcast %scan3A_555 : i32 to vector<16xi32>
          %add3A_561 = arith.addi %mul3A_3, %add3A_560 : vector<16xi32>
          %gather3A_562 = tpu.vector_load_idx %arg9[%get3A_559] : memref<50000xf32, #tpu.memory_space<vmem>>[vector<16xi32>], vector<16xf32>,
          tpu.vector_store_idx %arg13[%add3A_561], %gather3A_562 : memref<6400xf32, #tpu.memory_space<vmem>>[vector<16xi32>], vector<16xf32>,
          %scan3A_563 = arith.constant 0 : i32
          %scan3A_564 = arith.constant 2 : i32
          %scan3A_565 = arith.addi %scan3A_546, %scan3A_564 : i32
          %mul3A_566 = arith.constant 16 : i32
          %mul3A_567 = arith.muli %scan3A_565, %mul3A_566 : i32
          %get3A_568 = arith.index_cast %mul3A_567 : i32 to index
          %get3A_569 = tpu.vector_load %arg10[%get3A_568] {strides = array<i32>} : memref<6400xi32, #tpu.memory_space<vmem>>, vector<16xi32>,
          %add3A_570 = vector.broadcast %scan3A_565 : i32 to vector<16xi32>
          %add3A_571 = arith.addi %mul3A_3, %add3A_570 : vector<16xi32>
          %gather3A_572 = tpu.vector_load_idx %arg9[%get3A_569] : memref<50000xf32, #tpu.memory_space<vmem>>[vector<16xi32>], vector<16xf32>,
          tpu.vector_store_idx %arg13[%add3A_571], %gather3A_572 : memref<6400xf32, #tpu.memory_space<vmem>>[vector<16xi32>], vector<16xf32>,
          %scan3A_573 = arith.constant 0 : i32
          %scan3A_574 = arith.constant 3 : i32
          %scan3A_575 = arith.addi %scan3A_546, %scan3A_574 : i32
          %mul3A_576 = arith.constant 16 : i32
          %mul3A_577 = arith.muli %scan3A_575, %mul3A_576 : i32
          %get3A_578 = arith.index_cast %mul3A_577 : i32 to index
          %get3A_579 = tpu.vector_load %arg10[%get3A_578] {strides = array<i32>} : memref<6400xi32, #tpu.memory_space<vmem>>, vector<16xi32>,
          %add3A_580 = vector.broadcast %scan3A_575 : i32 to vector<16xi32>
          %add3A_581 = arith.addi %mul3A_3, %add3A_580 : vector<16xi32>
          %gather3A_582 = tpu.vector_load_idx %arg9[%get3A_579] : memref<50000xf32, #tpu.memory_space<vmem>>[vector<16xi32>], vector<16xf32>,
          tpu.vector_store_idx %arg13[%add3A_581], %gather3A_582 : memref<6400xf32, #tpu.memory_space<vmem>>[vector<16xi32>], vector<16xf32>,
          %scan3A_583 = arith.constant 0 : i32
          %scan3A_584 = arith.constant 4 : i32
          %scan3A_585 = arith.addi %scan3A_546, %scan3A_584 : i32
          %mul3A_586 = arith.constant 16 : i32
          %mul3A_587 = arith.muli %scan3A_585, %mul3A_586 : i32
          %get3A_588 = arith.index_cast %mul3A_587 : i32 to index
          %get3A_589 = tpu.vector_load %arg10[%get3A_588] {strides = array<i32>} : memref<6400xi32, #tpu.memory_space<vmem>>, vector<16xi32>,
          %add3A_590 = vector.broadcast %scan3A_585 : i32 to vector<16xi32>
          %add3A_591 = arith.addi %mul3A_3, %add3A_590 : vector<16xi32>
          %gather3A_592 = tpu.vector_load_idx %arg9[%get3A_589] : memref<50000xf32, #tpu.memory_space<vmem>>[vector<16xi32>], vector<16xf32>,
          tpu.vector_store_idx %arg13[%add3A_591], %gather3A_592 : memref<6400xf32, #tpu.memory_space<vmem>>[vector<16xi32>], vector<16xf32>,
          %scan3A_593 = arith.constant 0 : i32
          %scan3A_594 = arith.constant 5 : i32
          %scan3A_595 = arith.addi %scan3A_546, %scan3A_594 : i32
          %mul3A_596 = arith.constant 16 : i32
          %mul3A_597 = arith.muli %scan3A_595, %mul3A_596 : i32
          %get3A_598 = arith.index_cast %mul3A_597 : i32 to index
          %get3A_599 = tpu.vector_load %arg10[%get3A_598] {strides = array<i32>} : memref<6400xi32, #tpu.memory_space<vmem>>, vector<16xi32>,
          %add3A_600 = vector.broadcast %scan3A_595 : i32 to vector<16xi32>
          %add3A_601 = arith.addi %mul3A_3, %add3A_600 : vector<16xi32>
          %gather3A_602 = tpu.vector_load_idx %arg9[%get3A_599] : memref<50000xf32, #tpu.memory_space<vmem>>[vector<16xi32>], vector<16xf32>,
          tpu.vector_store_idx %arg13[%add3A_601], %gather3A_602 : memref<6400xf32, #tpu.memory_space<vmem>>[vector<16xi32>], vector<16xf32>,
          %scan3A_603 = arith.constant 0 : i32
          %scan3A_604 = arith.constant 6 : i32
          %scan3A_605 = arith.addi %scan3A_546, %scan3A_604 : i32
          %mul3A_606 = arith.constant 16 : i32
          %mul3A_607 = arith.muli %scan3A_605, %mul3A_606 : i32
          %get3A_608 = arith.index_cast %mul3A_607 : i32 to index
          %get3A_609 = tpu.vector_load %arg10[%get3A_608] {strides = array<i32>} : memref<6400xi32, #tpu.memory_space<vmem>>, vector<16xi32>,
          %add3A_610 = vector.broadcast %scan3A_605 : i32 to vector<16xi32>
          %add3A_611 = arith.addi %mul3A_3, %add3A_610 : vector<16xi32>
          %gather3A_612 = tpu.vector_load_idx %arg9[%get3A_609] : memref<50000xf32, #tpu.memory_space<vmem>>[vector<16xi32>], vector<16xf32>,
          tpu.vector_store_idx %arg13[%add3A_611], %gather3A_612 : memref<6400xf32, #tpu.memory_space<vmem>>[vector<16xi32>], vector<16xf32>,
          %scan3A_613 = arith.constant 0 : i32
          %scan3A_614 = arith.constant 7 : i32
          %scan3A_615 = arith.addi %scan3A_546, %scan3A_614 : i32
          %mul3A_616 = arith.constant 16 : i32
          %mul3A_617 = arith.muli %scan3A_615, %mul3A_616 : i32
          %get3A_618 = arith.index_cast %mul3A_617 : i32 to index
          %get3A_619 = tpu.vector_load %arg10[%get3A_618] {strides = array<i32>} : memref<6400xi32, #tpu.memory_space<vmem>>, vector<16xi32>,
          %add3A_620 = vector.broadcast %scan3A_615 : i32 to vector<16xi32>
          %add3A_621 = arith.addi %mul3A_3, %add3A_620 : vector<16xi32>
          %gather3A_622 = tpu.vector_load_idx %arg9[%get3A_619] : memref<50000xf32, #tpu.memory_space<vmem>>[vector<16xi32>], vector<16xf32>,
          tpu.vector_store_idx %arg13[%add3A_621], %gather3A_622 : memref<6400xf32, #tpu.memory_space<vmem>>[vector<16xi32>], vector<16xf32>,
          %scan3A_623 = arith.constant 0 : i32
          scf.yield %scan3A_623 : i32
        }
        %scan3A_534 = arith.constant 400 : i32
        %mul3A_535 = arith.constant 6400 : i32
        %mul3A_536 = arith.muli %add3A_488, %mul3A_535 : i32
        %add3A_537 = arith.addi %add3A_429, %mul3A_536 : i32
        %dma_start3A_538 = tpu.memref_slice %arg6[%add3A_537] : memref<9600000xf32, #tpu.memory_space<hbm>> -> memref<6400xf32, #tpu.memory_space<hbm>>
        %dma_start3A_539 = tpu.memref_slice %arg6[%add3A_537] : memref<9600000xf32, #tpu.memory_space<hbm>> -> memref<6400xf32, #tpu.memory_space<hbm>>
        tpu.enqueue_dma source(%arg13 : memref<6400xf32, #tpu.memory_space<vmem>>) target(%dma_start3A_539 : memref<6400xf32, #tpu.memory_space<hbm>>) target_semaphore(%arg18 : memref<!tpu.dma_semaphore, #tpu.memory_space<semaphore_mem>>)
        %add3A_540 = arith.constant 2 : i32
        %add3A_541 = arith.addi %add3A_488, %add3A_540 : i32
        %lt3A_542 = arith.cmpi slt, %add3A_541, %min3A_395 : i32
        %convert_element_type3A_543 = arith.extui %lt3A_542 : i1 to i32
        %cond3A_544 = arith.constant 0 : i32
        %cond3A_545 = arith.cmpi ne, %convert_element_type3A_543, %cond3A_544 : i32
        scf.if %cond3A_545 {
          %add3A_546 = arith.constant 2 : i32
          %add3A_547 = arith.addi %add3A_488, %add3A_546 : i32
          %mul3A_548 = arith.constant 6400 : i32
          %mul3A_549 = arith.muli %add3A_547, %mul3A_548 : i32
          %add3A_550 = arith.addi %add3A_424, %mul3A_549 : i32
          %dma_start3A_551 = tpu.memref_slice %arg3[%add3A_550] : memref<3200000xi32, #tpu.memory_space<hbm>> -> memref<6400xi32, #tpu.memory_space<hbm>>
          %dma_start3A_552 = tpu.memref_slice %arg3[%add3A_550] : memref<3200000xi32, #tpu.memory_space<hbm>> -> memref<6400xi32, #tpu.memory_space<hbm>>
          tpu.enqueue_dma source(%dma_start3A_552 : memref<6400xi32, #tpu.memory_space<hbm>>) target(%arg10 : memref<6400xi32, #tpu.memory_space<vmem>>) target_semaphore(%arg15 : memref<!tpu.dma_semaphore, #tpu.memory_space<semaphore_mem>>)
        } else {
        }
      } else {
      }
      %mul3A_493 = arith.constant 2 : i32
      %mul3A_494 = arith.muli %scan3A_483, %mul3A_493 : i32
      %add3A_495 = arith.constant 1 : i32
      %add3A_496 = arith.addi %mul3A_494, %add3A_495 : i32
      %lt3A_497 = arith.cmpi slt, %add3A_496, %min3A_395 : i32
      %convert_element_type3A_498 = arith.extui %lt3A_497 : i1 to i32
      %cond3A_499 = arith.constant 0 : i32
      %cond3A_500 = arith.cmpi ne, %convert_element_type3A_498, %cond3A_499 : i32
      scf.if %cond3A_500 {
        %mul3A_502 = arith.constant 6400 : i32
        %mul3A_503 = arith.muli %add3A_496, %mul3A_502 : i32
        %add3A_504 = arith.addi %add3A_424, %mul3A_503 : i32
        %dma_wait3A_505 = tpu.memref_slice %arg3[%add3A_504] : memref<3200000xi32, #tpu.memory_space<hbm>> -> memref<6400xi32, #tpu.memory_space<hbm>>
        %dma_wait3A_506 = tpu.memref_slice %arg3[%add3A_504] : memref<3200000xi32, #tpu.memory_space<hbm>> -> memref<6400xi32, #tpu.memory_space<hbm>>
        tpu.wait_dma2 semaphore(%arg16 : memref<!tpu.dma_semaphore, #tpu.memory_space<semaphore_mem>>) src(%dma_wait3A_506 : memref<6400xi32, #tpu.memory_space<hbm>>) dst(%arg11 : memref<6400xi32, #tpu.memory_space<vmem>>)
        %ge3A = arith.constant 1 : i32
        %ge3A_507 = arith.cmpi sge, %add3A_496, %ge3A : i32
        %convert_element_type3A_508 = arith.extui %ge3A_507 : i1 to i32
        %cond3A_509 = arith.constant 0 : i32
        %cond3A_510 = arith.cmpi ne, %convert_element_type3A_508, %cond3A_509 : i32
        scf.if %cond3A_510 {
          %dma_wait3A_546 = arith.constant 0 : i32
          %dma_wait3A_547 = tpu.memref_slice %arg5[%dma_wait3A_546] : memref<9600000xf32, #tpu.memory_space<hbm>> -> memref<6400xf32, #tpu.memory_space<hbm>>
          %dma_wait3A_548 = arith.constant 0 : i32
          %dma_wait3A_549 = tpu.memref_slice %arg5[%dma_wait3A_548] : memref<9600000xf32, #tpu.memory_space<hbm>> -> memref<6400xf32, #tpu.memory_space<hbm>>
          tpu.wait_dma2 semaphore(%arg17 : memref<!tpu.dma_semaphore, #tpu.memory_space<semaphore_mem>>) src(%dma_wait3A_549 : memref<6400xf32, #tpu.memory_space<hbm>>) dst(%arg12 : memref<6400xf32, #tpu.memory_space<vmem>>)
        } else {
        }
        %scan3A_511 = arith.constant 0 : i32
        %scan3A_512 = arith.constant 0 : i32
        %scan3A_513 = arith.constant 400 : i32
        %scan3A_514 = arith.addi %scan3A_512, %scan3A_513 : i32
        %scan3A_515 = arith.constant 8 : i32
        %scan3A_516 = scf.for %scan3A_546 = %scan3A_512 to %scan3A_514 step %scan3A_515 iter_args(%scan3A_547 = %scan3A_511) -> (i32)  : i32 {
          %mul3A_548 = arith.constant 16 : i32
          %mul3A_549 = arith.muli %scan3A_546, %mul3A_548 : i32
          %get3A = arith.index_cast %mul3A_549 : i32 to index
          %get3A_550 = tpu.vector_load %arg11[%get3A] {strides = array<i32>} : memref<6400xi32, #tpu.memory_space<vmem>>, vector<16xi32>,
          %add3A_551 = vector.broadcast %scan3A_546 : i32 to vector<16xi32>
          %add3A_552 = arith.addi %mul3A_3, %add3A_551 : vector<16xi32>
          %gather3A = tpu.vector_load_idx %arg8[%get3A_550] : memref<50000xf32, #tpu.memory_space<vmem>>[vector<16xi32>], vector<16xf32>,
          tpu.vector_store_idx %arg12[%add3A_552], %gather3A : memref<6400xf32, #tpu.memory_space<vmem>>[vector<16xi32>], vector<16xf32>,
          %scan3A_553 = arith.constant 0 : i32
          %scan3A_554 = arith.constant 1 : i32
          %scan3A_555 = arith.addi %scan3A_546, %scan3A_554 : i32
          %mul3A_556 = arith.constant 16 : i32
          %mul3A_557 = arith.muli %scan3A_555, %mul3A_556 : i32
          %get3A_558 = arith.index_cast %mul3A_557 : i32 to index
          %get3A_559 = tpu.vector_load %arg11[%get3A_558] {strides = array<i32>} : memref<6400xi32, #tpu.memory_space<vmem>>, vector<16xi32>,
          %add3A_560 = vector.broadcast %scan3A_555 : i32 to vector<16xi32>
          %add3A_561 = arith.addi %mul3A_3, %add3A_560 : vector<16xi32>
          %gather3A_562 = tpu.vector_load_idx %arg8[%get3A_559] : memref<50000xf32, #tpu.memory_space<vmem>>[vector<16xi32>], vector<16xf32>,
          tpu.vector_store_idx %arg12[%add3A_561], %gather3A_562 : memref<6400xf32, #tpu.memory_space<vmem>>[vector<16xi32>], vector<16xf32>,
          %scan3A_563 = arith.constant 0 : i32
          %scan3A_564 = arith.constant 2 : i32
          %scan3A_565 = arith.addi %scan3A_546, %scan3A_564 : i32
          %mul3A_566 = arith.constant 16 : i32
          %mul3A_567 = arith.muli %scan3A_565, %mul3A_566 : i32
          %get3A_568 = arith.index_cast %mul3A_567 : i32 to index
          %get3A_569 = tpu.vector_load %arg11[%get3A_568] {strides = array<i32>} : memref<6400xi32, #tpu.memory_space<vmem>>, vector<16xi32>,
          %add3A_570 = vector.broadcast %scan3A_565 : i32 to vector<16xi32>
          %add3A_571 = arith.addi %mul3A_3, %add3A_570 : vector<16xi32>
          %gather3A_572 = tpu.vector_load_idx %arg8[%get3A_569] : memref<50000xf32, #tpu.memory_space<vmem>>[vector<16xi32>], vector<16xf32>,
          tpu.vector_store_idx %arg12[%add3A_571], %gather3A_572 : memref<6400xf32, #tpu.memory_space<vmem>>[vector<16xi32>], vector<16xf32>,
          %scan3A_573 = arith.constant 0 : i32
          %scan3A_574 = arith.constant 3 : i32
          %scan3A_575 = arith.addi %scan3A_546, %scan3A_574 : i32
          %mul3A_576 = arith.constant 16 : i32
          %mul3A_577 = arith.muli %scan3A_575, %mul3A_576 : i32
          %get3A_578 = arith.index_cast %mul3A_577 : i32 to index
          %get3A_579 = tpu.vector_load %arg11[%get3A_578] {strides = array<i32>} : memref<6400xi32, #tpu.memory_space<vmem>>, vector<16xi32>,
          %add3A_580 = vector.broadcast %scan3A_575 : i32 to vector<16xi32>
          %add3A_581 = arith.addi %mul3A_3, %add3A_580 : vector<16xi32>
          %gather3A_582 = tpu.vector_load_idx %arg8[%get3A_579] : memref<50000xf32, #tpu.memory_space<vmem>>[vector<16xi32>], vector<16xf32>,
          tpu.vector_store_idx %arg12[%add3A_581], %gather3A_582 : memref<6400xf32, #tpu.memory_space<vmem>>[vector<16xi32>], vector<16xf32>,
          %scan3A_583 = arith.constant 0 : i32
          %scan3A_584 = arith.constant 4 : i32
          %scan3A_585 = arith.addi %scan3A_546, %scan3A_584 : i32
          %mul3A_586 = arith.constant 16 : i32
          %mul3A_587 = arith.muli %scan3A_585, %mul3A_586 : i32
          %get3A_588 = arith.index_cast %mul3A_587 : i32 to index
          %get3A_589 = tpu.vector_load %arg11[%get3A_588] {strides = array<i32>} : memref<6400xi32, #tpu.memory_space<vmem>>, vector<16xi32>,
          %add3A_590 = vector.broadcast %scan3A_585 : i32 to vector<16xi32>
          %add3A_591 = arith.addi %mul3A_3, %add3A_590 : vector<16xi32>
          %gather3A_592 = tpu.vector_load_idx %arg8[%get3A_589] : memref<50000xf32, #tpu.memory_space<vmem>>[vector<16xi32>], vector<16xf32>,
          tpu.vector_store_idx %arg12[%add3A_591], %gather3A_592 : memref<6400xf32, #tpu.memory_space<vmem>>[vector<16xi32>], vector<16xf32>,
          %scan3A_593 = arith.constant 0 : i32
          %scan3A_594 = arith.constant 5 : i32
          %scan3A_595 = arith.addi %scan3A_546, %scan3A_594 : i32
          %mul3A_596 = arith.constant 16 : i32
          %mul3A_597 = arith.muli %scan3A_595, %mul3A_596 : i32
          %get3A_598 = arith.index_cast %mul3A_597 : i32 to index
          %get3A_599 = tpu.vector_load %arg11[%get3A_598] {strides = array<i32>} : memref<6400xi32, #tpu.memory_space<vmem>>, vector<16xi32>,
          %add3A_600 = vector.broadcast %scan3A_595 : i32 to vector<16xi32>
          %add3A_601 = arith.addi %mul3A_3, %add3A_600 : vector<16xi32>
          %gather3A_602 = tpu.vector_load_idx %arg8[%get3A_599] : memref<50000xf32, #tpu.memory_space<vmem>>[vector<16xi32>], vector<16xf32>,
          tpu.vector_store_idx %arg12[%add3A_601], %gather3A_602 : memref<6400xf32, #tpu.memory_space<vmem>>[vector<16xi32>], vector<16xf32>,
          %scan3A_603 = arith.constant 0 : i32
          %scan3A_604 = arith.constant 6 : i32
          %scan3A_605 = arith.addi %scan3A_546, %scan3A_604 : i32
          %mul3A_606 = arith.constant 16 : i32
          %mul3A_607 = arith.muli %scan3A_605, %mul3A_606 : i32
          %get3A_608 = arith.index_cast %mul3A_607 : i32 to index
          %get3A_609 = tpu.vector_load %arg11[%get3A_608] {strides = array<i32>} : memref<6400xi32, #tpu.memory_space<vmem>>, vector<16xi32>,
          %add3A_610 = vector.broadcast %scan3A_605 : i32 to vector<16xi32>
          %add3A_611 = arith.addi %mul3A_3, %add3A_610 : vector<16xi32>
          %gather3A_612 = tpu.vector_load_idx %arg8[%get3A_609] : memref<50000xf32, #tpu.memory_space<vmem>>[vector<16xi32>], vector<16xf32>,
          tpu.vector_store_idx %arg12[%add3A_611], %gather3A_612 : memref<6400xf32, #tpu.memory_space<vmem>>[vector<16xi32>], vector<16xf32>,
          %scan3A_613 = arith.constant 0 : i32
          %scan3A_614 = arith.constant 7 : i32
          %scan3A_615 = arith.addi %scan3A_546, %scan3A_614 : i32
          %mul3A_616 = arith.constant 16 : i32
          %mul3A_617 = arith.muli %scan3A_615, %mul3A_616 : i32
          %get3A_618 = arith.index_cast %mul3A_617 : i32 to index
          %get3A_619 = tpu.vector_load %arg11[%get3A_618] {strides = array<i32>} : memref<6400xi32, #tpu.memory_space<vmem>>, vector<16xi32>,
          %add3A_620 = vector.broadcast %scan3A_615 : i32 to vector<16xi32>
          %add3A_621 = arith.addi %mul3A_3, %add3A_620 : vector<16xi32>
          %gather3A_622 = tpu.vector_load_idx %arg8[%get3A_619] : memref<50000xf32, #tpu.memory_space<vmem>>[vector<16xi32>], vector<16xf32>,
          tpu.vector_store_idx %arg12[%add3A_621], %gather3A_622 : memref<6400xf32, #tpu.memory_space<vmem>>[vector<16xi32>], vector<16xf32>,
          %scan3A_623 = arith.constant 0 : i32
          scf.yield %scan3A_623 : i32
        }
        %scan3A_517 = arith.constant 400 : i32
        %mul3A_518 = arith.constant 6400 : i32
        %mul3A_519 = arith.muli %add3A_496, %mul3A_518 : i32
        %add3A_520 = arith.addi %add3A_429, %mul3A_519 : i32
        %dma_start3A_521 = tpu.memref_slice %arg5[%add3A_520] : memref<9600000xf32, #tpu.memory_space<hbm>> -> memref<6400xf32, #tpu.memory_space<hbm>>
        %dma_start3A_522 = tpu.memref_slice %arg5[%add3A_520] : memref<9600000xf32, #tpu.memory_space<hbm>> -> memref<6400xf32, #tpu.memory_space<hbm>>
        tpu.enqueue_dma source(%arg12 : memref<6400xf32, #tpu.memory_space<vmem>>) target(%dma_start3A_522 : memref<6400xf32, #tpu.memory_space<hbm>>) target_semaphore(%arg17 : memref<!tpu.dma_semaphore, #tpu.memory_space<semaphore_mem>>)
        %ge3A_523 = arith.constant 1 : i32
        %ge3A_524 = arith.cmpi sge, %add3A_496, %ge3A_523 : i32
        %convert_element_type3A_525 = arith.extui %ge3A_524 : i1 to i32
        %cond3A_526 = arith.constant 0 : i32
        %cond3A_527 = arith.cmpi ne, %convert_element_type3A_525, %cond3A_526 : i32
        scf.if %cond3A_527 {
          %dma_wait3A_546 = arith.constant 0 : i32
          %dma_wait3A_547 = tpu.memref_slice %arg5[%dma_wait3A_546] : memref<9600000xf32, #tpu.memory_space<hbm>> -> memref<6400xf32, #tpu.memory_space<hbm>>
          %dma_wait3A_548 = arith.constant 0 : i32
          %dma_wait3A_549 = tpu.memref_slice %arg5[%dma_wait3A_548] : memref<9600000xf32, #tpu.memory_space<hbm>> -> memref<6400xf32, #tpu.memory_space<hbm>>
          tpu.wait_dma2 semaphore(%arg18 : memref<!tpu.dma_semaphore, #tpu.memory_space<semaphore_mem>>) src(%dma_wait3A_549 : memref<6400xf32, #tpu.memory_space<hbm>>) dst(%arg13 : memref<6400xf32, #tpu.memory_space<vmem>>)
        } else {
        }
        %scan3A_528 = arith.constant 0 : i32
        %scan3A_529 = arith.constant 0 : i32
        %scan3A_530 = arith.constant 400 : i32
        %scan3A_531 = arith.addi %scan3A_529, %scan3A_530 : i32
        %scan3A_532 = arith.constant 8 : i32
        %scan3A_533 = scf.for %scan3A_546 = %scan3A_529 to %scan3A_531 step %scan3A_532 iter_args(%scan3A_547 = %scan3A_528) -> (i32)  : i32 {
          %mul3A_548 = arith.constant 16 : i32
          %mul3A_549 = arith.muli %scan3A_546, %mul3A_548 : i32
          %get3A = arith.index_cast %mul3A_549 : i32 to index
          %get3A_550 = tpu.vector_load %arg11[%get3A] {strides = array<i32>} : memref<6400xi32, #tpu.memory_space<vmem>>, vector<16xi32>,
          %add3A_551 = vector.broadcast %scan3A_546 : i32 to vector<16xi32>
          %add3A_552 = arith.addi %mul3A_3, %add3A_551 : vector<16xi32>
          %gather3A = tpu.vector_load_idx %arg9[%get3A_550] : memref<50000xf32, #tpu.memory_space<vmem>>[vector<16xi32>], vector<16xf32>,
          tpu.vector_store_idx %arg13[%add3A_552], %gather3A : memref<6400xf32, #tpu.memory_space<vmem>>[vector<16xi32>], vector<16xf32>,
          %scan3A_553 = arith.constant 0 : i32
          %scan3A_554 = arith.constant 1 : i32
          %scan3A_555 = arith.addi %scan3A_546, %scan3A_554 : i32
          %mul3A_556 = arith.constant 16 : i32
          %mul3A_557 = arith.muli %scan3A_555, %mul3A_556 : i32
          %get3A_558 = arith.index_cast %mul3A_557 : i32 to index
          %get3A_559 = tpu.vector_load %arg11[%get3A_558] {strides = array<i32>} : memref<6400xi32, #tpu.memory_space<vmem>>, vector<16xi32>,
          %add3A_560 = vector.broadcast %scan3A_555 : i32 to vector<16xi32>
          %add3A_561 = arith.addi %mul3A_3, %add3A_560 : vector<16xi32>
          %gather3A_562 = tpu.vector_load_idx %arg9[%get3A_559] : memref<50000xf32, #tpu.memory_space<vmem>>[vector<16xi32>], vector<16xf32>,
          tpu.vector_store_idx %arg13[%add3A_561], %gather3A_562 : memref<6400xf32, #tpu.memory_space<vmem>>[vector<16xi32>], vector<16xf32>,
          %scan3A_563 = arith.constant 0 : i32
          %scan3A_564 = arith.constant 2 : i32
          %scan3A_565 = arith.addi %scan3A_546, %scan3A_564 : i32
          %mul3A_566 = arith.constant 16 : i32
          %mul3A_567 = arith.muli %scan3A_565, %mul3A_566 : i32
          %get3A_568 = arith.index_cast %mul3A_567 : i32 to index
          %get3A_569 = tpu.vector_load %arg11[%get3A_568] {strides = array<i32>} : memref<6400xi32, #tpu.memory_space<vmem>>, vector<16xi32>,
          %add3A_570 = vector.broadcast %scan3A_565 : i32 to vector<16xi32>
          %add3A_571 = arith.addi %mul3A_3, %add3A_570 : vector<16xi32>
          %gather3A_572 = tpu.vector_load_idx %arg9[%get3A_569] : memref<50000xf32, #tpu.memory_space<vmem>>[vector<16xi32>], vector<16xf32>,
          tpu.vector_store_idx %arg13[%add3A_571], %gather3A_572 : memref<6400xf32, #tpu.memory_space<vmem>>[vector<16xi32>], vector<16xf32>,
          %scan3A_573 = arith.constant 0 : i32
          %scan3A_574 = arith.constant 3 : i32
          %scan3A_575 = arith.addi %scan3A_546, %scan3A_574 : i32
          %mul3A_576 = arith.constant 16 : i32
          %mul3A_577 = arith.muli %scan3A_575, %mul3A_576 : i32
          %get3A_578 = arith.index_cast %mul3A_577 : i32 to index
          %get3A_579 = tpu.vector_load %arg11[%get3A_578] {strides = array<i32>} : memref<6400xi32, #tpu.memory_space<vmem>>, vector<16xi32>,
          %add3A_580 = vector.broadcast %scan3A_575 : i32 to vector<16xi32>
          %add3A_581 = arith.addi %mul3A_3, %add3A_580 : vector<16xi32>
          %gather3A_582 = tpu.vector_load_idx %arg9[%get3A_579] : memref<50000xf32, #tpu.memory_space<vmem>>[vector<16xi32>], vector<16xf32>,
          tpu.vector_store_idx %arg13[%add3A_581], %gather3A_582 : memref<6400xf32, #tpu.memory_space<vmem>>[vector<16xi32>], vector<16xf32>,
          %scan3A_583 = arith.constant 0 : i32
          %scan3A_584 = arith.constant 4 : i32
          %scan3A_585 = arith.addi %scan3A_546, %scan3A_584 : i32
          %mul3A_586 = arith.constant 16 : i32
          %mul3A_587 = arith.muli %scan3A_585, %mul3A_586 : i32
          %get3A_588 = arith.index_cast %mul3A_587 : i32 to index
          %get3A_589 = tpu.vector_load %arg11[%get3A_588] {strides = array<i32>} : memref<6400xi32, #tpu.memory_space<vmem>>, vector<16xi32>,
          %add3A_590 = vector.broadcast %scan3A_585 : i32 to vector<16xi32>
          %add3A_591 = arith.addi %mul3A_3, %add3A_590 : vector<16xi32>
          %gather3A_592 = tpu.vector_load_idx %arg9[%get3A_589] : memref<50000xf32, #tpu.memory_space<vmem>>[vector<16xi32>], vector<16xf32>,
          tpu.vector_store_idx %arg13[%add3A_591], %gather3A_592 : memref<6400xf32, #tpu.memory_space<vmem>>[vector<16xi32>], vector<16xf32>,
          %scan3A_593 = arith.constant 0 : i32
          %scan3A_594 = arith.constant 5 : i32
          %scan3A_595 = arith.addi %scan3A_546, %scan3A_594 : i32
          %mul3A_596 = arith.constant 16 : i32
          %mul3A_597 = arith.muli %scan3A_595, %mul3A_596 : i32
          %get3A_598 = arith.index_cast %mul3A_597 : i32 to index
          %get3A_599 = tpu.vector_load %arg11[%get3A_598] {strides = array<i32>} : memref<6400xi32, #tpu.memory_space<vmem>>, vector<16xi32>,
          %add3A_600 = vector.broadcast %scan3A_595 : i32 to vector<16xi32>
          %add3A_601 = arith.addi %mul3A_3, %add3A_600 : vector<16xi32>
          %gather3A_602 = tpu.vector_load_idx %arg9[%get3A_599] : memref<50000xf32, #tpu.memory_space<vmem>>[vector<16xi32>], vector<16xf32>,
          tpu.vector_store_idx %arg13[%add3A_601], %gather3A_602 : memref<6400xf32, #tpu.memory_space<vmem>>[vector<16xi32>], vector<16xf32>,
          %scan3A_603 = arith.constant 0 : i32
          %scan3A_604 = arith.constant 6 : i32
          %scan3A_605 = arith.addi %scan3A_546, %scan3A_604 : i32
          %mul3A_606 = arith.constant 16 : i32
          %mul3A_607 = arith.muli %scan3A_605, %mul3A_606 : i32
          %get3A_608 = arith.index_cast %mul3A_607 : i32 to index
          %get3A_609 = tpu.vector_load %arg11[%get3A_608] {strides = array<i32>} : memref<6400xi32, #tpu.memory_space<vmem>>, vector<16xi32>,
          %add3A_610 = vector.broadcast %scan3A_605 : i32 to vector<16xi32>
          %add3A_611 = arith.addi %mul3A_3, %add3A_610 : vector<16xi32>
          %gather3A_612 = tpu.vector_load_idx %arg9[%get3A_609] : memref<50000xf32, #tpu.memory_space<vmem>>[vector<16xi32>], vector<16xf32>,
          tpu.vector_store_idx %arg13[%add3A_611], %gather3A_612 : memref<6400xf32, #tpu.memory_space<vmem>>[vector<16xi32>], vector<16xf32>,
          %scan3A_613 = arith.constant 0 : i32
          %scan3A_614 = arith.constant 7 : i32
          %scan3A_615 = arith.addi %scan3A_546, %scan3A_614 : i32
          %mul3A_616 = arith.constant 16 : i32
          %mul3A_617 = arith.muli %scan3A_615, %mul3A_616 : i32
          %get3A_618 = arith.index_cast %mul3A_617 : i32 to index
          %get3A_619 = tpu.vector_load %arg11[%get3A_618] {strides = array<i32>} : memref<6400xi32, #tpu.memory_space<vmem>>, vector<16xi32>,
          %add3A_620 = vector.broadcast %scan3A_615 : i32 to vector<16xi32>
          %add3A_621 = arith.addi %mul3A_3, %add3A_620 : vector<16xi32>
          %gather3A_622 = tpu.vector_load_idx %arg9[%get3A_619] : memref<50000xf32, #tpu.memory_space<vmem>>[vector<16xi32>], vector<16xf32>,
          tpu.vector_store_idx %arg13[%add3A_621], %gather3A_622 : memref<6400xf32, #tpu.memory_space<vmem>>[vector<16xi32>], vector<16xf32>,
          %scan3A_623 = arith.constant 0 : i32
          scf.yield %scan3A_623 : i32
        }
        %scan3A_534 = arith.constant 400 : i32
        %mul3A_535 = arith.constant 6400 : i32
        %mul3A_536 = arith.muli %add3A_496, %mul3A_535 : i32
        %add3A_537 = arith.addi %add3A_429, %mul3A_536 : i32
        %dma_start3A_538 = tpu.memref_slice %arg6[%add3A_537] : memref<9600000xf32, #tpu.memory_space<hbm>> -> memref<6400xf32, #tpu.memory_space<hbm>>
        %dma_start3A_539 = tpu.memref_slice %arg6[%add3A_537] : memref<9600000xf32, #tpu.memory_space<hbm>> -> memref<6400xf32, #tpu.memory_space<hbm>>
        tpu.enqueue_dma source(%arg13 : memref<6400xf32, #tpu.memory_space<vmem>>) target(%dma_start3A_539 : memref<6400xf32, #tpu.memory_space<hbm>>) target_semaphore(%arg18 : memref<!tpu.dma_semaphore, #tpu.memory_space<semaphore_mem>>)
        %add3A_540 = arith.constant 2 : i32
        %add3A_541 = arith.addi %add3A_496, %add3A_540 : i32
        %lt3A_542 = arith.cmpi slt, %add3A_541, %min3A_395 : i32
        %convert_element_type3A_543 = arith.extui %lt3A_542 : i1 to i32
        %cond3A_544 = arith.constant 0 : i32
        %cond3A_545 = arith.cmpi ne, %convert_element_type3A_543, %cond3A_544 : i32
        scf.if %cond3A_545 {
          %add3A_546 = arith.constant 2 : i32
          %add3A_547 = arith.addi %add3A_496, %add3A_546 : i32
          %mul3A_548 = arith.constant 6400 : i32
          %mul3A_549 = arith.muli %add3A_547, %mul3A_548 : i32
          %add3A_550 = arith.addi %add3A_424, %mul3A_549 : i32
          %dma_start3A_551 = tpu.memref_slice %arg3[%add3A_550] : memref<3200000xi32, #tpu.memory_space<hbm>> -> memref<6400xi32, #tpu.memory_space<hbm>>
          %dma_start3A_552 = tpu.memref_slice %arg3[%add3A_550] : memref<3200000xi32, #tpu.memory_space<hbm>> -> memref<6400xi32, #tpu.memory_space<hbm>>
          tpu.enqueue_dma source(%dma_start3A_552 : memref<6400xi32, #tpu.memory_space<hbm>>) target(%arg11 : memref<6400xi32, #tpu.memory_space<vmem>>) target_semaphore(%arg16 : memref<!tpu.dma_semaphore, #tpu.memory_space<semaphore_mem>>)
        } else {
        }
      } else {
      }
      %scan3A_501 = arith.constant 0 : i32
      scf.yield %scan3A_501 : i32
    }
    %scan3A_474 = arith.constant 8 : i32
    %dma_wait3A_475 = arith.constant 0 : i32
    %dma_wait3A_476 = tpu.memref_slice %arg5[%dma_wait3A_475] : memref<9600000xf32, #tpu.memory_space<hbm>> -> memref<6400xf32, #tpu.memory_space<hbm>>
    %dma_wait3A_477 = arith.constant 0 : i32
    %dma_wait3A_478 = tpu.memref_slice %arg5[%dma_wait3A_477] : memref<9600000xf32, #tpu.memory_space<hbm>> -> memref<6400xf32, #tpu.memory_space<hbm>>
    tpu.wait_dma2 semaphore(%arg17 : memref<!tpu.dma_semaphore, #tpu.memory_space<semaphore_mem>>) src(%dma_wait3A_478 : memref<6400xf32, #tpu.memory_space<hbm>>) dst(%arg12 : memref<6400xf32, #tpu.memory_space<vmem>>)
    %dma_wait3A_479 = arith.constant 0 : i32
    %dma_wait3A_480 = tpu.memref_slice %arg5[%dma_wait3A_479] : memref<9600000xf32, #tpu.memory_space<hbm>> -> memref<6400xf32, #tpu.memory_space<hbm>>
    %dma_wait3A_481 = arith.constant 0 : i32
    %dma_wait3A_482 = tpu.memref_slice %arg5[%dma_wait3A_481] : memref<9600000xf32, #tpu.memory_space<hbm>> -> memref<6400xf32, #tpu.memory_space<hbm>>
    tpu.wait_dma2 semaphore(%arg18 : memref<!tpu.dma_semaphore, #tpu.memory_space<semaphore_mem>>) src(%dma_wait3A_482 : memref<6400xf32, #tpu.memory_space<hbm>>) dst(%arg13 : memref<6400xf32, #tpu.memory_space<vmem>>)
    return
  }
}

</mosaic_0001>

<sc_bundles>
// kernel: _sc_gather.3.cloned.1.call-start
scs
__scs_entry_jumppad:
0x0: {  	(pc) =	sbr.rel $0x88, $3  }
0x1: {  	(tag) =	ssettag $0x0;
	lr =	simm.s32 $0x1  }
0x2: {  	[smem:$0x3F9E] =	sst lr;
	_ =	strace $0xD0000000  }
0x3: {  	_ = 	snop  }
0x4: {  	_ = 	snop  }
0x5: {  	_ = 	snop  }
0x6: {  	_ = 	snop  }
0x7: {  	_ = 	snop  }
__scs_overlays_trampoline_lowered:
0x8: {  	[smem:$0x3FAD] =	sst s0  }
0x9: {  	[smem:$0x3FAE] =	sst s1  }
0xa: {  	[smem:$0x3FAF] =	sst s2  }
0xb: {  	[smem:$0x3FB0] =	sst s3  }
0xc: {  	[smem:$0x3FB1] =	sst s4  }
0xd: {  	[smem:$0x3FB2] =	sst s5  }
0xe: {  	[smem:$0x3FB3] =	sst s6  }
0xf: {  	[smem:$0x3FB4] =	sst s7  }
0x10: {  	[smem:$0x3FB5] =	sst s8  }
0x11: {  	[smem:$0x3FB6] =	sst s9;
	s0 =	simm.s32 @!p0 $0x0  }
0x12: {  	s1 =	sld [smem:$0x3F9C];
	s0 =	simm.s32 @p0 $0x1  }
0x13: {  	[smem:$0x3FB7] =	sst s0;
	s0 =	simm.s32 @!p1 $0x0  }
0x14: {  	s2 =	sld [smem:$0x3F9B];
	s0 =	simm.s32 @p1 $0x1  }
0x15: {  	[smem:$0x3FB8] =	sst s0;
	s0 =	simm.s32 @!p2 $0x0  }
0x16: {  	s3 =	sld [smem:$0x3FDB];
	s0 =	simm.s32 @p2 $0x1  }
0x17: {  	s4 =	simm.s32 $0x1BF5;
	[smem:$0x3FBA] =	sst s0  }
0x18: {  	s0 =	sld [smem:$0x3F9D];
	_ =	swait.ge [sflag:s4], $0x0  }
0x19: {  	s7 =	sld [smem:$0x3F9E]  }
0x1a: {  	s8 =	sadd.s32 $0xFFFFE003, lr  }
0x1b: {  	s9 =	sadd.s32 $0xFFFFFEF7, lr;
	s5 =	simm.s32 $0xFFFFFFFF;
	p2 =	slt.u32 s8, $0xFFFFF086  }
0x1c: {  	p1 =	slt.u32 s9, $0xF7A;
	s5 =	simm.s32 @!p2 $0x0  }
0x1d: {  	s5 =	simm.s32 @p1 $0x1;
	p0 =	seq.s32 s7, s2  }
0x1e: {  	s7 =	smul.u32 @!p0 $0xF7A, s2;
	p2 =	seq.s32 @!p0 s5, $0x0  }
0x1f: {  	s9 =	smul.u32 $0xF7A, s1;
	s8 =	simm.s32 @!p0 $0x1BF5;
	p2 =	por !p2, p0  }
0x20: {  	[sflag:s8] =	ssyncset.s32 @!p0 $0xFFFFF086;
	s6 =	sadd.s32 @!p0 s3, s7;
	s7 =	simm.s32 @!p0 $0x108  }
0x21: {  	s3 =	sadd.s32 s3, s9;
	s6 =	sadd.s32 @!p0 $0x88, s6;
	s7 =	simm.s32 @p2 $0x1082  }
0x22: {  	[simem:s7], [sflag:s8] =	dma.local @!p0 [hbm:s6], $0xF7A  }
0x23: {  	s9 =	sor.u32 $0xD0000000, s2;
	s6 =	simm.s32 $0x108;
	_ =	swait.ge @!p0 [sflag:s8], $0x0  }
0x24: {  	s3 =	sadd.s32 $0x88, s3;
	s6 =	simm.s32 @!p1 $0x1082;
	[sflag:s4] =	ssyncset.s32 $0xFFFFF086  }
0x25: {  	[simem:s6], [sflag:s4] =	dma.local [hbm:s3], $0xF7A  }
0x26: {  	[smem:$0x3F9E] =	sst s1;
	(tag) =	ssettag s2;
	_ =	strace s9  }
0x27: {  	s1 =	sld [smem:$0x3FAE]  }
0x28: {  	s2 =	sld [smem:$0x3FAF]  }
0x29: {  	s4 =	sld [smem:$0x3FB1]  }
0x2a: {  	p0 =	seq.s32 s5, $0x0;
	s5 =	sld [smem:$0x3FB2]  }
0x2b: {  	s6 =	sld [smem:$0x3FB3]  }
0x2c: {  	s7 =	sld [smem:$0x3FB4]  }
0x2d: {  	s3 =	simm.s32 $0x108;
	s8 =	sld [smem:$0x3FB5]  }
0x2e: {  	s3 =	simm.s32 @!p0 $0x1082;
	s9 =	sld [smem:$0x3FB6]  }
0x2f: {  	lr =	sadd.s32 s0, s3;
	s0 =	sld [smem:$0x3FAD]  }
0x30: {  	s3 =	sld [smem:$0x3FB0]  }
0x31: {  	[smem:$0x3FB9] =	sst s10  }
0x32: {  	s10 =	sld [smem:$0x3FB7];
	_ =	sdelay $0x3  }
0x33: {  	p0 =	seq.s32 s10, $0x1;
	s10 =	sld [smem:$0x3FB9];
	_ =	sdelay $0x3  }
0x34: {  	[smem:$0x3FB9] =	sst s10  }
0x35: {  	s10 =	sld [smem:$0x3FB8];
	_ =	sdelay $0x3  }
0x36: {  	p1 =	seq.s32 s10, $0x1;
	s10 =	sld [smem:$0x3FB9];
	_ =	sdelay $0x3  }
0x37: {  	[smem:$0x3FB9] =	sst s10  }
0x38: {  	s10 =	sld [smem:$0x3FBA]  }
0x39: {  	_ = 	snop;
	(pc) =	sbr.ind lr, $3  }
0x3a: {  	_ = 	snop  }
0x3b: {  	_ = 	snop  }
0x3c: {  	p2 =	seq.s32 s10, $0x1;
	s10 =	sld [smem:$0x3FB9]  }
0x3d: {  	_ =	shalt  }
0x3e: {  	_ =	shalt  }
0x3f: {  	_ =	shalt  }
0x40: {  	_ =	shalt  }
0x41: {  	_ =	shalt  }
0x42: {  	_ =	shalt  }
0x43: {  	_ =	shalt  }
0x44: {  	_ =	shalt  }
0x45: {  	_ =	shalt  }
0x46: {  	_ =	shalt  }
0x47: {  	_ =	shalt  }
0x48: {  	_ =	shalt  }
0x49: {  	_ =	shalt  }
0x4a: {  	_ =	shalt  }
0x4b: {  	_ =	shalt  }
0x4c: {  	_ =	shalt  }
0x4d: {  	_ =	shalt  }
0x4e: {  	_ =	shalt  }
0x4f: {  	_ =	shalt  }
0x50: {  	_ =	shalt  }
0x51: {  	_ =	shalt  }
0x52: {  	_ =	shalt  }
0x53: {  	_ =	shalt  }
0x54: {  	_ =	shalt  }
0x55: {  	_ =	shalt  }
0x56: {  	_ =	shalt  }
0x57: {  	_ =	shalt  }
0x58: {  	_ =	shalt  }
0x59: {  	_ =	shalt  }
0x5a: {  	_ =	shalt  }
0x5b: {  	_ =	shalt  }
0x5c: {  	_ =	shalt  }
0x5d: {  	_ =	shalt  }
0x5e: {  	_ =	shalt  }
0x5f: {  	_ =	shalt  }
0x60: {  	_ =	shalt  }
0x61: {  	_ =	shalt  }
0x62: {  	_ =	shalt  }
0x63: {  	_ =	shalt  }
0x64: {  	_ =	shalt  }
0x65: {  	_ =	shalt  }
0x66: {  	_ =	shalt  }
0x67: {  	_ =	shalt  }
0x68: {  	_ =	shalt  }
0x69: {  	_ =	shalt  }
0x6a: {  	_ =	shalt  }
0x6b: {  	_ =	shalt  }
0x6c: {  	_ =	shalt  }
0x6d: {  	_ =	shalt  }
0x6e: {  	_ =	shalt  }
0x6f: {  	_ =	shalt  }
0x70: {  	_ =	shalt  }
0x71: {  	_ =	shalt  }
0x72: {  	_ =	shalt  }
0x73: {  	_ =	shalt  }
0x74: {  	_ =	shalt  }
0x75: {  	_ =	shalt  }
0x76: {  	_ =	shalt  }
0x77: {  	_ =	shalt  }
0x78: {  	_ =	shalt  }
0x79: {  	_ =	shalt  }
0x7a: {  	_ =	shalt  }
0x7b: {  	_ =	shalt  }
0x7c: {  	_ =	shalt  }
0x7d: {  	_ =	shalt  }
0x7e: {  	_ =	shalt  }
0x7f: {  	_ =	shalt  }
0x80: {  	_ =	shalt  }
0x81: {  	_ =	shalt  }
0x82: {  	_ =	shalt  }
0x83: {  	_ =	shalt  }
0x84: {  	_ =	shalt  }
0x85: {  	_ =	shalt  }
0x86: {  	_ =	shalt  }
0x87: {  	_ =	shalt  }
.Lfunc_end0:
.L_simem_size_0:
called_computation_lowered:
.L_overlay_start_0:
0x88: {  	s2 =	sld [smem:$0x3FD9]  }
0x89: {  	s3 =	sld [smem:$0x3FFE];
	_ =	sdelay $0x1  }
0x8a: {  	s1 =	srdreg.scid  }
0x8b: {  	s0 =	sand.u32 $0x1, s1  }
0x8c: {  	s15 =	sshll.u32 s0, $0xA;
	s2 =	sadd.s32 s3, s2  }
0x8d: {  	s2 =	sadd.s32 s2, s15  }
0x8e: {  	[smem:$0x3FC5] =	sst s2  }
0x8f: {  	_ = 	snop  }
0x90: {  	s2 =	sld [smem:$0x3FD0]  }
0x91: {  	s16 =	sld [smem:$0x3FC9]  }
0x92: {  	s4 =	sld [smem:$0x3FC8]  }
0x93: {  	s6 =	simm.s32 $0xA;
	s7 =	simm.s32 $0x10;
	s5 =	sld [smem:$0x3FC7]  }
0x94: {  	[smem:s7], [sflag:s6] =	dma.local [hbm:s2], $0x1  }
0x95: {  	_ =	swait.eq [sflag:s6], $0x1  }
0x96: {  	s17 =	sld [smem:$0x10];
	[sflag:s6] =	ssyncset.done $0x0  }
0x97: {  	s18 =	sld [smem:$0x11];
	[sflag:s6] =	ssyncadd.s32 $0xFFFFFFFF  }
0x98: {  	s19 =	sld [smem:$0x12];
	(tm) =	ssettm $0x1  }
0x99: {  	s8 =	sld [smem:$0x3FFB];
	_ =	sdelay $0x3  }
0x9a: {  	_ =	strace s8  }
0x9b: {  	s8 =	sld [smem:$0x3FFC];
	_ =	sdelay $0x3  }
0x9c: {  	_ =	strace s8  }
0x9d: {  	s8 =	sld [smem:$0x3FFD];
	_ =	sdelay $0x3  }
0x9e: {  	_ =	strace s8  }
0x9f: {  	_ =	strace $0x8FFFFFFF  }
0xa0: {  	s20 =	sld [smem:$0x3FDB];
	_ =	sdelay $0x1  }
0xa1: {  	s9 =	simm.s32 $_scs_section_size  }
0xa2: {  	s10 =	simm.s32 $_size__tile_overlayer_lowered;
	s11 =	simm.s32 $_tile_overlayer_lowered  }
0xa3: {  	s23 =	simm.s32 $0x1BFF;
	s22 =	sshll.u32 s11, $0x1;
	s8 =	sadd.s32 s9, s20  }
0xa4: {  	s12 =	simm.s32 $0x0;
	s21 =	sshll.u32 s10, $0x1;
	s10 =	sadd.s32 s22, s8  }
0xa5: {  	[timem:s12], [sflag:s23] =	dma.local [hbm:s10], s21  }
0xa6: {  	_ =	swait.ge [sflag:s23], s21  }
0xa7: {  	s9 =	ssub.s32 $0x0, s21;
	[sflag:s23] =	ssyncset.done $0x0  }
0xa8: {  	[sflag:s23] =	ssyncadd.s32 s9;
	_ =	sdelay $0x1  }
0xa9: {  	s24 =	simm.s32 $0x1B8B  }
0xaa: {  	_ =	swait.ge [sflag:s24], $0x1  }
0xab: {  	[sflag:s24] =	ssyncset.done $0x0  }
0xac: {  	s25 =	simm.s32 $0x1B8E;
	[sflag:s24] =	ssyncadd.s32 $0xFFFFFFFF  }
0xad: {  	s26 =	simm.s32 $execute0_lowered;
	[smem:$0x3FD2] =	sst s25  }
0xae: {  	s9 =	sshll.u32 s26, $0x1;
	_ =	strace $0x80000046;
	[dreg:$0x1] =	wrdreg $0xFFFFFFFF  }
0xaf: {  	s28 =	simm.s32 $_size_execute0_lowered;
	s8 =	sadd.s32 s8, s9;
	[dreg:$0x0] =	wrdreg $0x0  }
0xb0: {  	s9 =	sshll.u32 s28, $0x1;
	[dreg:$0x2] =	wrdreg s8  }
0xb1: {  	[dreg:$0x3] =	wrdreg s9  }
0xb2: {  	[dreg:$0x4] =	wrdreg $0xC0  }
0xb3: {  	_ =	task [dreg:s12], $0x5FFFF  }
0xb4: {  	[dreg:$0x1] =	wrdreg $0xFFFFFFFF  }
0xb5: {  	[dreg:$0x0] =	wrdreg $0x60  }
0xb6: {  	[dreg:$0x2] =	wrdreg s16  }
0xb7: {  	[dreg:$0x3] =	wrdreg s4  }
0xb8: {  	[dreg:$0x4] =	wrdreg s5  }
0xb9: {  	[dreg:$0x5] =	wrdreg s17  }
0xba: {  	[dreg:$0x6] =	wrdreg s18  }
0xbb: {  	[dreg:$0x7] =	wrdreg s19  }
0xbc: {  	[dreg:$0x8] =	wrdreg $0x9  }
0xbd: {  	_ =	task.clear_ibuf [dreg:s12], $0x9FFFF;
	_ =	strace $0x90000046  }
0xbe: {  	s29 =	simm.s32 $0x9;
	_ =	strace $0x80000048  }
0xbf: {  	_ =	swait.ge [sflag:s29], $0x1  }
0xc0: {  	[sflag:s29] =	ssyncadd.s32 $0xFFFFFFFF  }
0xc1: {  	_ =	strace $0x90000048  }
0xc2: {  	_ =	sfence  }
0xc3: {  	s30 =	sld [smem:$0x0];
	_ =	sdelay $0x2  }
0xc4: {  	s31 =	sshll.u32 s1, $0xD;
	s1 =	sshrl.u32 s1, $0x2  }
0xc5: {  	s3 =	sand.u32 $0x4000, s31;
	s1 =	sadd.s32 s1, s30  }
0xc6: {  	s0 =	sor.u32 s3, s0;
	s1 =	sshll.u32 s1, $0x11  }
0xc7: {  	s0 =	sor.u32 s1, s0  }
0xc8: {  	s0 =	sadd.s32 $0x8F2B, s0  }
0xc9: {  	[sflag:s0] =	ssyncadd.remote.s32 $0x1  }
0xca: {  	_ =	sfence.sel $0xFFFF  }
0xcb: {  	[dreg:$0x0] =	wrdreg $0xFFFFFFFF;
	(pc) =	sbr.abs _section_cstart, $3  }
0xcc: {  	[dreg:$0x1] =	wrdreg $0xFFFFFFFF  }
0xcd: {  	_ =	task.clear_ibuf [dreg:s12], $0x2FFFF;
	_ =	strace $0x9FFFFFFF  }
0xce: {  	(tm) =	ssettm $0x7FFFFFFF  }
0xcf: {  	_ =	shalt  }
tec
execute0_lowered:
.L_overlay_start_1:
0x0: {  	(tag) =	ssettag $0x1  }
0x1: {  	s0 =	srdreg.scid;
	s4 =	rddreg [dreg:$0x0]  }
0x2: {  	s1 =	stileid.u32;
	s2 =	simm.s32 $0x1;
	s5 =	rddreg [dreg:$0x4]  }
0x3: {  	s30 =	simm.s32 $0x18700;
	s29 =	simm.s32 $0x3;
	s7 =	sand.u32 $0x1, s0  }
0x4: {  	s31 =	simm.s32 $0x4;
	s0 =	sshll.u32 s7, $0x4;
	s7 =	ssub.s32 $0x2, s7  }
0x5: {  	s8 =	sor.u32 s1, s0;
	s0 =	sand.u32 $0x7, s1;
	s1 =	rddreg [dreg:$0x1]  }
0x6: {  	s20 =	sshrl.u32 s7, $0x1;
	p0 =	seq.s32 s8, $0x0;
	s9 =	smul.u32 $0x3, s8  }
0x7: {  	p1 =	sne.s32 s0, $0x0;
	s6 =	sshrl.u32 s8, $0x3;
	s12 =	smul.u32 $0x19000, s0  }
0x8: {  	s8 =	smul.u32 $0x201, s8;
	s7 =	ssub.s32 s7, s20;
	s0 =	sshll.u32 s0, $0x4  }
0x9: {  	p0 =	por !p1, !p0;
	s13 =	smul.u32 $0xC3500, s6;
	s15 =	sshrl.u32 s9, $0x3  }
0xa: {  	s0 =	sxor.u32 $0x7D, s0;
	s17 =	sand.u32 $0x7, s9;
	s10 =	smul.u32 $0x30D4, s15  }
0xb: {  	p0 =	por !p0, !p0;
	s8 =	sadd.s32 $0xAB, s8;
	s14 =	smul.u32 $0x19000, s17  }
0xc: {  	s18 =	sadd.s32 $0x2, s9;
	s9 =	sadd.s32 $0x1, s9;
	s16 =	smul.u32 $0xC3500, s15  }
0xd: {  	s2 =	simm.s32 @!p0 $0x0;
	s8 =	sshrl.u32 s8, $0xC;
	s19 =	smul.u32 $0xAB, s18  }
0xe: {  	s21 =	sand.u32 $0x7, s9;
	s23 =	sshrl.u32 s9, $0x3;
	s22 =	smul.u32 $0xC3500, s8  }
0xf: {  	s20 =	sand.u32 $0x7, s18;
	s18 =	sshrl.u32 s18, $0x3;
	s24 =	smul.u32 $0x19000, s21  }
0x10: {  	s3 =	ssub.s32 s6, s2;
	s2 =	rddreg [dreg:$0x2];
	s26 =	smul.u32 $0x19000, s20  }
0x11: {  	s6 =	rddreg [dreg:$0x5];
	s11 =	smul.u32 $0xC3500, s3;
	s9 =	sshrl.u32 s19, $0xC  }
0x12: {  	s19 =	smul.u32 $0xC3500, s23;
	s10 =	sadd.s32 s4, s10;
	s8 =	sand.u32 $0xF, s9  }
0x13: {  	[dreg:$0x7] =	wrdreg s10;
	s10 =	sadd.s32 s14, s16;
	s16 =	smul.u32 $0xC3500, s18  }
0x14: {  	p0 =	seq.s32 s23, s15;
	p1 =	seq.s32 s18, s23;
	s25 =	smul.u32 $0xC3500, s8  }
0x15: {  	s8 =	sadd.s32 s12, s11;
	s12 =	sadd.s32 s24, s19;
	s19 =	smul.u32 $0x186A0, s15  }
0x16: {  	s3 =	rddreg [dreg:$0x3];
	s11 =	sadd.s32 s24, s22;
	s22 =	smul.u32 $0x30D4, s23  }
0x17: {  	s9 =	sadd.s32 s13, s14;
	s24 =	smul.u32 $0x186A0, s23;
	s14 =	sadd.s32 s26, s16  }
0x18: {  	s13 =	sadd.s32 s26, s25;
	s16 =	sshrl.u32 s19, $0x3;
	s26 =	smul.u32 $0x186A0, s18  }
0x19: {  	s19 =	sadd.s32 s4, s22;
	s15 =	sshrl.u32 s24, $0x3;
	s18 =	smul.u32 $0x30D4, s18  }
0x1a: {  	s25 =	sadd.s32 s4, s16;
	[dreg:$0x8] =	wrdreg s19;
	s15 =	sadd.s32 s4, s15  }
0x1b: {  	s16 =	simm.s32 $0x0;
	s19 =	smin.u32 s0, $0x10;
	s23 =	sshrl.u32 s26, $0x3  }
0x1c: {  	s18 =	sadd.s32 s4, s18;
	[smem:$0x7FF] =	sst s16;
	s24 =	sadd.s32 $0x186A, s25  }
0x1d: {  	s25 =	sshrl.u32 s8, $0x3;
	s26 =	sadd.s32 $0x1900, s8;
	[dreg:$0x9] =	wrdreg s18  }
0x1e: {  	s4 =	sadd.s32 s4, s23;
	s18 =	sadd.s32 s2, s25;
	s23 =	sshrl.u32 s26, $0x3  }
0x1f: {  	s25 =	sshll.u32 s21, $0x4;
	s26 =	sshrl.u32 s9, $0x3;
	s21 =	sadd.s32 $0x186A, s15  }
0x20: {  	s15 =	simm.s32 $0x0;
	_ =	strace $0x80000047;
	[dreg:$0xa] =	wrdreg s24  }
0x21: {  	[dreg:$0xb] =	wrdreg s18;
	s0 =	sadd.s32 s2, s23;
	s24 =	sshll.u32 s17, $0x4  }
0x22: {  	s17 =	sxor.u32 $0x7D, s25;
	s18 =	sadd.s32 s1, s26;
	[dreg:$0xe] =	wrdreg s21  }
0x23: {  	s23 =	sshll.u32 s20, $0x4;
	s25 =	sshrl.u32 s11, $0x3;
	s26 =	sshrl.u32 s13, $0x3  }
0x24: {  	s20 =	sadd.s32 $0x186A, s4;
	[dreg:$0xc] =	wrdreg s0;
	s0 =	sxor.u32 $0x7D, s24  }
0x25: {  	s24 =	smin.u32 s17, $0x10;
	s17 =	sadd.s32 s1, s25;
	[dreg:$0x10] =	wrdreg s20  }
0x26: {  	s21 =	sadd.s32 s1, s26;
	[dreg:$0xd] =	wrdreg s18;
	s25 =	sadd.s32 $0x320, s18  }
0x27: {  	s22 =	smin.u32 s0, $0x10;
	s0 =	sxor.u32 $0x7D, s23;
	[dreg:$0x13] =	wrdreg s25  }
.Ltmp0:
0x28: {  	s23 =	smax.u32 s7, $0x1;
	[dreg:$0xf] =	wrdreg s17;
	(pc) =	sbr.rel .LBB2_1-.Ltmp0, $4  }
0x29: {  	s26 =	sadd.s32 $0x320, s17;
	[dreg:$0x11] =	wrdreg s21;
	s17 =	simm.s32 $0xC380  }
0x2a: {  	s25 =	simm.s32 $0x1B900;
	s7 =	simm.s32 $0x5;
	[dreg:$0x12] =	wrdreg s23  }
0x2b: {  	v0 =	vlaneseq.u32;
	s28 =	smin.u32 s0, $0x10;
	[dreg:$0x14] =	wrdreg s26;
	s0 =	sadd.s32 $0x320, s21  }
0x2c: {  	v0 =	vmul.u32 $0x190, v0;
	s21 =	simm.s32 $0x2;
	[dreg:$0x15] =	wrdreg s0;
	s0 =	simm.s32 $0x1D200  }
.LBB2_53:
0x2d: {  	_ =	swait.ge [sflag:s31], $0x1900  }
0x2e: {  	[sflag:s31] =	ssyncset.done $0x0  }
0x2f: {  	[sflag:s31] =	ssyncadd.s32 $0xFFFFE700  }
0x30: {  	_ =	swait.ge [sflag:s7], $0x1900  }
0x31: {  	s15 =	rddreg [dreg:$0x16]  }
0x32: {  	s4 =	rddreg [dreg:$0x12];
	s15 =	sadd.s32 $0x1, s15  }
0x33: {  	p2 =	sne.s32 s15, s4  }
.Ltmp1:
0x34: {  	_ = 	snop;
	(pc) =	sbr.rel @!p2 .LBB2_54-.Ltmp1, $3  }
0x35: {  	_ =	sdelay $0x1  }
0x36: {  	[sflag:s7] =	ssyncset.done $0x0  }
0x37: {  	[sflag:s7] =	ssyncadd.s32 $0xFFFFE700  }
.LBB2_1:
0x38: {  	s4 =	rddreg [dreg:$0x7]  }
0x39: {  	[tilespmem:s16], [sflag:$0x1] =	stream.linear.gather [hbm4b:s4+s16], $0xC350, $0x38;
	[tilespmem:$0x1EB00] =	vst v63  }
0x3a: {  	s20 =	rddreg [dreg:$0xa]  }
0x3b: {  	[tilespmem:s17], [sflag:$0x1] =	stream.linear.gather [hbm4b:s20+s16], $0xC350, $0x38;
	[tilespmem:$0x1EB00] =	vst v63  }
.Ltmp2:
0x3c: {  	[dreg:$0x16] =	wrdreg s15;
	(pc) =	sbr.rel .LBB2_2-.Ltmp2, $4  }
0x3d: {  	s23 =	rddreg [dreg:$0xb]  }
0x3e: {  	[tilespmem:s30], [sflag:$0x2] =	stream.linear.gather [hbm4b:s23+s16], $0x1900, $0x38;
	[tilespmem:$0x1EB00] =	vst v63  }
0x3f: {  	s26 =	rddreg [dreg:$0xc];
	s30 =	simm.s32 $0x1A000;
	s23 =	simm.s32 $0x0  }
0x40: {  	[tilespmem:s30], [sflag:$0x3] =	stream.linear.gather [hbm4b:s26+s16], $0x1900, $0x38;
	[tilespmem:$0x1EB00] =	vst v63  }
.LBB2_10:
0x41: {  	s23 =	sadd.s32 $0x1, s23  }
0x42: {  	p2 =	sne.s32 s23, $0x8  }
.Ltmp3:
0x43: {  	_ = 	snop;
	(pc) =	sbr.rel @!p2 .LBB2_11-.Ltmp3, $1  }
0x44: {  	_ =	sdelay $0x3  }
.LBB2_2:
0x45: {  	s26 =	sshll.u32 s23, $0x1  }
0x46: {  	p2 =	sge.u32 s26, s19  }
.Ltmp4:
0x47: {  	_ = 	snop;
	(pc) =	sbr.rel @p2 .LBB2_6-.Ltmp4, $1  }
0x48: {  	_ =	sdelay $0x3  }
0x49: {  	_ =	swait.ge [sflag:s21], $0x1900  }
0x4a: {  	p2 =	seq.s32 s23, $0x0;
	[sflag:s21] =	ssyncset.done $0x0  }
0x4b: {  	s4 =	simm.s32 @!p2 $0x4;
	[sflag:s21] =	ssyncadd.s32 $0xFFFFE700  }
0x4c: {  	_ =	swait.ge @!p2 [sflag:s4], $0x1900  }
0x4d: {  	s30 =	smul.u32 $0x3200, s23;
	[sflag:s4] =	ssyncset.done @!p2 $0x0  }
0x4e: {  	s20 =	simm.s32 $0x0;
	s18 =	simm.s32 $0x18740;
	[sflag:s4] =	ssyncadd.s32 @!p2 $0xFFFFE700  }
0x4f: {  	v2 =	vadd.s32 s20, v0;
	s30 =	sadd.s32 s8, s30;
	s4 =	simm.s32 $0x8;
	v1 =	vld [tilespmem:s18+$0xFFFFFFC0]  }
.LBB2_4:
0x50: {  	p2 =	slt.u32 s4, $0x188;
	_ =	sdelay $0x3  }
0x51: {  	s15 =	sadd.s32 $0x1, s20;
	[tilespmem:v2+s25+$0x0] =	vst.idx.msk $0xffff, v1  }
0x52: {  	v2 =	vadd.s32 s15, v0;
	v1 =	vld [tilespmem:s18+$0xFFFFFFD0];
	_ =	sdelay $0x4  }
0x53: {  	s15 =	sadd.s32 $0x2, s20;
	[tilespmem:v2+s25+$0x0] =	vst.idx.msk $0xffff, v1  }
0x54: {  	v2 =	vadd.s32 s15, v0;
	v1 =	vld [tilespmem:s18+$0xFFFFFFE0];
	_ =	sdelay $0x4  }
0x55: {  	s15 =	sadd.s32 $0x3, s20;
	[tilespmem:v2+s25+$0x0] =	vst.idx.msk $0xffff, v1  }
0x56: {  	v2 =	vadd.s32 s15, v0;
	v1 =	vld [tilespmem:s18+$0xFFFFFFF0];
	_ =	sdelay $0x4  }
0x57: {  	s15 =	sadd.s32 $0x4, s20;
	[tilespmem:v2+s25+$0x0] =	vst.idx.msk $0xffff, v1  }
0x58: {  	v2 =	vadd.s32 s15, v0;
	v1 =	vld [tilespmem:s18+$0x0];
	_ =	sdelay $0x4  }
0x59: {  	s15 =	sadd.s32 $0x5, s20;
	[tilespmem:v2+s25+$0x0] =	vst.idx.msk $0xffff, v1  }
0x5a: {  	v2 =	vadd.s32 s15, v0;
	v1 =	vld [tilespmem:s18+$0x10];
	_ =	sdelay $0x4  }
0x5b: {  	s15 =	sadd.s32 $0x6, s20;
	[tilespmem:v2+s25+$0x0] =	vst.idx.msk $0xffff, v1  }
0x5c: {  	v2 =	vadd.s32 s15, v0;
	v1 =	vld [tilespmem:s18+$0x20];
	_ =	sdelay $0x4  }
0x5d: {  	s15 =	sadd.s32 $0x7, s20;
	s20 =	smov.u32 s4;
	[tilespmem:v2+s25+$0x0] =	vst.idx.msk $0xffff, v1  }
0x5e: {  	v2 =	vadd.s32 s15, v0;
	v1 =	vld [tilespmem:s18+$0x30];
	_ =	sdelay $0x1  }
.Ltmp5:
0x5f: {  	(pc) =	sbr.rel @p2 .LBB2_4-.Ltmp5, $3  }
0x60: {  	_ =	sdelay $0x1  }
0x61: {  	s18 =	sadd.s32 $0x80, s18;
	[tilespmem:v2+s25+$0x0] =	vst.idx.msk $0xffff, v1  }
0x62: {  	s4 =	sadd.s32 $0x8, s4;
	v2 =	vadd.s32 s20, v0;
	v1 =	vld [tilespmem:s18+$0xFFFFFFC0]  }
0x63: {  	_ =	sdelay $0x3  }
0x64: {  	s4 =	sadd.s32 $0x1, s20;
	[tilespmem:v2+s25+$0x0] =	vst.idx.msk $0xffff, v1  }
0x65: {  	v2 =	vadd.s32 s4, v0;
	v1 =	vld [tilespmem:s18+$0xFFFFFFD0];
	_ =	sdelay $0x4  }
0x66: {  	s15 =	sadd.s32 $0x2, s20;
	[tilespmem:v2+s25+$0x0] =	vst.idx.msk $0xffff, v1  }
0x67: {  	v2 =	vadd.s32 s15, v0;
	v1 =	vld [tilespmem:s18+$0xFFFFFFE0];
	_ =	sdelay $0x4  }
0x68: {  	s15 =	sadd.s32 $0x3, s20;
	[tilespmem:v2+s25+$0x0] =	vst.idx.msk $0xffff, v1  }
0x69: {  	v2 =	vadd.s32 s15, v0;
	v1 =	vld [tilespmem:s18+$0xFFFFFFF0];
	_ =	sdelay $0x4  }
0x6a: {  	s15 =	sadd.s32 $0x4, s20;
	[tilespmem:v2+s25+$0x0] =	vst.idx.msk $0xffff, v1  }
0x6b: {  	v2 =	vadd.s32 s15, v0;
	v1 =	vld [tilespmem:s18+$0x0];
	_ =	sdelay $0x4  }
0x6c: {  	s15 =	sadd.s32 $0x5, s20;
	[tilespmem:v2+s25+$0x0] =	vst.idx.msk $0xffff, v1  }
0x6d: {  	v2 =	vadd.s32 s15, v0;
	v1 =	vld [tilespmem:s18+$0x10];
	_ =	sdelay $0x4  }
0x6e: {  	s15 =	sadd.s32 $0x6, s20;
	[tilespmem:v2+s25+$0x0] =	vst.idx.msk $0xffff, v1  }
0x6f: {  	v2 =	vadd.s32 s15, v0;
	v1 =	vld [tilespmem:s18+$0x20];
	_ =	sdelay $0x4  }
0x70: {  	s20 =	sadd.s32 $0x7, s20;
	[tilespmem:v2+s25+$0x0] =	vst.idx.msk $0xffff, v1  }
0x71: {  	s4 =	sadd.s32 $0x2, s26;
	v2 =	vadd.s32 s20, v0;
	v1 =	vld [tilespmem:s18+$0x30]  }
0x72: {  	p2 =	sge.u32 s4, s19  }
0x73: {  	s4 =	smul.u32 @!p2 $0x1900, s4;
	_ =	sdelay $0x1  }
0x74: {  	s4 =	sadd.s32 @!p2 s8, s4;
	s15 =	sshrl.u32 s30, $0x3  }
0x75: {  	s4 =	sshrl.u32 @!p2 s4, $0x3;
	s15 =	sadd.s32 s6, s15;
	[tilespmem:v2+s25+$0x0] =	vst.idx.msk $0xffff, v1  }
0x76: {  	[hbm4b:s15+s16] =	stream.linear.scatter [tilespmem:s25], [sflag:$0x4], $0x1900, $0x38;
	[tilespmem:$0x1EB00] =	vst v63  }
0x77: {  	s4 =	sadd.s32 @!p2 s2, s4;
	s18 =	simm.s32 @!p2 $0x18700;
	s15 =	simm.s32 @!p2 $0x0  }
0x78: {  	[tilespmem:s18], [sflag:$0x2] =	stream.linear.gather @!p2 [hbm4b:s4+s15], $0x1900, $0x38;
	[tilespmem:$0x1EB00] =	vst v63  }
.LBB2_6:
0x79: {  	s30 =	sor.u32 $0x1, s26  }
0x7a: {  	p2 =	sge.u32 s30, s19  }
.Ltmp6:
0x7b: {  	_ = 	snop;
	(pc) =	sbr.rel @p2 .LBB2_10-.Ltmp6, $1  }
0x7c: {  	_ =	sdelay $0x3  }
0x7d: {  	_ =	swait.ge [sflag:s29], $0x1900  }
0x7e: {  	[sflag:s29] =	ssyncset.done $0x0  }
0x7f: {  	[sflag:s29] =	ssyncadd.s32 $0xFFFFE700  }
0x80: {  	_ =	swait.ge [sflag:s31], $0x1900  }
0x81: {  	[sflag:s31] =	ssyncset.done $0x0  }
0x82: {  	s20 =	simm.s32 $0x0;
	s18 =	simm.s32 $0x1A040;
	[sflag:s31] =	ssyncadd.s32 $0xFFFFE700  }
0x83: {  	s4 =	simm.s32 $0x8;
	v2 =	vadd.s32 s20, v0;
	v1 =	vld [tilespmem:s18+$0xFFFFFFC0]  }
.LBB2_8:
0x84: {  	p2 =	slt.u32 s4, $0x188;
	_ =	sdelay $0x3  }
0x85: {  	s15 =	sadd.s32 $0x1, s20;
	[tilespmem:v2+s25+$0x0] =	vst.idx.msk $0xffff, v1  }
0x86: {  	v2 =	vadd.s32 s15, v0;
	v1 =	vld [tilespmem:s18+$0xFFFFFFD0];
	_ =	sdelay $0x4  }
0x87: {  	s15 =	sadd.s32 $0x2, s20;
	[tilespmem:v2+s25+$0x0] =	vst.idx.msk $0xffff, v1  }
0x88: {  	v2 =	vadd.s32 s15, v0;
	v1 =	vld [tilespmem:s18+$0xFFFFFFE0];
	_ =	sdelay $0x4  }
0x89: {  	s15 =	sadd.s32 $0x3, s20;
	[tilespmem:v2+s25+$0x0] =	vst.idx.msk $0xffff, v1  }
0x8a: {  	v2 =	vadd.s32 s15, v0;
	v1 =	vld [tilespmem:s18+$0xFFFFFFF0];
	_ =	sdelay $0x4  }
0x8b: {  	s15 =	sadd.s32 $0x4, s20;
	[tilespmem:v2+s25+$0x0] =	vst.idx.msk $0xffff, v1  }
0x8c: {  	v2 =	vadd.s32 s15, v0;
	v1 =	vld [tilespmem:s18+$0x0];
	_ =	sdelay $0x4  }
0x8d: {  	s15 =	sadd.s32 $0x5, s20;
	[tilespmem:v2+s25+$0x0] =	vst.idx.msk $0xffff, v1  }
0x8e: {  	v2 =	vadd.s32 s15, v0;
	v1 =	vld [tilespmem:s18+$0x10];
	_ =	sdelay $0x4  }
0x8f: {  	s15 =	sadd.s32 $0x6, s20;
	[tilespmem:v2+s25+$0x0] =	vst.idx.msk $0xffff, v1  }
0x90: {  	v2 =	vadd.s32 s15, v0;
	v1 =	vld [tilespmem:s18+$0x20];
	_ =	sdelay $0x4  }
0x91: {  	s15 =	sadd.s32 $0x7, s20;
	s20 =	smov.u32 s4;
	[tilespmem:v2+s25+$0x0] =	vst.idx.msk $0xffff, v1  }
0x92: {  	v2 =	vadd.s32 s15, v0;
	v1 =	vld [tilespmem:s18+$0x30];
	_ =	sdelay $0x1  }
.Ltmp7:
0x93: {  	(pc) =	sbr.rel @p2 .LBB2_8-.Ltmp7, $3  }
0x94: {  	_ =	sdelay $0x1  }
0x95: {  	s18 =	sadd.s32 $0x80, s18;
	[tilespmem:v2+s25+$0x0] =	vst.idx.msk $0xffff, v1  }
0x96: {  	s4 =	sadd.s32 $0x8, s4;
	v2 =	vadd.s32 s20, v0;
	v1 =	vld [tilespmem:s18+$0xFFFFFFC0]  }
0x97: {  	_ =	sdelay $0x3  }
0x98: {  	s4 =	sadd.s32 $0x1, s20;
	[tilespmem:v2+s25+$0x0] =	vst.idx.msk $0xffff, v1  }
0x99: {  	v2 =	vadd.s32 s4, v0;
	v1 =	vld [tilespmem:s18+$0xFFFFFFD0];
	_ =	sdelay $0x4  }
0x9a: {  	s15 =	sadd.s32 $0x2, s20;
	[tilespmem:v2+s25+$0x0] =	vst.idx.msk $0xffff, v1  }
0x9b: {  	v2 =	vadd.s32 s15, v0;
	v1 =	vld [tilespmem:s18+$0xFFFFFFE0];
	_ =	sdelay $0x4  }
0x9c: {  	s15 =	sadd.s32 $0x3, s20;
	[tilespmem:v2+s25+$0x0] =	vst.idx.msk $0xffff, v1  }
0x9d: {  	v2 =	vadd.s32 s15, v0;
	v1 =	vld [tilespmem:s18+$0xFFFFFFF0];
	_ =	sdelay $0x4  }
0x9e: {  	s15 =	sadd.s32 $0x4, s20;
	[tilespmem:v2+s25+$0x0] =	vst.idx.msk $0xffff, v1  }
0x9f: {  	v2 =	vadd.s32 s15, v0;
	v1 =	vld [tilespmem:s18+$0x0];
	_ =	sdelay $0x4  }
0xa0: {  	s15 =	sadd.s32 $0x5, s20;
	[tilespmem:v2+s25+$0x0] =	vst.idx.msk $0xffff, v1  }
0xa1: {  	v2 =	vadd.s32 s15, v0;
	v1 =	vld [tilespmem:s18+$0x10];
	_ =	sdelay $0x4  }
0xa2: {  	s15 =	sadd.s32 $0x6, s20;
	[tilespmem:v2+s25+$0x0] =	vst.idx.msk $0xffff, v1  }
0xa3: {  	v2 =	vadd.s32 s15, v0;
	v1 =	vld [tilespmem:s18+$0x20];
	_ =	sdelay $0x4  }
0xa4: {  	s20 =	sadd.s32 $0x7, s20;
	[tilespmem:v2+s25+$0x0] =	vst.idx.msk $0xffff, v1  }
0xa5: {  	v2 =	vadd.s32 s20, v0;
	v1 =	vld [tilespmem:s18+$0x30]  }
0xa6: {  	s30 =	smul.u32 $0x1900, s30;
	_ =	sdelay $0x1  }
0xa7: {  	s4 =	sadd.s32 s8, s30;
	s15 =	sadd.s32 $0x3, s26  }
0xa8: {  	s4 =	sshrl.u32 s4, $0x3;
	p2 =	sge.u32 s15, s19  }
0xa9: {  	s4 =	sadd.s32 s6, s4;
	s15 =	smul.u32 @!p2 $0x1900, s15;
	[tilespmem:v2+s25+$0x0] =	vst.idx.msk $0xffff, v1  }
0xaa: {  	[hbm4b:s4+s16] =	stream.linear.scatter [tilespmem:s25], [sflag:$0x4], $0x1900, $0x38;
	[tilespmem:$0x1EB00] =	vst v63  }
.Ltmp8:
0xab: {  	_ = 	snop;
	(pc) =	sbr.rel .LBB2_10-.Ltmp8, $4  }
0xac: {  	s4 =	sadd.s32 @!p2 s8, s15  }
0xad: {  	s4 =	sshrl.u32 @!p2 s4, $0x3  }
0xae: {  	s18 =	simm.s32 @!p2 $0x1A000;
	s15 =	simm.s32 @!p2 $0x0;
	s4 =	sadd.s32 @!p2 s2, s4  }
0xaf: {  	[tilespmem:s18], [sflag:$0x3] =	stream.linear.gather @!p2 [hbm4b:s4+s15], $0x1900, $0x38;
	[tilespmem:$0x1EB00] =	vst v63  }
.LBB2_11:
0xb0: {  	_ =	swait.ge [sflag:s31], $0x1900  }
0xb1: {  	[sflag:s31] =	ssyncset.done $0x0  }
0xb2: {  	s4 =	simm.s32 $0x1;
	[sflag:s31] =	ssyncadd.s32 $0xFFFFE700  }
0xb3: {  	_ =	swait.ge [sflag:s4], $0xC350  }
0xb4: {  	[sflag:s4] =	ssyncset.done $0x0  }
0xb5: {  	[sflag:s4] =	ssyncadd.s32 $0xFFFF3CB0  }
0xb6: {  	_ =	swait.ge [sflag:s4], $0xC350  }
.Ltmp9:
0xb7: {  	s23 =	simm.s32 $0x0;
	[sflag:s4] =	ssyncset.done $0x0;
	(pc) =	sbr.rel .LBB2_12-.Ltmp9, $4  }
0xb8: {  	s30 =	simm.s32 $0x18700;
	s20 =	rddreg [dreg:$0xd];
	[sflag:s4] =	ssyncadd.s32 $0xFFFF3CB0  }
0xb9: {  	[tilespmem:s30], [sflag:$0x2] =	stream.linear.gather [hbm4b:s20+s23], $0x1900, $0x38;
	[tilespmem:$0x1EB00] =	vst v63  }
0xba: {  	s15 =	simm.s32 $0x1A000;
	s26 =	rddreg [dreg:$0x13]  }
0xbb: {  	[tilespmem:s15], [sflag:$0x3] =	stream.linear.gather [hbm4b:s26+s23], $0x1900, $0x38;
	[tilespmem:$0x1EB00] =	vst v63  }
.LBB2_24:
0xbc: {  	s23 =	sadd.s32 $0x1, s23  }
0xbd: {  	p2 =	sne.s32 s23, $0x8  }
.Ltmp10:
0xbe: {  	_ = 	snop;
	(pc) =	sbr.rel @!p2 .LBB2_25-.Ltmp10, $1  }
0xbf: {  	_ =	sdelay $0x3  }
.LBB2_12:
0xc0: {  	s26 =	sshll.u32 s23, $0x1  }
0xc1: {  	p2 =	sge.u32 s26, s22  }
.Ltmp11:
0xc2: {  	_ = 	snop;
	(pc) =	sbr.rel @p2 .LBB2_18-.Ltmp11, $1  }
0xc3: {  	_ =	sdelay $0x3  }
0xc4: {  	_ =	swait.ge [sflag:s21], $0x1900  }
0xc5: {  	p2 =	seq.s32 s23, $0x0;
	[sflag:s21] =	ssyncset.done $0x0  }
0xc6: {  	s15 =	simm.s32 @!p2 $0x4;
	[sflag:s21] =	ssyncadd.s32 $0xFFFFE700  }
0xc7: {  	_ =	swait.ge @!p2 [sflag:s15], $0x1900  }
0xc8: {  	s4 =	smul.u32 $0x3200, s23;
	[sflag:s15] =	ssyncset.done @!p2 $0x0  }
0xc9: {  	s18 =	simm.s32 $0x0;
	s20 =	simm.s32 $0x18740;
	[sflag:s15] =	ssyncadd.s32 @!p2 $0xFFFFE700  }
.LBB2_14:
0xca: {  	v1 =	vld [tilespmem:s20+$0xFFFFFFC0];
	_ =	sdelay $0x7  }
0xcb: {  	v2 =	vadd.s32 s18, v0;
	v1 =	vld.idx.msk [tilespmem:v1+s16+$0x0], $0xffff;
	_ =	sdelay $0x4  }
0xcc: {  	[tilespmem:v2+s25+$0x0] =	vst.idx.msk $0xffff, v1  }
0xcd: {  	v1 =	vld [tilespmem:s20+$0xFFFFFFD0];
	_ =	sdelay $0x6  }
0xce: {  	s15 =	sadd.s32 $0x1, s18  }
0xcf: {  	v2 =	vadd.s32 s15, v0;
	v1 =	vld.idx.msk [tilespmem:v1+s16+$0x0], $0xffff;
	_ =	sdelay $0x4  }
0xd0: {  	[tilespmem:v2+s25+$0x0] =	vst.idx.msk $0xffff, v1  }
0xd1: {  	v1 =	vld [tilespmem:s20+$0xFFFFFFE0];
	_ =	sdelay $0x6  }
0xd2: {  	s15 =	sadd.s32 $0x2, s18  }
0xd3: {  	v2 =	vadd.s32 s15, v0;
	v1 =	vld.idx.msk [tilespmem:v1+s16+$0x0], $0xffff;
	_ =	sdelay $0x4  }
0xd4: {  	[tilespmem:v2+s25+$0x0] =	vst.idx.msk $0xffff, v1  }
0xd5: {  	v1 =	vld [tilespmem:s20+$0xFFFFFFF0];
	_ =	sdelay $0x6  }
0xd6: {  	s15 =	sadd.s32 $0x3, s18  }
0xd7: {  	v2 =	vadd.s32 s15, v0;
	v1 =	vld.idx.msk [tilespmem:v1+s16+$0x0], $0xffff;
	_ =	sdelay $0x4  }
0xd8: {  	[tilespmem:v2+s25+$0x0] =	vst.idx.msk $0xffff, v1  }
0xd9: {  	v1 =	vld [tilespmem:s20+$0x0];
	_ =	sdelay $0x6  }
0xda: {  	s15 =	sadd.s32 $0x4, s18  }
0xdb: {  	v2 =	vadd.s32 s15, v0;
	v1 =	vld.idx.msk [tilespmem:v1+s16+$0x0], $0xffff;
	_ =	sdelay $0x4  }
0xdc: {  	[tilespmem:v2+s25+$0x0] =	vst.idx.msk $0xffff, v1  }
0xdd: {  	v1 =	vld [tilespmem:s20+$0x10];
	_ =	sdelay $0x6  }
0xde: {  	s15 =	sadd.s32 $0x5, s18  }
0xdf: {  	v2 =	vadd.s32 s15, v0;
	v1 =	vld.idx.msk [tilespmem:v1+s16+$0x0], $0xffff;
	_ =	sdelay $0x4  }
0xe0: {  	[tilespmem:v2+s25+$0x0] =	vst.idx.msk $0xffff, v1  }
0xe1: {  	v1 =	vld [tilespmem:s20+$0x20];
	_ =	sdelay $0x6  }
0xe2: {  	s15 =	sadd.s32 $0x6, s18  }
0xe3: {  	v2 =	vadd.s32 s15, v0;
	v1 =	vld.idx.msk [tilespmem:v1+s16+$0x0], $0xffff;
	_ =	sdelay $0x4  }
0xe4: {  	[tilespmem:v2+s25+$0x0] =	vst.idx.msk $0xffff, v1  }
0xe5: {  	v1 =	vld [tilespmem:s20+$0x30];
	_ =	sdelay $0x6  }
0xe6: {  	s15 =	sadd.s32 $0x7, s18  }
0xe7: {  	p3 =	slt.u32 s18, $0x188;
	v2 =	vadd.s32 s15, v0;
	v1 =	vld.idx.msk [tilespmem:v1+s16+$0x0], $0xffff  }
.Ltmp12:
0xe8: {  	_ = 	snop;
	(pc) =	sbr.rel @p3 .LBB2_14-.Ltmp12, $2  }
0xe9: {  	_ =	sdelay $0x2  }
0xea: {  	s18 =	sadd.s32 $0x8, s18;
	s20 =	sadd.s32 $0x80, s20;
	[tilespmem:v2+s25+$0x0] =	vst.idx.msk $0xffff, v1  }
0xeb: {  	s4 =	sadd.s32 s10, s4  }
0xec: {  	s4 =	sshrl.u32 s4, $0x3  }
0xed: {  	s15 =	sadd.s32 s3, s4  }
0xee: {  	[hbm4b:s15+s16] =	stream.linear.scatter [tilespmem:s25], [sflag:$0x4], $0x1900, $0x38;
	[tilespmem:$0x1EB00] =	vst v63  }
0xef: {  	s15 =	simm.s32 @!p2 $0x5  }
0xf0: {  	_ =	swait.ge @!p2 [sflag:s15], $0x1900  }
0xf1: {  	[sflag:s15] =	ssyncset.done @!p2 $0x0  }
0xf2: {  	s18 =	simm.s32 $0x0;
	s20 =	simm.s32 $0x18740;
	[sflag:s15] =	ssyncadd.s32 @!p2 $0xFFFFE700  }
.LBB2_16:
0xf3: {  	v1 =	vld [tilespmem:s20+$0xFFFFFFC0];
	_ =	sdelay $0x7  }
0xf4: {  	v2 =	vadd.s32 s18, v0;
	v1 =	vld.idx.msk [tilespmem:v1+s17+$0x0], $0xffff;
	_ =	sdelay $0x4  }
0xf5: {  	[tilespmem:v2+s0+$0x0] =	vst.idx.msk $0xffff, v1  }
0xf6: {  	v1 =	vld [tilespmem:s20+$0xFFFFFFD0];
	_ =	sdelay $0x6  }
0xf7: {  	s15 =	sadd.s32 $0x1, s18  }
0xf8: {  	v2 =	vadd.s32 s15, v0;
	v1 =	vld.idx.msk [tilespmem:v1+s17+$0x0], $0xffff;
	_ =	sdelay $0x4  }
0xf9: {  	[tilespmem:v2+s0+$0x0] =	vst.idx.msk $0xffff, v1  }
0xfa: {  	v1 =	vld [tilespmem:s20+$0xFFFFFFE0];
	_ =	sdelay $0x6  }
0xfb: {  	s15 =	sadd.s32 $0x2, s18  }
0xfc: {  	v2 =	vadd.s32 s15, v0;
	v1 =	vld.idx.msk [tilespmem:v1+s17+$0x0], $0xffff;
	_ =	sdelay $0x4  }
0xfd: {  	[tilespmem:v2+s0+$0x0] =	vst.idx.msk $0xffff, v1  }
0xfe: {  	v1 =	vld [tilespmem:s20+$0xFFFFFFF0];
	_ =	sdelay $0x6  }
0xff: {  	s15 =	sadd.s32 $0x3, s18  }
0x100: {  	v2 =	vadd.s32 s15, v0;
	v1 =	vld.idx.msk [tilespmem:v1+s17+$0x0], $0xffff;
	_ =	sdelay $0x4  }
0x101: {  	[tilespmem:v2+s0+$0x0] =	vst.idx.msk $0xffff, v1  }
0x102: {  	v1 =	vld [tilespmem:s20+$0x0];
	_ =	sdelay $0x6  }
0x103: {  	s15 =	sadd.s32 $0x4, s18  }
0x104: {  	v2 =	vadd.s32 s15, v0;
	v1 =	vld.idx.msk [tilespmem:v1+s17+$0x0], $0xffff;
	_ =	sdelay $0x4  }
0x105: {  	[tilespmem:v2+s0+$0x0] =	vst.idx.msk $0xffff, v1  }
0x106: {  	v1 =	vld [tilespmem:s20+$0x10];
	_ =	sdelay $0x6  }
0x107: {  	s15 =	sadd.s32 $0x5, s18  }
0x108: {  	v2 =	vadd.s32 s15, v0;
	v1 =	vld.idx.msk [tilespmem:v1+s17+$0x0], $0xffff;
	_ =	sdelay $0x4  }
0x109: {  	[tilespmem:v2+s0+$0x0] =	vst.idx.msk $0xffff, v1  }
0x10a: {  	v1 =	vld [tilespmem:s20+$0x20];
	_ =	sdelay $0x6  }
0x10b: {  	s15 =	sadd.s32 $0x6, s18  }
0x10c: {  	v2 =	vadd.s32 s15, v0;
	v1 =	vld.idx.msk [tilespmem:v1+s17+$0x0], $0xffff;
	_ =	sdelay $0x4  }
0x10d: {  	[tilespmem:v2+s0+$0x0] =	vst.idx.msk $0xffff, v1  }
0x10e: {  	v1 =	vld [tilespmem:s20+$0x30];
	_ =	sdelay $0x6  }
0x10f: {  	s15 =	sadd.s32 $0x7, s18  }
0x110: {  	p2 =	slt.u32 s18, $0x188;
	v2 =	vadd.s32 s15, v0;
	v1 =	vld.idx.msk [tilespmem:v1+s17+$0x0], $0xffff  }
.Ltmp13:
0x111: {  	_ = 	snop;
	(pc) =	sbr.rel @p2 .LBB2_16-.Ltmp13, $2  }
0x112: {  	_ =	sdelay $0x2  }
0x113: {  	s18 =	sadd.s32 $0x8, s18;
	s20 =	sadd.s32 $0x80, s20;
	[tilespmem:v2+s0+$0x0] =	vst.idx.msk $0xffff, v1  }
0x114: {  	s15 =	sadd.s32 $0x2, s26  }
0x115: {  	p2 =	sge.u32 s15, s22  }
0x116: {  	s4 =	sadd.s32 s5, s4;
	s15 =	smul.u32 @!p2 $0x1900, s15  }
0x117: {  	[hbm4b:s4+s16] =	stream.linear.scatter [tilespmem:s0], [sflag:$0x5], $0x1900, $0x38;
	[tilespmem:$0x1EB00] =	vst v63  }
0x118: {  	s4 =	sadd.s32 @!p2 s9, s15  }
0x119: {  	s4 =	sshrl.u32 @!p2 s4, $0x3  }
0x11a: {  	s18 =	simm.s32 @!p2 $0x18700;
	s15 =	simm.s32 @!p2 $0x0;
	s4 =	sadd.s32 @!p2 s1, s4  }
0x11b: {  	[tilespmem:s18], [sflag:$0x2] =	stream.linear.gather @!p2 [hbm4b:s4+s15], $0x1900, $0x38;
	[tilespmem:$0x1EB00] =	vst v63  }
.LBB2_18:
0x11c: {  	s4 =	sor.u32 $0x1, s26  }
0x11d: {  	p2 =	sge.u32 s4, s22  }
.Ltmp14:
0x11e: {  	_ = 	snop;
	(pc) =	sbr.rel @p2 .LBB2_24-.Ltmp14, $1  }
0x11f: {  	_ =	sdelay $0x3  }
0x120: {  	_ =	swait.ge [sflag:s29], $0x1900  }
0x121: {  	[sflag:s29] =	ssyncset.done $0x0  }
0x122: {  	[sflag:s29] =	ssyncadd.s32 $0xFFFFE700  }
0x123: {  	_ =	swait.ge [sflag:s31], $0x1900  }
0x124: {  	[sflag:s31] =	ssyncset.done $0x0  }
0x125: {  	s18 =	simm.s32 $0x0;
	s20 =	simm.s32 $0x1A040;
	[sflag:s31] =	ssyncadd.s32 $0xFFFFE700  }
.LBB2_20:
0x126: {  	v1 =	vld [tilespmem:s20+$0xFFFFFFC0];
	_ =	sdelay $0x7  }
0x127: {  	v2 =	vadd.s32 s18, v0;
	v1 =	vld.idx.msk [tilespmem:v1+s16+$0x0], $0xffff;
	_ =	sdelay $0x4  }
0x128: {  	[tilespmem:v2+s25+$0x0] =	vst.idx.msk $0xffff, v1  }
0x129: {  	v1 =	vld [tilespmem:s20+$0xFFFFFFD0];
	_ =	sdelay $0x6  }
0x12a: {  	s15 =	sadd.s32 $0x1, s18  }
0x12b: {  	v2 =	vadd.s32 s15, v0;
	v1 =	vld.idx.msk [tilespmem:v1+s16+$0x0], $0xffff;
	_ =	sdelay $0x4  }
0x12c: {  	[tilespmem:v2+s25+$0x0] =	vst.idx.msk $0xffff, v1  }
0x12d: {  	v1 =	vld [tilespmem:s20+$0xFFFFFFE0];
	_ =	sdelay $0x6  }
0x12e: {  	s15 =	sadd.s32 $0x2, s18  }
0x12f: {  	v2 =	vadd.s32 s15, v0;
	v1 =	vld.idx.msk [tilespmem:v1+s16+$0x0], $0xffff;
	_ =	sdelay $0x4  }
0x130: {  	[tilespmem:v2+s25+$0x0] =	vst.idx.msk $0xffff, v1  }
0x131: {  	v1 =	vld [tilespmem:s20+$0xFFFFFFF0];
	_ =	sdelay $0x6  }
0x132: {  	s15 =	sadd.s32 $0x3, s18  }
0x133: {  	v2 =	vadd.s32 s15, v0;
	v1 =	vld.idx.msk [tilespmem:v1+s16+$0x0], $0xffff;
	_ =	sdelay $0x4  }
0x134: {  	[tilespmem:v2+s25+$0x0] =	vst.idx.msk $0xffff, v1  }
0x135: {  	v1 =	vld [tilespmem:s20+$0x0];
	_ =	sdelay $0x6  }
0x136: {  	s15 =	sadd.s32 $0x4, s18  }
0x137: {  	v2 =	vadd.s32 s15, v0;
	v1 =	vld.idx.msk [tilespmem:v1+s16+$0x0], $0xffff;
	_ =	sdelay $0x4  }
0x138: {  	[tilespmem:v2+s25+$0x0] =	vst.idx.msk $0xffff, v1  }
0x139: {  	v1 =	vld [tilespmem:s20+$0x10];
	_ =	sdelay $0x6  }
0x13a: {  	s15 =	sadd.s32 $0x5, s18  }
0x13b: {  	v2 =	vadd.s32 s15, v0;
	v1 =	vld.idx.msk [tilespmem:v1+s16+$0x0], $0xffff;
	_ =	sdelay $0x4  }
0x13c: {  	[tilespmem:v2+s25+$0x0] =	vst.idx.msk $0xffff, v1  }
0x13d: {  	v1 =	vld [tilespmem:s20+$0x20];
	_ =	sdelay $0x6  }
0x13e: {  	s15 =	sadd.s32 $0x6, s18  }
0x13f: {  	v2 =	vadd.s32 s15, v0;
	v1 =	vld.idx.msk [tilespmem:v1+s16+$0x0], $0xffff;
	_ =	sdelay $0x4  }
0x140: {  	[tilespmem:v2+s25+$0x0] =	vst.idx.msk $0xffff, v1  }
0x141: {  	v1 =	vld [tilespmem:s20+$0x30];
	_ =	sdelay $0x6  }
0x142: {  	s15 =	sadd.s32 $0x7, s18  }
0x143: {  	p2 =	slt.u32 s18, $0x188;
	v2 =	vadd.s32 s15, v0;
	v1 =	vld.idx.msk [tilespmem:v1+s16+$0x0], $0xffff  }
.Ltmp15:
0x144: {  	_ = 	snop;
	(pc) =	sbr.rel @p2 .LBB2_20-.Ltmp15, $2  }
0x145: {  	_ =	sdelay $0x2  }
0x146: {  	s18 =	sadd.s32 $0x8, s18;
	s20 =	sadd.s32 $0x80, s20;
	[tilespmem:v2+s25+$0x0] =	vst.idx.msk $0xffff, v1  }
0x147: {  	s4 =	smul.u32 $0x1900, s4;
	_ =	sdelay $0x1  }
0x148: {  	s4 =	sadd.s32 s10, s4  }
0x149: {  	s4 =	sshrl.u32 s4, $0x3  }
0x14a: {  	s18 =	simm.s32 $0x0;
	s15 =	sadd.s32 s3, s4  }
0x14b: {  	[hbm4b:s15+s18] =	stream.linear.scatter [tilespmem:s25], [sflag:$0x4], $0x1900, $0x38;
	[tilespmem:$0x1EB00] =	vst v63  }
0x14c: {  	_ =	swait.ge [sflag:s7], $0x1900  }
0x14d: {  	[sflag:s7] =	ssyncset.done $0x0  }
0x14e: {  	s20 =	simm.s32 $0x1A040;
	[sflag:s7] =	ssyncadd.s32 $0xFFFFE700  }
.LBB2_22:
0x14f: {  	v1 =	vld [tilespmem:s20+$0xFFFFFFC0];
	_ =	sdelay $0x7  }
0x150: {  	v2 =	vadd.s32 s18, v0;
	v1 =	vld.idx.msk [tilespmem:v1+s17+$0x0], $0xffff;
	_ =	sdelay $0x4  }
0x151: {  	[tilespmem:v2+s0+$0x0] =	vst.idx.msk $0xffff, v1  }
0x152: {  	v1 =	vld [tilespmem:s20+$0xFFFFFFD0];
	_ =	sdelay $0x6  }
0x153: {  	s15 =	sadd.s32 $0x1, s18  }
0x154: {  	v2 =	vadd.s32 s15, v0;
	v1 =	vld.idx.msk [tilespmem:v1+s17+$0x0], $0xffff;
	_ =	sdelay $0x4  }
0x155: {  	[tilespmem:v2+s0+$0x0] =	vst.idx.msk $0xffff, v1  }
0x156: {  	v1 =	vld [tilespmem:s20+$0xFFFFFFE0];
	_ =	sdelay $0x6  }
0x157: {  	s15 =	sadd.s32 $0x2, s18  }
0x158: {  	v2 =	vadd.s32 s15, v0;
	v1 =	vld.idx.msk [tilespmem:v1+s17+$0x0], $0xffff;
	_ =	sdelay $0x4  }
0x159: {  	[tilespmem:v2+s0+$0x0] =	vst.idx.msk $0xffff, v1  }
0x15a: {  	v1 =	vld [tilespmem:s20+$0xFFFFFFF0];
	_ =	sdelay $0x6  }
0x15b: {  	s15 =	sadd.s32 $0x3, s18  }
0x15c: {  	v2 =	vadd.s32 s15, v0;
	v1 =	vld.idx.msk [tilespmem:v1+s17+$0x0], $0xffff;
	_ =	sdelay $0x4  }
0x15d: {  	[tilespmem:v2+s0+$0x0] =	vst.idx.msk $0xffff, v1  }
0x15e: {  	v1 =	vld [tilespmem:s20+$0x0];
	_ =	sdelay $0x6  }
0x15f: {  	s15 =	sadd.s32 $0x4, s18  }
0x160: {  	v2 =	vadd.s32 s15, v0;
	v1 =	vld.idx.msk [tilespmem:v1+s17+$0x0], $0xffff;
	_ =	sdelay $0x4  }
0x161: {  	[tilespmem:v2+s0+$0x0] =	vst.idx.msk $0xffff, v1  }
0x162: {  	v1 =	vld [tilespmem:s20+$0x10];
	_ =	sdelay $0x6  }
0x163: {  	s15 =	sadd.s32 $0x5, s18  }
0x164: {  	v2 =	vadd.s32 s15, v0;
	v1 =	vld.idx.msk [tilespmem:v1+s17+$0x0], $0xffff;
	_ =	sdelay $0x4  }
0x165: {  	[tilespmem:v2+s0+$0x0] =	vst.idx.msk $0xffff, v1  }
0x166: {  	v1 =	vld [tilespmem:s20+$0x20];
	_ =	sdelay $0x6  }
0x167: {  	s15 =	sadd.s32 $0x6, s18  }
0x168: {  	v2 =	vadd.s32 s15, v0;
	v1 =	vld.idx.msk [tilespmem:v1+s17+$0x0], $0xffff;
	_ =	sdelay $0x4  }
0x169: {  	[tilespmem:v2+s0+$0x0] =	vst.idx.msk $0xffff, v1  }
0x16a: {  	v1 =	vld [tilespmem:s20+$0x30];
	_ =	sdelay $0x6  }
0x16b: {  	s15 =	sadd.s32 $0x7, s18  }
0x16c: {  	p2 =	slt.u32 s18, $0x188;
	v2 =	vadd.s32 s15, v0;
	v1 =	vld.idx.msk [tilespmem:v1+s17+$0x0], $0xffff  }
.Ltmp16:
0x16d: {  	_ = 	snop;
	(pc) =	sbr.rel @p2 .LBB2_22-.Ltmp16, $2  }
0x16e: {  	_ =	sdelay $0x2  }
0x16f: {  	s18 =	sadd.s32 $0x8, s18;
	s20 =	sadd.s32 $0x80, s20;
	[tilespmem:v2+s0+$0x0] =	vst.idx.msk $0xffff, v1  }
0x170: {  	s15 =	sadd.s32 $0x3, s26  }
0x171: {  	s4 =	sadd.s32 s5, s4;
	p2 =	sge.u32 s15, s22  }
0x172: {  	[hbm4b:s4+s16] =	stream.linear.scatter [tilespmem:s0], [sflag:$0x5], $0x1900, $0x38;
	[tilespmem:$0x1EB00] =	vst v63  }
0x173: {  	s15 =	smul.u32 @!p2 $0x1900, s15  }
.Ltmp17:
0x174: {  	_ = 	snop;
	(pc) =	sbr.rel .LBB2_24-.Ltmp17, $4  }
0x175: {  	s4 =	sadd.s32 @!p2 s9, s15  }
0x176: {  	s4 =	sshrl.u32 @!p2 s4, $0x3  }
0x177: {  	s18 =	simm.s32 @!p2 $0x1A000;
	s15 =	simm.s32 @!p2 $0x0;
	s4 =	sadd.s32 @!p2 s1, s4  }
0x178: {  	[tilespmem:s18], [sflag:$0x3] =	stream.linear.gather @!p2 [hbm4b:s4+s15], $0x1900, $0x38;
	[tilespmem:$0x1EB00] =	vst v63  }
.LBB2_25:
0x179: {  	_ =	swait.ge [sflag:s31], $0x1900  }
0x17a: {  	[sflag:s31] =	ssyncset.done $0x0  }
0x17b: {  	[sflag:s31] =	ssyncadd.s32 $0xFFFFE700  }
0x17c: {  	_ =	swait.ge [sflag:s7], $0x1900  }
0x17d: {  	[sflag:s7] =	ssyncset.done $0x0  }
0x17e: {  	s4 =	simm.s32 @!p0 $0x0;
	s15 =	rddreg [dreg:$0x8];
	[sflag:s7] =	ssyncadd.s32 $0xFFFFE700  }
0x17f: {  	[tilespmem:s4], [sflag:$0x6] =	stream.linear.gather @!p0 [hbm4b:s15+s4], $0xC350, $0x38;
	[tilespmem:$0x1EB00] =	vst v63  }
0x180: {  	s15 =	simm.s32 @!p0 $0x6  }
0x181: {  	_ =	swait.ge @!p0 [sflag:s15], $0xC350  }
0x182: {  	[sflag:s15] =	ssyncset.done @!p0 $0x0  }
0x183: {  	s18 =	simm.s32 @!p0 $0xC380;
	s20 =	rddreg [dreg:$0xe];
	[sflag:s15] =	ssyncadd.s32 @!p0 $0xFFFF3CB0  }
0x184: {  	[tilespmem:s18], [sflag:$0x6] =	stream.linear.gather @!p0 [hbm4b:s20+s4], $0xC350, $0x38;
	[tilespmem:$0x1EB00] =	vst v63  }
0x185: {  	_ =	swait.ge @!p0 [sflag:s15], $0xC350  }
.Ltmp18:
0x186: {  	[sflag:s15] =	ssyncset.done @!p0 $0x0;
	(pc) =	sbr.rel .LBB2_26-.Ltmp18, $4  }
0x187: {  	s23 =	simm.s32 $0x0;
	s18 =	rddreg [dreg:$0xf];
	[sflag:s15] =	ssyncadd.s32 @!p0 $0xFFFF3CB0  }
0x188: {  	[tilespmem:s30], [sflag:$0x2] =	stream.linear.gather [hbm4b:s18+s23], $0x1900, $0x38;
	[tilespmem:$0x1EB00] =	vst v63  }
0x189: {  	s26 =	simm.s32 $0x1A000;
	s20 =	rddreg [dreg:$0x14]  }
0x18a: {  	[tilespmem:s26], [sflag:$0x3] =	stream.linear.gather [hbm4b:s20+s23], $0x1900, $0x38;
	[tilespmem:$0x1EB00] =	vst v63  }
.LBB2_38:
0x18b: {  	s23 =	sadd.s32 $0x1, s23  }
0x18c: {  	p2 =	sne.s32 s23, $0x8  }
.Ltmp19:
0x18d: {  	_ = 	snop;
	(pc) =	sbr.rel @!p2 .LBB2_39-.Ltmp19, $1  }
0x18e: {  	_ =	sdelay $0x3  }
.LBB2_26:
0x18f: {  	s26 =	sshll.u32 s23, $0x1  }
0x190: {  	p2 =	sge.u32 s26, s24  }
.Ltmp20:
0x191: {  	_ = 	snop;
	(pc) =	sbr.rel @p2 .LBB2_32-.Ltmp20, $1  }
0x192: {  	_ =	sdelay $0x3  }
0x193: {  	_ =	swait.ge [sflag:s21], $0x1900  }
0x194: {  	p2 =	seq.s32 s23, $0x0;
	[sflag:s21] =	ssyncset.done $0x0  }
0x195: {  	s15 =	simm.s32 @!p2 $0x4;
	[sflag:s21] =	ssyncadd.s32 $0xFFFFE700  }
0x196: {  	_ =	swait.ge @!p2 [sflag:s15], $0x1900  }
0x197: {  	s4 =	smul.u32 $0x3200, s23;
	[sflag:s15] =	ssyncset.done @!p2 $0x0  }
0x198: {  	s18 =	simm.s32 $0x0;
	s20 =	simm.s32 $0x18740;
	[sflag:s15] =	ssyncadd.s32 @!p2 $0xFFFFE700  }
.LBB2_28:
0x199: {  	v1 =	vld [tilespmem:s20+$0xFFFFFFC0];
	_ =	sdelay $0x7  }
0x19a: {  	v2 =	vadd.s32 s18, v0;
	v1 =	vld.idx.msk [tilespmem:v1+s16+$0x0], $0xffff;
	_ =	sdelay $0x4  }
0x19b: {  	[tilespmem:v2+s25+$0x0] =	vst.idx.msk $0xffff, v1  }
0x19c: {  	v1 =	vld [tilespmem:s20+$0xFFFFFFD0];
	_ =	sdelay $0x6  }
0x19d: {  	s15 =	sadd.s32 $0x1, s18  }
0x19e: {  	v2 =	vadd.s32 s15, v0;
	v1 =	vld.idx.msk [tilespmem:v1+s16+$0x0], $0xffff;
	_ =	sdelay $0x4  }
0x19f: {  	[tilespmem:v2+s25+$0x0] =	vst.idx.msk $0xffff, v1  }
0x1a0: {  	v1 =	vld [tilespmem:s20+$0xFFFFFFE0];
	_ =	sdelay $0x6  }
0x1a1: {  	s15 =	sadd.s32 $0x2, s18  }
0x1a2: {  	v2 =	vadd.s32 s15, v0;
	v1 =	vld.idx.msk [tilespmem:v1+s16+$0x0], $0xffff;
	_ =	sdelay $0x4  }
0x1a3: {  	[tilespmem:v2+s25+$0x0] =	vst.idx.msk $0xffff, v1  }
0x1a4: {  	v1 =	vld [tilespmem:s20+$0xFFFFFFF0];
	_ =	sdelay $0x6  }
0x1a5: {  	s15 =	sadd.s32 $0x3, s18  }
0x1a6: {  	v2 =	vadd.s32 s15, v0;
	v1 =	vld.idx.msk [tilespmem:v1+s16+$0x0], $0xffff;
	_ =	sdelay $0x4  }
0x1a7: {  	[tilespmem:v2+s25+$0x0] =	vst.idx.msk $0xffff, v1  }
0x1a8: {  	v1 =	vld [tilespmem:s20+$0x0];
	_ =	sdelay $0x6  }
0x1a9: {  	s15 =	sadd.s32 $0x4, s18  }
0x1aa: {  	v2 =	vadd.s32 s15, v0;
	v1 =	vld.idx.msk [tilespmem:v1+s16+$0x0], $0xffff;
	_ =	sdelay $0x4  }
0x1ab: {  	[tilespmem:v2+s25+$0x0] =	vst.idx.msk $0xffff, v1  }
0x1ac: {  	v1 =	vld [tilespmem:s20+$0x10];
	_ =	sdelay $0x6  }
0x1ad: {  	s15 =	sadd.s32 $0x5, s18  }
0x1ae: {  	v2 =	vadd.s32 s15, v0;
	v1 =	vld.idx.msk [tilespmem:v1+s16+$0x0], $0xffff;
	_ =	sdelay $0x4  }
0x1af: {  	[tilespmem:v2+s25+$0x0] =	vst.idx.msk $0xffff, v1  }
0x1b0: {  	v1 =	vld [tilespmem:s20+$0x20];
	_ =	sdelay $0x6  }
0x1b1: {  	s15 =	sadd.s32 $0x6, s18  }
0x1b2: {  	v2 =	vadd.s32 s15, v0;
	v1 =	vld.idx.msk [tilespmem:v1+s16+$0x0], $0xffff;
	_ =	sdelay $0x4  }
0x1b3: {  	[tilespmem:v2+s25+$0x0] =	vst.idx.msk $0xffff, v1  }
0x1b4: {  	v1 =	vld [tilespmem:s20+$0x30];
	_ =	sdelay $0x6  }
0x1b5: {  	s15 =	sadd.s32 $0x7, s18  }
0x1b6: {  	p3 =	slt.u32 s18, $0x188;
	v2 =	vadd.s32 s15, v0;
	v1 =	vld.idx.msk [tilespmem:v1+s16+$0x0], $0xffff  }
.Ltmp21:
0x1b7: {  	_ = 	snop;
	(pc) =	sbr.rel @p3 .LBB2_28-.Ltmp21, $2  }
0x1b8: {  	_ =	sdelay $0x2  }
0x1b9: {  	s18 =	sadd.s32 $0x8, s18;
	s20 =	sadd.s32 $0x80, s20;
	[tilespmem:v2+s25+$0x0] =	vst.idx.msk $0xffff, v1  }
0x1ba: {  	s4 =	sadd.s32 s12, s4  }
0x1bb: {  	s4 =	sshrl.u32 s4, $0x3  }
0x1bc: {  	s15 =	sadd.s32 s3, s4  }
0x1bd: {  	[hbm4b:s15+s16] =	stream.linear.scatter [tilespmem:s25], [sflag:$0x4], $0x1900, $0x38;
	[tilespmem:$0x1EB00] =	vst v63  }
0x1be: {  	s15 =	simm.s32 @!p2 $0x5  }
0x1bf: {  	_ =	swait.ge @!p2 [sflag:s15], $0x1900  }
0x1c0: {  	[sflag:s15] =	ssyncset.done @!p2 $0x0  }
0x1c1: {  	s18 =	simm.s32 $0x0;
	s20 =	simm.s32 $0x18740;
	[sflag:s15] =	ssyncadd.s32 @!p2 $0xFFFFE700  }
.LBB2_30:
0x1c2: {  	v1 =	vld [tilespmem:s20+$0xFFFFFFC0];
	_ =	sdelay $0x7  }
0x1c3: {  	v2 =	vadd.s32 s18, v0;
	v1 =	vld.idx.msk [tilespmem:v1+s17+$0x0], $0xffff;
	_ =	sdelay $0x4  }
0x1c4: {  	[tilespmem:v2+s0+$0x0] =	vst.idx.msk $0xffff, v1  }
0x1c5: {  	v1 =	vld [tilespmem:s20+$0xFFFFFFD0];
	_ =	sdelay $0x6  }
0x1c6: {  	s15 =	sadd.s32 $0x1, s18  }
0x1c7: {  	v2 =	vadd.s32 s15, v0;
	v1 =	vld.idx.msk [tilespmem:v1+s17+$0x0], $0xffff;
	_ =	sdelay $0x4  }
0x1c8: {  	[tilespmem:v2+s0+$0x0] =	vst.idx.msk $0xffff, v1  }
0x1c9: {  	v1 =	vld [tilespmem:s20+$0xFFFFFFE0];
	_ =	sdelay $0x6  }
0x1ca: {  	s15 =	sadd.s32 $0x2, s18  }
0x1cb: {  	v2 =	vadd.s32 s15, v0;
	v1 =	vld.idx.msk [tilespmem:v1+s17+$0x0], $0xffff;
	_ =	sdelay $0x4  }
0x1cc: {  	[tilespmem:v2+s0+$0x0] =	vst.idx.msk $0xffff, v1  }
0x1cd: {  	v1 =	vld [tilespmem:s20+$0xFFFFFFF0];
	_ =	sdelay $0x6  }
0x1ce: {  	s15 =	sadd.s32 $0x3, s18  }
0x1cf: {  	v2 =	vadd.s32 s15, v0;
	v1 =	vld.idx.msk [tilespmem:v1+s17+$0x0], $0xffff;
	_ =	sdelay $0x4  }
0x1d0: {  	[tilespmem:v2+s0+$0x0] =	vst.idx.msk $0xffff, v1  }
0x1d1: {  	v1 =	vld [tilespmem:s20+$0x0];
	_ =	sdelay $0x6  }
0x1d2: {  	s15 =	sadd.s32 $0x4, s18  }
0x1d3: {  	v2 =	vadd.s32 s15, v0;
	v1 =	vld.idx.msk [tilespmem:v1+s17+$0x0], $0xffff;
	_ =	sdelay $0x4  }
0x1d4: {  	[tilespmem:v2+s0+$0x0] =	vst.idx.msk $0xffff, v1  }
0x1d5: {  	v1 =	vld [tilespmem:s20+$0x10];
	_ =	sdelay $0x6  }
0x1d6: {  	s15 =	sadd.s32 $0x5, s18  }
0x1d7: {  	v2 =	vadd.s32 s15, v0;
	v1 =	vld.idx.msk [tilespmem:v1+s17+$0x0], $0xffff;
	_ =	sdelay $0x4  }
0x1d8: {  	[tilespmem:v2+s0+$0x0] =	vst.idx.msk $0xffff, v1  }
0x1d9: {  	v1 =	vld [tilespmem:s20+$0x20];
	_ =	sdelay $0x6  }
0x1da: {  	s15 =	sadd.s32 $0x6, s18  }
0x1db: {  	v2 =	vadd.s32 s15, v0;
	v1 =	vld.idx.msk [tilespmem:v1+s17+$0x0], $0xffff;
	_ =	sdelay $0x4  }
0x1dc: {  	[tilespmem:v2+s0+$0x0] =	vst.idx.msk $0xffff, v1  }
0x1dd: {  	v1 =	vld [tilespmem:s20+$0x30];
	_ =	sdelay $0x6  }
0x1de: {  	s15 =	sadd.s32 $0x7, s18  }
0x1df: {  	p2 =	slt.u32 s18, $0x188;
	v2 =	vadd.s32 s15, v0;
	v1 =	vld.idx.msk [tilespmem:v1+s17+$0x0], $0xffff  }
.Ltmp22:
0x1e0: {  	_ = 	snop;
	(pc) =	sbr.rel @p2 .LBB2_30-.Ltmp22, $2  }
0x1e1: {  	_ =	sdelay $0x2  }
0x1e2: {  	s18 =	sadd.s32 $0x8, s18;
	s20 =	sadd.s32 $0x80, s20;
	[tilespmem:v2+s0+$0x0] =	vst.idx.msk $0xffff, v1  }
0x1e3: {  	s15 =	sadd.s32 $0x2, s26  }
0x1e4: {  	p2 =	sge.u32 s15, s24  }
0x1e5: {  	s4 =	sadd.s32 s5, s4;
	s15 =	smul.u32 @!p2 $0x1900, s15  }
0x1e6: {  	[hbm4b:s4+s16] =	stream.linear.scatter [tilespmem:s0], [sflag:$0x5], $0x1900, $0x38;
	[tilespmem:$0x1EB00] =	vst v63  }
0x1e7: {  	s4 =	sadd.s32 @!p2 s11, s15  }
0x1e8: {  	s4 =	sshrl.u32 @!p2 s4, $0x3  }
0x1e9: {  	s18 =	simm.s32 @!p2 $0x18700;
	s15 =	simm.s32 @!p2 $0x0;
	s4 =	sadd.s32 @!p2 s1, s4  }
0x1ea: {  	[tilespmem:s18], [sflag:$0x2] =	stream.linear.gather @!p2 [hbm4b:s4+s15], $0x1900, $0x38;
	[tilespmem:$0x1EB00] =	vst v63  }
.LBB2_32:
0x1eb: {  	s4 =	sor.u32 $0x1, s26  }
0x1ec: {  	p2 =	sge.u32 s4, s24  }
.Ltmp23:
0x1ed: {  	_ = 	snop;
	(pc) =	sbr.rel @p2 .LBB2_38-.Ltmp23, $1  }
0x1ee: {  	_ =	sdelay $0x3  }
0x1ef: {  	_ =	swait.ge [sflag:s29], $0x1900  }
0x1f0: {  	[sflag:s29] =	ssyncset.done $0x0  }
0x1f1: {  	[sflag:s29] =	ssyncadd.s32 $0xFFFFE700  }
0x1f2: {  	_ =	swait.ge [sflag:s31], $0x1900  }
0x1f3: {  	[sflag:s31] =	ssyncset.done $0x0  }
0x1f4: {  	s18 =	simm.s32 $0x0;
	s20 =	simm.s32 $0x1A040;
	[sflag:s31] =	ssyncadd.s32 $0xFFFFE700  }
.LBB2_34:
0x1f5: {  	v1 =	vld [tilespmem:s20+$0xFFFFFFC0];
	_ =	sdelay $0x7  }
0x1f6: {  	v2 =	vadd.s32 s18, v0;
	v1 =	vld.idx.msk [tilespmem:v1+s16+$0x0], $0xffff;
	_ =	sdelay $0x4  }
0x1f7: {  	[tilespmem:v2+s25+$0x0] =	vst.idx.msk $0xffff, v1  }
0x1f8: {  	v1 =	vld [tilespmem:s20+$0xFFFFFFD0];
	_ =	sdelay $0x6  }
0x1f9: {  	s15 =	sadd.s32 $0x1, s18  }
0x1fa: {  	v2 =	vadd.s32 s15, v0;
	v1 =	vld.idx.msk [tilespmem:v1+s16+$0x0], $0xffff;
	_ =	sdelay $0x4  }
0x1fb: {  	[tilespmem:v2+s25+$0x0] =	vst.idx.msk $0xffff, v1  }
0x1fc: {  	v1 =	vld [tilespmem:s20+$0xFFFFFFE0];
	_ =	sdelay $0x6  }
0x1fd: {  	s15 =	sadd.s32 $0x2, s18  }
0x1fe: {  	v2 =	vadd.s32 s15, v0;
	v1 =	vld.idx.msk [tilespmem:v1+s16+$0x0], $0xffff;
	_ =	sdelay $0x4  }
0x1ff: {  	[tilespmem:v2+s25+$0x0] =	vst.idx.msk $0xffff, v1  }
0x200: {  	v1 =	vld [tilespmem:s20+$0xFFFFFFF0];
	_ =	sdelay $0x6  }
0x201: {  	s15 =	sadd.s32 $0x3, s18  }
0x202: {  	v2 =	vadd.s32 s15, v0;
	v1 =	vld.idx.msk [tilespmem:v1+s16+$0x0], $0xffff;
	_ =	sdelay $0x4  }
0x203: {  	[tilespmem:v2+s25+$0x0] =	vst.idx.msk $0xffff, v1  }
0x204: {  	v1 =	vld [tilespmem:s20+$0x0];
	_ =	sdelay $0x6  }
0x205: {  	s15 =	sadd.s32 $0x4, s18  }
0x206: {  	v2 =	vadd.s32 s15, v0;
	v1 =	vld.idx.msk [tilespmem:v1+s16+$0x0], $0xffff;
	_ =	sdelay $0x4  }
0x207: {  	[tilespmem:v2+s25+$0x0] =	vst.idx.msk $0xffff, v1  }
0x208: {  	v1 =	vld [tilespmem:s20+$0x10];
	_ =	sdelay $0x6  }
0x209: {  	s15 =	sadd.s32 $0x5, s18  }
0x20a: {  	v2 =	vadd.s32 s15, v0;
	v1 =	vld.idx.msk [tilespmem:v1+s16+$0x0], $0xffff;
	_ =	sdelay $0x4  }
0x20b: {  	[tilespmem:v2+s25+$0x0] =	vst.idx.msk $0xffff, v1  }
0x20c: {  	v1 =	vld [tilespmem:s20+$0x20];
	_ =	sdelay $0x6  }
0x20d: {  	s15 =	sadd.s32 $0x6, s18  }
0x20e: {  	v2 =	vadd.s32 s15, v0;
	v1 =	vld.idx.msk [tilespmem:v1+s16+$0x0], $0xffff;
	_ =	sdelay $0x4  }
0x20f: {  	[tilespmem:v2+s25+$0x0] =	vst.idx.msk $0xffff, v1  }
0x210: {  	v1 =	vld [tilespmem:s20+$0x30];
	_ =	sdelay $0x6  }
0x211: {  	s15 =	sadd.s32 $0x7, s18  }
0x212: {  	p2 =	slt.u32 s18, $0x188;
	v2 =	vadd.s32 s15, v0;
	v1 =	vld.idx.msk [tilespmem:v1+s16+$0x0], $0xffff  }
.Ltmp24:
0x213: {  	_ = 	snop;
	(pc) =	sbr.rel @p2 .LBB2_34-.Ltmp24, $2  }
0x214: {  	_ =	sdelay $0x2  }
0x215: {  	s18 =	sadd.s32 $0x8, s18;
	s20 =	sadd.s32 $0x80, s20;
	[tilespmem:v2+s25+$0x0] =	vst.idx.msk $0xffff, v1  }
0x216: {  	s4 =	smul.u32 $0x1900, s4;
	_ =	sdelay $0x1  }
0x217: {  	s4 =	sadd.s32 s12, s4  }
0x218: {  	s4 =	sshrl.u32 s4, $0x3  }
0x219: {  	s18 =	simm.s32 $0x0;
	s15 =	sadd.s32 s3, s4  }
0x21a: {  	[hbm4b:s15+s18] =	stream.linear.scatter [tilespmem:s25], [sflag:$0x4], $0x1900, $0x38;
	[tilespmem:$0x1EB00] =	vst v63  }
0x21b: {  	_ =	swait.ge [sflag:s7], $0x1900  }
0x21c: {  	[sflag:s7] =	ssyncset.done $0x0  }
0x21d: {  	s20 =	simm.s32 $0x1A040;
	[sflag:s7] =	ssyncadd.s32 $0xFFFFE700  }
.LBB2_36:
0x21e: {  	v1 =	vld [tilespmem:s20+$0xFFFFFFC0];
	_ =	sdelay $0x7  }
0x21f: {  	v2 =	vadd.s32 s18, v0;
	v1 =	vld.idx.msk [tilespmem:v1+s17+$0x0], $0xffff;
	_ =	sdelay $0x4  }
0x220: {  	[tilespmem:v2+s0+$0x0] =	vst.idx.msk $0xffff, v1  }
0x221: {  	v1 =	vld [tilespmem:s20+$0xFFFFFFD0];
	_ =	sdelay $0x6  }
0x222: {  	s15 =	sadd.s32 $0x1, s18  }
0x223: {  	v2 =	vadd.s32 s15, v0;
	v1 =	vld.idx.msk [tilespmem:v1+s17+$0x0], $0xffff;
	_ =	sdelay $0x4  }
0x224: {  	[tilespmem:v2+s0+$0x0] =	vst.idx.msk $0xffff, v1  }
0x225: {  	v1 =	vld [tilespmem:s20+$0xFFFFFFE0];
	_ =	sdelay $0x6  }
0x226: {  	s15 =	sadd.s32 $0x2, s18  }
0x227: {  	v2 =	vadd.s32 s15, v0;
	v1 =	vld.idx.msk [tilespmem:v1+s17+$0x0], $0xffff;
	_ =	sdelay $0x4  }
0x228: {  	[tilespmem:v2+s0+$0x0] =	vst.idx.msk $0xffff, v1  }
0x229: {  	v1 =	vld [tilespmem:s20+$0xFFFFFFF0];
	_ =	sdelay $0x6  }
0x22a: {  	s15 =	sadd.s32 $0x3, s18  }
0x22b: {  	v2 =	vadd.s32 s15, v0;
	v1 =	vld.idx.msk [tilespmem:v1+s17+$0x0], $0xffff;
	_ =	sdelay $0x4  }
0x22c: {  	[tilespmem:v2+s0+$0x0] =	vst.idx.msk $0xffff, v1  }
0x22d: {  	v1 =	vld [tilespmem:s20+$0x0];
	_ =	sdelay $0x6  }
0x22e: {  	s15 =	sadd.s32 $0x4, s18  }
0x22f: {  	v2 =	vadd.s32 s15, v0;
	v1 =	vld.idx.msk [tilespmem:v1+s17+$0x0], $0xffff;
	_ =	sdelay $0x4  }
0x230: {  	[tilespmem:v2+s0+$0x0] =	vst.idx.msk $0xffff, v1  }
0x231: {  	v1 =	vld [tilespmem:s20+$0x10];
	_ =	sdelay $0x6  }
0x232: {  	s15 =	sadd.s32 $0x5, s18  }
0x233: {  	v2 =	vadd.s32 s15, v0;
	v1 =	vld.idx.msk [tilespmem:v1+s17+$0x0], $0xffff;
	_ =	sdelay $0x4  }
0x234: {  	[tilespmem:v2+s0+$0x0] =	vst.idx.msk $0xffff, v1  }
0x235: {  	v1 =	vld [tilespmem:s20+$0x20];
	_ =	sdelay $0x6  }
0x236: {  	s15 =	sadd.s32 $0x6, s18  }
0x237: {  	v2 =	vadd.s32 s15, v0;
	v1 =	vld.idx.msk [tilespmem:v1+s17+$0x0], $0xffff;
	_ =	sdelay $0x4  }
0x238: {  	[tilespmem:v2+s0+$0x0] =	vst.idx.msk $0xffff, v1  }
0x239: {  	v1 =	vld [tilespmem:s20+$0x30];
	_ =	sdelay $0x6  }
0x23a: {  	s15 =	sadd.s32 $0x7, s18  }
0x23b: {  	p2 =	slt.u32 s18, $0x188;
	v2 =	vadd.s32 s15, v0;
	v1 =	vld.idx.msk [tilespmem:v1+s17+$0x0], $0xffff  }
.Ltmp25:
0x23c: {  	_ = 	snop;
	(pc) =	sbr.rel @p2 .LBB2_36-.Ltmp25, $2  }
0x23d: {  	_ =	sdelay $0x2  }
0x23e: {  	s18 =	sadd.s32 $0x8, s18;
	s20 =	sadd.s32 $0x80, s20;
	[tilespmem:v2+s0+$0x0] =	vst.idx.msk $0xffff, v1  }
0x23f: {  	s15 =	sadd.s32 $0x3, s26  }
0x240: {  	s4 =	sadd.s32 s5, s4;
	p2 =	sge.u32 s15, s24  }
0x241: {  	[hbm4b:s4+s16] =	stream.linear.scatter [tilespmem:s0], [sflag:$0x5], $0x1900, $0x38;
	[tilespmem:$0x1EB00] =	vst v63  }
0x242: {  	s15 =	smul.u32 @!p2 $0x1900, s15  }
.Ltmp26:
0x243: {  	_ = 	snop;
	(pc) =	sbr.rel .LBB2_38-.Ltmp26, $4  }
0x244: {  	s4 =	sadd.s32 @!p2 s11, s15  }
0x245: {  	s4 =	sshrl.u32 @!p2 s4, $0x3  }
0x246: {  	s18 =	simm.s32 @!p2 $0x1A000;
	s15 =	simm.s32 @!p2 $0x0;
	s4 =	sadd.s32 @!p2 s1, s4  }
0x247: {  	[tilespmem:s18], [sflag:$0x3] =	stream.linear.gather @!p2 [hbm4b:s4+s15], $0x1900, $0x38;
	[tilespmem:$0x1EB00] =	vst v63  }
.LBB2_39:
0x248: {  	_ =	swait.ge [sflag:s31], $0x1900  }
0x249: {  	[sflag:s31] =	ssyncset.done $0x0  }
0x24a: {  	[sflag:s31] =	ssyncadd.s32 $0xFFFFE700  }
0x24b: {  	_ =	swait.ge [sflag:s7], $0x1900  }
0x24c: {  	[sflag:s7] =	ssyncset.done $0x0  }
0x24d: {  	s4 =	simm.s32 @!p1 $0x0;
	s15 =	rddreg [dreg:$0x9];
	[sflag:s7] =	ssyncadd.s32 $0xFFFFE700  }
0x24e: {  	[tilespmem:s4], [sflag:$0x6] =	stream.linear.gather @!p1 [hbm4b:s15+s4], $0xC350, $0x38;
	[tilespmem:$0x1EB00] =	vst v63  }
0x24f: {  	s15 =	simm.s32 @!p1 $0x6  }
0x250: {  	_ =	swait.ge @!p1 [sflag:s15], $0xC350  }
0x251: {  	[sflag:s15] =	ssyncset.done @!p1 $0x0  }
0x252: {  	s18 =	simm.s32 @!p1 $0xC380;
	s20 =	rddreg [dreg:$0x10];
	[sflag:s15] =	ssyncadd.s32 @!p1 $0xFFFF3CB0  }
0x253: {  	[tilespmem:s18], [sflag:$0x6] =	stream.linear.gather @!p1 [hbm4b:s20+s4], $0xC350, $0x38;
	[tilespmem:$0x1EB00] =	vst v63  }
0x254: {  	_ =	swait.ge @!p1 [sflag:s15], $0xC350  }
.Ltmp27:
0x255: {  	[sflag:s15] =	ssyncset.done @!p1 $0x0;
	(pc) =	sbr.rel .LBB2_40-.Ltmp27, $4  }
0x256: {  	s23 =	simm.s32 $0x0;
	s18 =	rddreg [dreg:$0x11];
	[sflag:s15] =	ssyncadd.s32 @!p1 $0xFFFF3CB0  }
0x257: {  	[tilespmem:s30], [sflag:$0x2] =	stream.linear.gather [hbm4b:s18+s23], $0x1900, $0x38;
	[tilespmem:$0x1EB00] =	vst v63  }
0x258: {  	s26 =	simm.s32 $0x1A000;
	s20 =	rddreg [dreg:$0x15]  }
0x259: {  	[tilespmem:s26], [sflag:$0x3] =	stream.linear.gather [hbm4b:s20+s23], $0x1900, $0x38;
	[tilespmem:$0x1EB00] =	vst v63  }
.LBB2_52:
0x25a: {  	s23 =	sadd.s32 $0x1, s23  }
0x25b: {  	p2 =	sne.s32 s23, $0x8  }
.Ltmp28:
0x25c: {  	_ = 	snop;
	(pc) =	sbr.rel @!p2 .LBB2_53-.Ltmp28, $1  }
0x25d: {  	_ =	sdelay $0x3  }
.LBB2_40:
0x25e: {  	s26 =	sshll.u32 s23, $0x1  }
0x25f: {  	p2 =	sge.u32 s26, s28  }
.Ltmp29:
0x260: {  	_ = 	snop;
	(pc) =	sbr.rel @p2 .LBB2_46-.Ltmp29, $1  }
0x261: {  	_ =	sdelay $0x3  }
0x262: {  	_ =	swait.ge [sflag:s21], $0x1900  }
0x263: {  	p2 =	seq.s32 s23, $0x0;
	[sflag:s21] =	ssyncset.done $0x0  }
0x264: {  	s15 =	simm.s32 @!p2 $0x4;
	[sflag:s21] =	ssyncadd.s32 $0xFFFFE700  }
0x265: {  	_ =	swait.ge @!p2 [sflag:s15], $0x1900  }
0x266: {  	s4 =	smul.u32 $0x3200, s23;
	[sflag:s15] =	ssyncset.done @!p2 $0x0  }
0x267: {  	s18 =	simm.s32 $0x0;
	s20 =	simm.s32 $0x18740;
	[sflag:s15] =	ssyncadd.s32 @!p2 $0xFFFFE700  }
.LBB2_42:
0x268: {  	v1 =	vld [tilespmem:s20+$0xFFFFFFC0];
	_ =	sdelay $0x7  }
0x269: {  	v2 =	vadd.s32 s18, v0;
	v1 =	vld.idx.msk [tilespmem:v1+s16+$0x0], $0xffff;
	_ =	sdelay $0x4  }
0x26a: {  	[tilespmem:v2+s25+$0x0] =	vst.idx.msk $0xffff, v1  }
0x26b: {  	v1 =	vld [tilespmem:s20+$0xFFFFFFD0];
	_ =	sdelay $0x6  }
0x26c: {  	s15 =	sadd.s32 $0x1, s18  }
0x26d: {  	v2 =	vadd.s32 s15, v0;
	v1 =	vld.idx.msk [tilespmem:v1+s16+$0x0], $0xffff;
	_ =	sdelay $0x4  }
0x26e: {  	[tilespmem:v2+s25+$0x0] =	vst.idx.msk $0xffff, v1  }
0x26f: {  	v1 =	vld [tilespmem:s20+$0xFFFFFFE0];
	_ =	sdelay $0x6  }
0x270: {  	s15 =	sadd.s32 $0x2, s18  }
0x271: {  	v2 =	vadd.s32 s15, v0;
	v1 =	vld.idx.msk [tilespmem:v1+s16+$0x0], $0xffff;
	_ =	sdelay $0x4  }
0x272: {  	[tilespmem:v2+s25+$0x0] =	vst.idx.msk $0xffff, v1  }
0x273: {  	v1 =	vld [tilespmem:s20+$0xFFFFFFF0];
	_ =	sdelay $0x6  }
0x274: {  	s15 =	sadd.s32 $0x3, s18  }
0x275: {  	v2 =	vadd.s32 s15, v0;
	v1 =	vld.idx.msk [tilespmem:v1+s16+$0x0], $0xffff;
	_ =	sdelay $0x4  }
0x276: {  	[tilespmem:v2+s25+$0x0] =	vst.idx.msk $0xffff, v1  }
0x277: {  	v1 =	vld [tilespmem:s20+$0x0];
	_ =	sdelay $0x6  }
0x278: {  	s15 =	sadd.s32 $0x4, s18  }
0x279: {  	v2 =	vadd.s32 s15, v0;
	v1 =	vld.idx.msk [tilespmem:v1+s16+$0x0], $0xffff;
	_ =	sdelay $0x4  }
0x27a: {  	[tilespmem:v2+s25+$0x0] =	vst.idx.msk $0xffff, v1  }
0x27b: {  	v1 =	vld [tilespmem:s20+$0x10];
	_ =	sdelay $0x6  }
0x27c: {  	s15 =	sadd.s32 $0x5, s18  }
0x27d: {  	v2 =	vadd.s32 s15, v0;
	v1 =	vld.idx.msk [tilespmem:v1+s16+$0x0], $0xffff;
	_ =	sdelay $0x4  }
0x27e: {  	[tilespmem:v2+s25+$0x0] =	vst.idx.msk $0xffff, v1  }
0x27f: {  	v1 =	vld [tilespmem:s20+$0x20];
	_ =	sdelay $0x6  }
0x280: {  	s15 =	sadd.s32 $0x6, s18  }
0x281: {  	v2 =	vadd.s32 s15, v0;
	v1 =	vld.idx.msk [tilespmem:v1+s16+$0x0], $0xffff;
	_ =	sdelay $0x4  }
0x282: {  	[tilespmem:v2+s25+$0x0] =	vst.idx.msk $0xffff, v1  }
0x283: {  	v1 =	vld [tilespmem:s20+$0x30];
	_ =	sdelay $0x6  }
0x284: {  	s15 =	sadd.s32 $0x7, s18  }
0x285: {  	p3 =	slt.u32 s18, $0x188;
	v2 =	vadd.s32 s15, v0;
	v1 =	vld.idx.msk [tilespmem:v1+s16+$0x0], $0xffff  }
.Ltmp30:
0x286: {  	_ = 	snop;
	(pc) =	sbr.rel @p3 .LBB2_42-.Ltmp30, $2  }
0x287: {  	_ =	sdelay $0x2  }
0x288: {  	s18 =	sadd.s32 $0x8, s18;
	s20 =	sadd.s32 $0x80, s20;
	[tilespmem:v2+s25+$0x0] =	vst.idx.msk $0xffff, v1  }
0x289: {  	s4 =	sadd.s32 s14, s4  }
0x28a: {  	s4 =	sshrl.u32 s4, $0x3  }
0x28b: {  	s15 =	sadd.s32 s3, s4  }
0x28c: {  	[hbm4b:s15+s16] =	stream.linear.scatter [tilespmem:s25], [sflag:$0x4], $0x1900, $0x38;
	[tilespmem:$0x1EB00] =	vst v63  }
0x28d: {  	s15 =	simm.s32 @!p2 $0x5  }
0x28e: {  	_ =	swait.ge @!p2 [sflag:s15], $0x1900  }
0x28f: {  	[sflag:s15] =	ssyncset.done @!p2 $0x0  }
0x290: {  	s18 =	simm.s32 $0x0;
	s20 =	simm.s32 $0x18740;
	[sflag:s15] =	ssyncadd.s32 @!p2 $0xFFFFE700  }
.LBB2_44:
0x291: {  	v1 =	vld [tilespmem:s20+$0xFFFFFFC0];
	_ =	sdelay $0x7  }
0x292: {  	v2 =	vadd.s32 s18, v0;
	v1 =	vld.idx.msk [tilespmem:v1+s17+$0x0], $0xffff;
	_ =	sdelay $0x4  }
0x293: {  	[tilespmem:v2+s0+$0x0] =	vst.idx.msk $0xffff, v1  }
0x294: {  	v1 =	vld [tilespmem:s20+$0xFFFFFFD0];
	_ =	sdelay $0x6  }
0x295: {  	s15 =	sadd.s32 $0x1, s18  }
0x296: {  	v2 =	vadd.s32 s15, v0;
	v1 =	vld.idx.msk [tilespmem:v1+s17+$0x0], $0xffff;
	_ =	sdelay $0x4  }
0x297: {  	[tilespmem:v2+s0+$0x0] =	vst.idx.msk $0xffff, v1  }
0x298: {  	v1 =	vld [tilespmem:s20+$0xFFFFFFE0];
	_ =	sdelay $0x6  }
0x299: {  	s15 =	sadd.s32 $0x2, s18  }
0x29a: {  	v2 =	vadd.s32 s15, v0;
	v1 =	vld.idx.msk [tilespmem:v1+s17+$0x0], $0xffff;
	_ =	sdelay $0x4  }
0x29b: {  	[tilespmem:v2+s0+$0x0] =	vst.idx.msk $0xffff, v1  }
0x29c: {  	v1 =	vld [tilespmem:s20+$0xFFFFFFF0];
	_ =	sdelay $0x6  }
0x29d: {  	s15 =	sadd.s32 $0x3, s18  }
0x29e: {  	v2 =	vadd.s32 s15, v0;
	v1 =	vld.idx.msk [tilespmem:v1+s17+$0x0], $0xffff;
	_ =	sdelay $0x4  }
0x29f: {  	[tilespmem:v2+s0+$0x0] =	vst.idx.msk $0xffff, v1  }
0x2a0: {  	v1 =	vld [tilespmem:s20+$0x0];
	_ =	sdelay $0x6  }
0x2a1: {  	s15 =	sadd.s32 $0x4, s18  }
0x2a2: {  	v2 =	vadd.s32 s15, v0;
	v1 =	vld.idx.msk [tilespmem:v1+s17+$0x0], $0xffff;
	_ =	sdelay $0x4  }
0x2a3: {  	[tilespmem:v2+s0+$0x0] =	vst.idx.msk $0xffff, v1  }
0x2a4: {  	v1 =	vld [tilespmem:s20+$0x10];
	_ =	sdelay $0x6  }
0x2a5: {  	s15 =	sadd.s32 $0x5, s18  }
0x2a6: {  	v2 =	vadd.s32 s15, v0;
	v1 =	vld.idx.msk [tilespmem:v1+s17+$0x0], $0xffff;
	_ =	sdelay $0x4  }
0x2a7: {  	[tilespmem:v2+s0+$0x0] =	vst.idx.msk $0xffff, v1  }
0x2a8: {  	v1 =	vld [tilespmem:s20+$0x20];
	_ =	sdelay $0x6  }
0x2a9: {  	s15 =	sadd.s32 $0x6, s18  }
0x2aa: {  	v2 =	vadd.s32 s15, v0;
	v1 =	vld.idx.msk [tilespmem:v1+s17+$0x0], $0xffff;
	_ =	sdelay $0x4  }
0x2ab: {  	[tilespmem:v2+s0+$0x0] =	vst.idx.msk $0xffff, v1  }
0x2ac: {  	v1 =	vld [tilespmem:s20+$0x30];
	_ =	sdelay $0x6  }
0x2ad: {  	s15 =	sadd.s32 $0x7, s18  }
0x2ae: {  	p2 =	slt.u32 s18, $0x188;
	v2 =	vadd.s32 s15, v0;
	v1 =	vld.idx.msk [tilespmem:v1+s17+$0x0], $0xffff  }
.Ltmp31:
0x2af: {  	_ = 	snop;
	(pc) =	sbr.rel @p2 .LBB2_44-.Ltmp31, $2  }
0x2b0: {  	_ =	sdelay $0x2  }
0x2b1: {  	s18 =	sadd.s32 $0x8, s18;
	s20 =	sadd.s32 $0x80, s20;
	[tilespmem:v2+s0+$0x0] =	vst.idx.msk $0xffff, v1  }
0x2b2: {  	s15 =	sadd.s32 $0x2, s26  }
0x2b3: {  	p2 =	sge.u32 s15, s28  }
0x2b4: {  	s4 =	sadd.s32 s5, s4;
	s15 =	smul.u32 @!p2 $0x1900, s15  }
0x2b5: {  	[hbm4b:s4+s16] =	stream.linear.scatter [tilespmem:s0], [sflag:$0x5], $0x1900, $0x38;
	[tilespmem:$0x1EB00] =	vst v63  }
0x2b6: {  	s4 =	sadd.s32 @!p2 s13, s15  }
0x2b7: {  	s4 =	sshrl.u32 @!p2 s4, $0x3  }
0x2b8: {  	s18 =	simm.s32 @!p2 $0x18700;
	s15 =	simm.s32 @!p2 $0x0;
	s4 =	sadd.s32 @!p2 s1, s4  }
0x2b9: {  	[tilespmem:s18], [sflag:$0x2] =	stream.linear.gather @!p2 [hbm4b:s4+s15], $0x1900, $0x38;
	[tilespmem:$0x1EB00] =	vst v63  }
.LBB2_46:
0x2ba: {  	s4 =	sor.u32 $0x1, s26  }
0x2bb: {  	p2 =	sge.u32 s4, s28  }
.Ltmp32:
0x2bc: {  	_ = 	snop;
	(pc) =	sbr.rel @p2 .LBB2_52-.Ltmp32, $1  }
0x2bd: {  	_ =	sdelay $0x3  }
0x2be: {  	_ =	swait.ge [sflag:s29], $0x1900  }
0x2bf: {  	[sflag:s29] =	ssyncset.done $0x0  }
0x2c0: {  	[sflag:s29] =	ssyncadd.s32 $0xFFFFE700  }
0x2c1: {  	_ =	swait.ge [sflag:s31], $0x1900  }
0x2c2: {  	[sflag:s31] =	ssyncset.done $0x0  }
0x2c3: {  	s18 =	simm.s32 $0x0;
	s20 =	simm.s32 $0x1A040;
	[sflag:s31] =	ssyncadd.s32 $0xFFFFE700  }
.LBB2_48:
0x2c4: {  	v1 =	vld [tilespmem:s20+$0xFFFFFFC0];
	_ =	sdelay $0x7  }
0x2c5: {  	v2 =	vadd.s32 s18, v0;
	v1 =	vld.idx.msk [tilespmem:v1+s16+$0x0], $0xffff;
	_ =	sdelay $0x4  }
0x2c6: {  	[tilespmem:v2+s25+$0x0] =	vst.idx.msk $0xffff, v1  }
0x2c7: {  	v1 =	vld [tilespmem:s20+$0xFFFFFFD0];
	_ =	sdelay $0x6  }
0x2c8: {  	s15 =	sadd.s32 $0x1, s18  }
0x2c9: {  	v2 =	vadd.s32 s15, v0;
	v1 =	vld.idx.msk [tilespmem:v1+s16+$0x0], $0xffff;
	_ =	sdelay $0x4  }
0x2ca: {  	[tilespmem:v2+s25+$0x0] =	vst.idx.msk $0xffff, v1  }
0x2cb: {  	v1 =	vld [tilespmem:s20+$0xFFFFFFE0];
	_ =	sdelay $0x6  }
0x2cc: {  	s15 =	sadd.s32 $0x2, s18  }
0x2cd: {  	v2 =	vadd.s32 s15, v0;
	v1 =	vld.idx.msk [tilespmem:v1+s16+$0x0], $0xffff;
	_ =	sdelay $0x4  }
0x2ce: {  	[tilespmem:v2+s25+$0x0] =	vst.idx.msk $0xffff, v1  }
0x2cf: {  	v1 =	vld [tilespmem:s20+$0xFFFFFFF0];
	_ =	sdelay $0x6  }
0x2d0: {  	s15 =	sadd.s32 $0x3, s18  }
0x2d1: {  	v2 =	vadd.s32 s15, v0;
	v1 =	vld.idx.msk [tilespmem:v1+s16+$0x0], $0xffff;
	_ =	sdelay $0x4  }
0x2d2: {  	[tilespmem:v2+s25+$0x0] =	vst.idx.msk $0xffff, v1  }
0x2d3: {  	v1 =	vld [tilespmem:s20+$0x0];
	_ =	sdelay $0x6  }
0x2d4: {  	s15 =	sadd.s32 $0x4, s18  }
0x2d5: {  	v2 =	vadd.s32 s15, v0;
	v1 =	vld.idx.msk [tilespmem:v1+s16+$0x0], $0xffff;
	_ =	sdelay $0x4  }
0x2d6: {  	[tilespmem:v2+s25+$0x0] =	vst.idx.msk $0xffff, v1  }
0x2d7: {  	v1 =	vld [tilespmem:s20+$0x10];
	_ =	sdelay $0x6  }
0x2d8: {  	s15 =	sadd.s32 $0x5, s18  }
0x2d9: {  	v2 =	vadd.s32 s15, v0;
	v1 =	vld.idx.msk [tilespmem:v1+s16+$0x0], $0xffff;
	_ =	sdelay $0x4  }
0x2da: {  	[tilespmem:v2+s25+$0x0] =	vst.idx.msk $0xffff, v1  }
0x2db: {  	v1 =	vld [tilespmem:s20+$0x20];
	_ =	sdelay $0x6  }
0x2dc: {  	s15 =	sadd.s32 $0x6, s18  }
0x2dd: {  	v2 =	vadd.s32 s15, v0;
	v1 =	vld.idx.msk [tilespmem:v1+s16+$0x0], $0xffff;
	_ =	sdelay $0x4  }
0x2de: {  	[tilespmem:v2+s25+$0x0] =	vst.idx.msk $0xffff, v1  }
0x2df: {  	v1 =	vld [tilespmem:s20+$0x30];
	_ =	sdelay $0x6  }
0x2e0: {  	s15 =	sadd.s32 $0x7, s18  }
0x2e1: {  	p2 =	slt.u32 s18, $0x188;
	v2 =	vadd.s32 s15, v0;
	v1 =	vld.idx.msk [tilespmem:v1+s16+$0x0], $0xffff  }
.Ltmp33:
0x2e2: {  	_ = 	snop;
	(pc) =	sbr.rel @p2 .LBB2_48-.Ltmp33, $2  }
0x2e3: {  	_ =	sdelay $0x2  }
0x2e4: {  	s18 =	sadd.s32 $0x8, s18;
	s20 =	sadd.s32 $0x80, s20;
	[tilespmem:v2+s25+$0x0] =	vst.idx.msk $0xffff, v1  }
0x2e5: {  	s4 =	smul.u32 $0x1900, s4;
	_ =	sdelay $0x1  }
0x2e6: {  	s4 =	sadd.s32 s14, s4  }
0x2e7: {  	s4 =	sshrl.u32 s4, $0x3  }
0x2e8: {  	s18 =	simm.s32 $0x0;
	s15 =	sadd.s32 s3, s4  }
0x2e9: {  	[hbm4b:s15+s18] =	stream.linear.scatter [tilespmem:s25], [sflag:$0x4], $0x1900, $0x38;
	[tilespmem:$0x1EB00] =	vst v63  }
0x2ea: {  	_ =	swait.ge [sflag:s7], $0x1900  }
0x2eb: {  	[sflag:s7] =	ssyncset.done $0x0  }
0x2ec: {  	s20 =	simm.s32 $0x1A040;
	[sflag:s7] =	ssyncadd.s32 $0xFFFFE700  }
.LBB2_50:
0x2ed: {  	v1 =	vld [tilespmem:s20+$0xFFFFFFC0];
	_ =	sdelay $0x7  }
0x2ee: {  	v2 =	vadd.s32 s18, v0;
	v1 =	vld.idx.msk [tilespmem:v1+s17+$0x0], $0xffff;
	_ =	sdelay $0x4  }
0x2ef: {  	[tilespmem:v2+s0+$0x0] =	vst.idx.msk $0xffff, v1  }
0x2f0: {  	v1 =	vld [tilespmem:s20+$0xFFFFFFD0];
	_ =	sdelay $0x6  }
0x2f1: {  	s15 =	sadd.s32 $0x1, s18  }
0x2f2: {  	v2 =	vadd.s32 s15, v0;
	v1 =	vld.idx.msk [tilespmem:v1+s17+$0x0], $0xffff;
	_ =	sdelay $0x4  }
0x2f3: {  	[tilespmem:v2+s0+$0x0] =	vst.idx.msk $0xffff, v1  }
0x2f4: {  	v1 =	vld [tilespmem:s20+$0xFFFFFFE0];
	_ =	sdelay $0x6  }
0x2f5: {  	s15 =	sadd.s32 $0x2, s18  }
0x2f6: {  	v2 =	vadd.s32 s15, v0;
	v1 =	vld.idx.msk [tilespmem:v1+s17+$0x0], $0xffff;
	_ =	sdelay $0x4  }
0x2f7: {  	[tilespmem:v2+s0+$0x0] =	vst.idx.msk $0xffff, v1  }
0x2f8: {  	v1 =	vld [tilespmem:s20+$0xFFFFFFF0];
	_ =	sdelay $0x6  }
0x2f9: {  	s15 =	sadd.s32 $0x3, s18  }
0x2fa: {  	v2 =	vadd.s32 s15, v0;
	v1 =	vld.idx.msk [tilespmem:v1+s17+$0x0], $0xffff;
	_ =	sdelay $0x4  }
0x2fb: {  	[tilespmem:v2+s0+$0x0] =	vst.idx.msk $0xffff, v1  }
0x2fc: {  	v1 =	vld [tilespmem:s20+$0x0];
	_ =	sdelay $0x6  }
0x2fd: {  	s15 =	sadd.s32 $0x4, s18  }
0x2fe: {  	v2 =	vadd.s32 s15, v0;
	v1 =	vld.idx.msk [tilespmem:v1+s17+$0x0], $0xffff;
	_ =	sdelay $0x4  }
0x2ff: {  	[tilespmem:v2+s0+$0x0] =	vst.idx.msk $0xffff, v1  }
0x300: {  	v1 =	vld [tilespmem:s20+$0x10];
	_ =	sdelay $0x6  }
0x301: {  	s15 =	sadd.s32 $0x5, s18  }
0x302: {  	v2 =	vadd.s32 s15, v0;
	v1 =	vld.idx.msk [tilespmem:v1+s17+$0x0], $0xffff;
	_ =	sdelay $0x4  }
0x303: {  	[tilespmem:v2+s0+$0x0] =	vst.idx.msk $0xffff, v1  }
0x304: {  	v1 =	vld [tilespmem:s20+$0x20];
	_ =	sdelay $0x6  }
0x305: {  	s15 =	sadd.s32 $0x6, s18  }
0x306: {  	v2 =	vadd.s32 s15, v0;
	v1 =	vld.idx.msk [tilespmem:v1+s17+$0x0], $0xffff;
	_ =	sdelay $0x4  }
0x307: {  	[tilespmem:v2+s0+$0x0] =	vst.idx.msk $0xffff, v1  }
0x308: {  	v1 =	vld [tilespmem:s20+$0x30];
	_ =	sdelay $0x6  }
0x309: {  	s15 =	sadd.s32 $0x7, s18  }
0x30a: {  	p2 =	slt.u32 s18, $0x188;
	v2 =	vadd.s32 s15, v0;
	v1 =	vld.idx.msk [tilespmem:v1+s17+$0x0], $0xffff  }
.Ltmp34:
0x30b: {  	_ = 	snop;
	(pc) =	sbr.rel @p2 .LBB2_50-.Ltmp34, $2  }
0x30c: {  	_ =	sdelay $0x2  }
0x30d: {  	s18 =	sadd.s32 $0x8, s18;
	s20 =	sadd.s32 $0x80, s20;
	[tilespmem:v2+s0+$0x0] =	vst.idx.msk $0xffff, v1  }
0x30e: {  	s15 =	sadd.s32 $0x3, s26  }
0x30f: {  	s4 =	sadd.s32 s5, s4;
	p2 =	sge.u32 s15, s28  }
0x310: {  	[hbm4b:s4+s16] =	stream.linear.scatter [tilespmem:s0], [sflag:$0x5], $0x1900, $0x38;
	[tilespmem:$0x1EB00] =	vst v63  }
0x311: {  	s15 =	smul.u32 @!p2 $0x1900, s15  }
.Ltmp35:
0x312: {  	_ = 	snop;
	(pc) =	sbr.rel .LBB2_52-.Ltmp35, $4  }
0x313: {  	s4 =	sadd.s32 @!p2 s13, s15  }
0x314: {  	s4 =	sshrl.u32 @!p2 s4, $0x3  }
0x315: {  	s18 =	simm.s32 @!p2 $0x1A000;
	s15 =	simm.s32 @!p2 $0x0;
	s4 =	sadd.s32 @!p2 s1, s4  }
0x316: {  	[tilespmem:s18], [sflag:$0x3] =	stream.linear.gather @!p2 [hbm4b:s4+s15], $0x1900, $0x38;
	[tilespmem:$0x1EB00] =	vst v63  }
.LBB2_54:
0x317: {  	_ =	sfence.sel $0x180000  }
0x318: {  	[bflag:$0x0] =	sbarrier.arrive $0xFFFF  }
0x319: {  	_ =	strace $0x90000047  }
0x31a: {  	s0 =	stileid.u32;
	[bflag:$0x2] =	sbarrier.arrive $0xFFFF  }
0x31b: {  	p0 =	sne.s32 s0, $0x0;
	s0 =	rddreg [dreg:$0x6]  }
0x31c: {  	s0 =	sadd.s32 @!p0 $0x100000, s0  }
0x31d: {  	[sflag:s0] =	ssyncadd.tile.s32 @!p0 $0x1;
	_ =	shalt  }
.Lfunc_end2:
_tile_overlayer_lowered:
.L_overlay_start_2:
0x31e: {  	(tag) =	ssettag $0x2  }
0x31f: {  	s0 =	rddreg [dreg:$0x0];
	s2 =	stileid.u32  }
0x320: {  	s1 =	rddreg [dreg:$0x1];
	p0 =	sne.s32 s2, $0x0  }
0x321: {  	s3 =	rddreg [dreg:$0x2];
	[bflag:$0x3] =	sbarrier.arrive $0xFFFF;
	s2 =	simm.s32 @!p0 $0x1C06  }
0x322: {  	[timem:s3], [sflag:s2] =	dma.local @!p0 [hbm:s0], s1  }
0x323: {  	s0 =	simm.s32 @!p0 $0x6  }
0x324: {  	_ =	swait.ge @!p0 [sflag:s0], s1  }
0x325: {  	s1 =	ssub.s32 @!p0 $0x0, s1;
	[sflag:s0] =	ssyncset.done @!p0 $0x0  }
0x326: {  	[sflag:s0] =	ssyncadd.s32 @!p0 s1  }
0x327: {  	[bflag:$0x3] =	sbarrier.arrive $0xFFFF  }
0x328: {  	_ =	shalt  }

</sc_bundles>
